<compile_context>
chip_gen: v7x
topology: tpu7x:2x2x1
jax: 0.10.2.dev20260603
libtpu: 0.0.44.dev20260713+nightly
codegen_flags: <defaults>
</compile_context>

<pallas_src>
import functools

import jax
import jax.numpy as jnp
from jax import lax
from jax.experimental import pallas as pl
from jax.experimental.pallas import tpu as pltpu
from jax.experimental.pallas import tpu_sc as plsc

_N = 10000
_E = 320000
_D = 128
_H = 16
_C = 64
_EPS = 1e-5

_NP = 10240
_PR = _NP * _H // 128
_NR = _N * _H // 128
_ROWS = _NP // 16
_NW = 32
_SUP = 2000
_NSUP = 5
_EW = _SUP * _NSUP

_SELU_ALPHA = 1.6732632423543772
_SELU_SCALE = 1.0507009873554805


def _sc_scatter_partials(h_pk, src_pk, dst_pk):
    mesh = plsc.VectorSubcoreMesh(core_axis_name="c", subcore_axis_name="s")

    @functools.partial(
        pl.kernel,
        out_type=jax.ShapeDtypeStruct((2, _NP, _H), jnp.float32),
        mesh=mesh,
        scratch_types=[
            pltpu.VMEM((_NSUP, _SUP), jnp.int32),
            pltpu.VMEM((_NSUP, _SUP), jnp.int32),
            pltpu.VMEM((2, _SUP, _H), jnp.float32),
            pltpu.VMEM((_ROWS, _H), jnp.float32),
            pltpu.VMEM_SHARED((_NP, _H), jnp.float32),
            pltpu.VMEM_SHARED((_NP, _H), jnp.float32),
            pltpu.SemaphoreType.DMA,
            pltpu.SemaphoreType.DMA,
        ],
        compiler_params=pltpu.CompilerParams(use_tc_tiling_on_sc=False),
    )
    def k(h_hbm, src_hbm, dst_hbm, out_hbm, src_v, dst_v, rows_v, zbuf,
          acc, tbl, gsem, ssem):
        c = lax.axis_index("c")
        s = lax.axis_index("s")
        wid = s * 2 + c
        row0 = s * _ROWS
        e0 = wid * _EW

        cps = [pltpu.async_copy(h_hbm.at[pl.ds(row0, _ROWS)],
                                tbl.at[pl.ds(row0, _ROWS)], gsem)]
        for j in range(_NSUP):
            cps.append(pltpu.async_copy(
                src_hbm.at[pl.ds(e0 + j * _SUP, _SUP)], src_v.at[j], gsem))
            cps.append(pltpu.async_copy(
                dst_hbm.at[pl.ds(e0 + j * _SUP, _SUP)], dst_v.at[j], gsem))

        def zrow(i, _):
            zbuf[i, :] = jnp.zeros((_H,), jnp.float32)
            return 0

        lax.fori_loop(0, _ROWS, zrow, 0)
        pltpu.sync_copy(zbuf, acc.at[pl.ds(row0, _ROWS)])
        for cp in cps:
            cp.wait()
        plsc.subcore_barrier()

        g0 = pltpu.async_copy(tbl.at[src_v.at[0]], rows_v.at[0], gsem)
        g0.wait()

        def body(j, _):
            slot = lax.rem(j, 2)
            nxt = lax.rem(j + 1, 2)

            @pl.when(j + 1 < _NSUP)
            def _():
                pltpu.async_copy(tbl.at[src_v.at[j + 1]], rows_v.at[nxt],
                                 gsem)

            pltpu.async_copy(rows_v.at[slot], acc.at[dst_v.at[j]], ssem,
                             add=True).wait()

            @pl.when(j + 1 < _NSUP)
            def _():
                pltpu.make_async_copy(tbl.at[src_v.at[j + 1]],
                                      rows_v.at[nxt], gsem).wait()
            return 0

        lax.fori_loop(0, _NSUP, body, 0)
        plsc.subcore_barrier()
        pltpu.sync_copy(acc.at[pl.ds(row0, _ROWS)],
                        out_hbm.at[c, pl.ds(row0, _ROWS)])

    out = k(h_pk.reshape(_NP, _H), src_pk.reshape(_E), dst_pk.reshape(_E))
    return out.reshape(2, _PR, 128)


def _tc_repack_edges(edge_index):
    def body(e_ref, s_ref, d_ref):
        s_ref[...] = e_ref[0].reshape(_E // 128, 128)
        d_ref[...] = e_ref[1].reshape(_E // 128, 128)

    return pl.pallas_call(
        body,
        out_shape=[jax.ShapeDtypeStruct((_E // 128, 128), jnp.int32),
                   jax.ShapeDtypeStruct((_E // 128, 128), jnp.int32)],
    )(edge_index)


def _tc_matmul1(x8, W1bd):
    def body(x_ref, w_ref, o_ref):
        o_ref[...] = jnp.dot(x_ref[...], w_ref[...],
                             preferred_element_type=jnp.float32)

    return pl.pallas_call(
        body,
        out_shape=jax.ShapeDtypeStruct((_PR, 128), jnp.float32),
        grid=(8,),
        in_specs=[pl.BlockSpec((_PR // 8, 1024), lambda i: (i, 0)),
                  pl.BlockSpec((1024, 128), lambda i: (0, 0))],
        out_specs=pl.BlockSpec((_PR // 8, 128), lambda i: (i, 0)),
    )(x8, W1bd)


def _tc_combine(h, p):
    def body(h_ref, p_ref, o_ref):
        o_ref[...] = h_ref[...] + p_ref[0] + p_ref[1]

    return pl.pallas_call(
        body,
        out_shape=jax.ShapeDtypeStruct((_PR, 128), jnp.float32),
        grid=(5,),
        in_specs=[pl.BlockSpec((_PR // 5, 128), lambda i: (i, 0)),
                  pl.BlockSpec((2, _PR // 5, 128), lambda i: (0, i, 0))],
        out_specs=pl.BlockSpec((_PR // 5, 128), lambda i: (i, 0)),
    )(h, p)


def _tc_bn_selu(h1, p2, b1t, gt, bt):
    def body(h_ref, p_ref, b_ref, g_ref, be_ref, o_ref):
        h2 = h_ref[...] + p_ref[0] + p_ref[1] + b_ref[...]
        rows = lax.broadcasted_iota(jnp.int32, (_PR, 128), 0)
        mask = rows < _NR
        lane = lax.broadcasted_iota(jnp.int32, (128, 128), 0)
        lane_t = lax.broadcasted_iota(jnp.int32, (128, 128), 1)
        fold = jnp.where((lane % _H) == (lane_t % _H), 1.0, 0.0)
        hm = jnp.where(mask, h2, 0.0)
        msum = jnp.sum(hm, axis=0, keepdims=True)
        mean = jnp.dot(msum, fold,
                       preferred_element_type=jnp.float32) / _N
        d = jnp.where(mask, h2 - mean, 0.0)
        vsum = jnp.sum(d * d, axis=0, keepdims=True)
        var = jnp.dot(vsum, fold,
                      preferred_element_type=jnp.float32) / _N
        z = (h2 - mean) * lax.rsqrt(var + _EPS) * g_ref[...] + be_ref[...]
        o_ref[...] = _SELU_SCALE * jnp.where(
            z > 0, z, _SELU_ALPHA * (jnp.exp(z) - 1.0))

    return pl.pallas_call(
        body,
        out_shape=jax.ShapeDtypeStruct((_PR, 128), jnp.float32),
        in_specs=[pl.BlockSpec((_PR, 128), lambda: (0, 0)),
                  pl.BlockSpec((2, _PR, 128), lambda: (0, 0, 0)),
                  pl.BlockSpec((1, 128), lambda: (0, 0)),
                  pl.BlockSpec((1, 128), lambda: (0, 0)),
                  pl.BlockSpec((1, 128), lambda: (0, 0))],
        out_specs=pl.BlockSpec((_PR, 128), lambda: (0, 0)),
    )(h1, p2, b1t, gt, bt)


def _tc_head(s, p3, W2e, b2t):
    blk = _PR // 2

    def body(s_ref, p_ref, w_ref, b_ref, o_ref):
        t = s_ref[...] + p_ref[0] + p_ref[1]
        z = jnp.dot(t, w_ref[...],
                    preferred_element_type=jnp.float32) + b_ref[...]
        m = z
        for k in (32, 16, 8, 4, 2, 1):
            m = jnp.maximum(m, pltpu.roll(m, 512 - k, 1))
        li = lax.broadcasted_iota(jnp.int32, (512, 512), 0)
        lj = lax.broadcasted_iota(jnp.int32, (512, 512), 1)
        gsum = jnp.where(li // _C == lj // _C, 1.0, 0.0)
        lane = lax.broadcasted_iota(jnp.int32, (blk, 512), 1)
        msk = jnp.where(lane % _C == 0, m, 0.0)
        mb = jnp.dot(msk, gsum, preferred_element_type=jnp.float32)
        e = jnp.exp(z - mb)
        ssum = jnp.dot(e, gsum, preferred_element_type=jnp.float32)
        o_ref[...] = z - mb - jnp.log(ssum)

    return pl.pallas_call(
        body,
        out_shape=jax.ShapeDtypeStruct((_PR, 8 * _C), jnp.float32),
        grid=(2,),
        in_specs=[pl.BlockSpec((blk, 128), lambda i: (i, 0)),
                  pl.BlockSpec((2, blk, 128), lambda i: (0, i, 0)),
                  pl.BlockSpec((128, 8 * _C), lambda i: (0, 0)),
                  pl.BlockSpec((1, 8 * _C), lambda i: (0, 0))],
        out_specs=pl.BlockSpec((blk, 8 * _C), lambda i: (i, 0)),
    )(s, p3, W2e, b2t)


@jax.jit
def kernel(x, edge_index, W1, b1, gamma, beta, W2, b2):
    src_pk, dst_pk = _tc_repack_edges(edge_index)
    x8 = jnp.pad(x, ((0, _NP - _N), (0, 0))).reshape(_PR, 8 * _D)
    W1bd = jnp.kron(jnp.eye(8, dtype=jnp.float32), W1)
    tile8 = lambda v: jnp.tile(v, 8).reshape(1, 128)
    h0 = _tc_matmul1(x8, W1bd)
    p1 = _sc_scatter_partials(h0, src_pk, dst_pk)
    h1 = _tc_combine(h0, p1)
    p2 = _sc_scatter_partials(h1, src_pk, dst_pk)
    s = _tc_bn_selu(h1, p2, tile8(b1), tile8(gamma), tile8(beta))
    p3 = _sc_scatter_partials(s, src_pk, dst_pk)
    W2e = jnp.kron(jnp.eye(8, dtype=jnp.float32), W2)
    b2t = jnp.tile(b2, 8).reshape(1, 8 * _C)
    return _tc_head(s, p3, W2e, b2t)[:_NR].reshape(_N, _C)

# --- scband reference (transcript-rebuilt; emitter-appended) ---
"""Pipeline reference for scband-node-classifier-37641093382234 (READ-ONLY COPY).

The authoritative reference and input builder live on the scoring server;
editing this copy changes nothing except your own understanding.
"""

import jax, jax.numpy as jnp
import numpy as np

N = 10000
E = 320000
D = 128
H = 16
C = 64
X_STEPS = 2
EPS = 1e-5


def setup_inputs(seed: int = 0) -> dict:
    key = jax.random.key(seed)
    ks = jax.random.split(key, 8)
    x = jax.random.normal(ks[0], (N, D), dtype=jnp.float32)
    edge_index = jax.random.randint(ks[1], (2, E), 0, N, dtype=jnp.int32)
    # learned parameters
    W1 = jax.random.normal(ks[2], (D, H), dtype=jnp.float32) * (1.0 / np.sqrt(D))
    b1 = jnp.zeros((H,), dtype=jnp.float32)
    gamma = jnp.ones((H,), dtype=jnp.float32)
    beta = jnp.zeros((H,), dtype=jnp.float32)
    W2 = jax.random.normal(ks[3], (H, C), dtype=jnp.float32) * (1.0 / np.sqrt(H))
    b2 = jnp.zeros((C,), dtype=jnp.float32)
    return {"x": x, "edge_index": edge_index, "W1": W1, "b1": b1,
            "gamma": gamma, "beta": beta, "W2": W2, "b2": b2}


def _propagate(h, src, dst):
    # matmul(adj_t_with_self_loops, h, reduce='add'):
    # out[dst] += h[src], plus diagonal (self-loop) contribution.
    agg = jnp.zeros_like(h).at[dst].add(h[src])
    return agg + h


def reference(x, edge_index, W1, b1, gamma, beta, W2, b2):
    src = edge_index[0]
    dst = edge_index[1]
    # conv1 (KProp, steps=X_STEPS, add_self_loops=True)
    h = x
    for _ in range(X_STEPS):
        h = _propagate(h, src, dst)
    h = h @ W1 + b1
    # BatchNorm over node dimension (training statistics)
    mean = jnp.mean(h, axis=0)
    var = jnp.var(h, axis=0)
    h = (h - mean) / jnp.sqrt(var + EPS) * gamma + beta
    # selu activation; dropout p=0.0 is identity
    h = jax.nn.selu(h)
    # conv2 (KProp, steps=1, add_self_loops=True)
    h = _propagate(h, src, dst)
    h = h @ W2 + b2
    return jax.nn.log_softmax(h, axis=1)

if __name__ == "__main__":
    import jax
    _d = setup_inputs()
    print(jax.jit(kernel)(*tuple(_d.values())))

</pallas_src>

<mosaic_0001>
#map = affine_map<(d0, d1) -> (0, 0)>
#map1 = affine_map<(d0, d1) -> (0)>
#map2 = affine_map<(d0, d1) -> (0, 0, 0)>
module attributes {stable_mosaic.version = 14 : i64} {
  func.func @k(%arg0: i32, %arg1: i32, %arg2: memref<10240x16xf32, #tpu.memory_space<hbm>>, %arg3: memref<320000xi32, #tpu.memory_space<hbm>>, %arg4: memref<320000xi32, #tpu.memory_space<hbm>>, %arg5: memref<2x10240x16xf32, #tpu.memory_space<hbm>>, %arg6: memref<5x2000xi32, #tpu.memory_space<vmem>>, %arg7: memref<5x2000xi32, #tpu.memory_space<vmem>>, %arg8: memref<2x2000x16xf32, #tpu.memory_space<vmem>>, %arg9: memref<640x16xf32, #tpu.memory_space<vmem>>, %arg10: memref<10240x16xf32, #tpu.memory_space<vmem_shared>>, %arg11: memref<10240x16xf32, #tpu.memory_space<vmem_shared>>, %arg12: memref<!tpu.dma_semaphore, #tpu.memory_space<semaphore_mem>>, %arg13: memref<!tpu.dma_semaphore, #tpu.memory_space<semaphore_mem>>) attributes {dimension_semantics = [#tpu.dimension_semantics<core_parallel>, #tpu.dimension_semantics<subcore_parallel>], iteration_bounds = array<i64: 2, 16>, scalar_prefetch = 0 : i64, scratch_operands = 8 : i64, tpu.core_type = #tpu.core_type<sc_vector_subcore>, window_params = [{transform_indices = #map}, {transform_indices = #map1}, {transform_indices = #map1}, {transform_indices = #map2}]} {
    %mul3A = arith.constant 2 : i32
    %mul3A_0 = arith.muli %arg1, %mul3A : i32
    %add3A = arith.addi %mul3A_0, %arg0 : i32
    %mul3A_1 = arith.constant 640 : i32
    %mul3A_2 = arith.muli %arg1, %mul3A_1 : i32
    %mul3A_3 = arith.constant 10000 : i32
    %mul3A_4 = arith.muli %add3A, %mul3A_3 : i32
    %dma_start3A = arith.constant 0 : i32
    %dma_start3A_5 = tpu.memref_slice %arg11[%mul3A_2, %dma_start3A] : memref<10240x16xf32, #tpu.memory_space<vmem_shared>> -> memref<640x16xf32, #tpu.memory_space<vmem_shared>>
    %dma_start3A_6 = arith.constant 0 : i32
    %dma_start3A_7 = tpu.memref_slice %arg2[%mul3A_2, %dma_start3A_6] : memref<10240x16xf32, #tpu.memory_space<hbm>> -> memref<640x16xf32, #tpu.memory_space<hbm>>
    tpu.enqueue_dma source(%dma_start3A_7 : memref<640x16xf32, #tpu.memory_space<hbm>>) target(%dma_start3A_5 : memref<640x16xf32, #tpu.memory_space<vmem_shared>>) target_semaphore(%arg12 : memref<!tpu.dma_semaphore, #tpu.memory_space<semaphore_mem>>)
    %add3A_8 = arith.constant 0 : i32
    %add3A_9 = arith.addi %mul3A_4, %add3A_8 : i32
    %dma_start3A_10 = arith.constant 0 : i32
    %dma_start3A_11 = arith.constant 0 : i32
    %dma_start3A_12 = tpu.memref_slice %arg6[%dma_start3A_10, %dma_start3A_11] : memref<5x2000xi32, #tpu.memory_space<vmem>> -> memref<1x2000xi32, #tpu.memory_space<vmem>>
    %dma_start3A_13 = tpu.memref_squeeze %dma_start3A_12 : memref<1x2000xi32, #tpu.memory_space<vmem>> -> memref<2000xi32, #tpu.memory_space<vmem>>
    %dma_start3A_14 = tpu.memref_slice %arg3[%add3A_9] : memref<320000xi32, #tpu.memory_space<hbm>> -> memref<2000xi32, #tpu.memory_space<hbm>>
    %dma_start3A_15 = arith.constant 0 : i32
    %dma_start3A_16 = tpu.memref_slice %arg6[%dma_start3A_10, %dma_start3A_15] : memref<5x2000xi32, #tpu.memory_space<vmem>> -> memref<1x2000xi32, #tpu.memory_space<vmem>>
    %dma_start3A_17 = tpu.memref_squeeze %dma_start3A_16 : memref<1x2000xi32, #tpu.memory_space<vmem>> -> memref<2000xi32, #tpu.memory_space<vmem>>
    %dma_start3A_18 = tpu.memref_slice %arg3[%add3A_9] : memref<320000xi32, #tpu.memory_space<hbm>> -> memref<2000xi32, #tpu.memory_space<hbm>>
    tpu.enqueue_dma source(%dma_start3A_18 : memref<2000xi32, #tpu.memory_space<hbm>>) target(%dma_start3A_17 : memref<2000xi32, #tpu.memory_space<vmem>>) target_semaphore(%arg12 : memref<!tpu.dma_semaphore, #tpu.memory_space<semaphore_mem>>)
    %add3A_19 = arith.constant 0 : i32
    %add3A_20 = arith.addi %mul3A_4, %add3A_19 : i32
    %dma_start3A_21 = arith.constant 0 : i32
    %dma_start3A_22 = arith.constant 0 : i32
    %dma_start3A_23 = tpu.memref_slice %arg7[%dma_start3A_21, %dma_start3A_22] : memref<5x2000xi32, #tpu.memory_space<vmem>> -> memref<1x2000xi32, #tpu.memory_space<vmem>>
    %dma_start3A_24 = tpu.memref_squeeze %dma_start3A_23 : memref<1x2000xi32, #tpu.memory_space<vmem>> -> memref<2000xi32, #tpu.memory_space<vmem>>
    %dma_start3A_25 = tpu.memref_slice %arg4[%add3A_20] : memref<320000xi32, #tpu.memory_space<hbm>> -> memref<2000xi32, #tpu.memory_space<hbm>>
    %dma_start3A_26 = arith.constant 0 : i32
    %dma_start3A_27 = tpu.memref_slice %arg7[%dma_start3A_21, %dma_start3A_26] : memref<5x2000xi32, #tpu.memory_space<vmem>> -> memref<1x2000xi32, #tpu.memory_space<vmem>>
    %dma_start3A_28 = tpu.memref_squeeze %dma_start3A_27 : memref<1x2000xi32, #tpu.memory_space<vmem>> -> memref<2000xi32, #tpu.memory_space<vmem>>
    %dma_start3A_29 = tpu.memref_slice %arg4[%add3A_20] : memref<320000xi32, #tpu.memory_space<hbm>> -> memref<2000xi32, #tpu.memory_space<hbm>>
    tpu.enqueue_dma source(%dma_start3A_29 : memref<2000xi32, #tpu.memory_space<hbm>>) target(%dma_start3A_28 : memref<2000xi32, #tpu.memory_space<vmem>>) target_semaphore(%arg12 : memref<!tpu.dma_semaphore, #tpu.memory_space<semaphore_mem>>)
    %add3A_30 = arith.constant 2000 : i32
    %add3A_31 = arith.addi %mul3A_4, %add3A_30 : i32
    %dma_start3A_32 = arith.constant 1 : i32
    %dma_start3A_33 = arith.constant 0 : i32
    %dma_start3A_34 = tpu.memref_slice %arg6[%dma_start3A_32, %dma_start3A_33] : memref<5x2000xi32, #tpu.memory_space<vmem>> -> memref<1x2000xi32, #tpu.memory_space<vmem>>
    %dma_start3A_35 = tpu.memref_squeeze %dma_start3A_34 : memref<1x2000xi32, #tpu.memory_space<vmem>> -> memref<2000xi32, #tpu.memory_space<vmem>>
    %dma_start3A_36 = tpu.memref_slice %arg3[%add3A_31] : memref<320000xi32, #tpu.memory_space<hbm>> -> memref<2000xi32, #tpu.memory_space<hbm>>
    %dma_start3A_37 = arith.constant 0 : i32
    %dma_start3A_38 = tpu.memref_slice %arg6[%dma_start3A_32, %dma_start3A_37] : memref<5x2000xi32, #tpu.memory_space<vmem>> -> memref<1x2000xi32, #tpu.memory_space<vmem>>
    %dma_start3A_39 = tpu.memref_squeeze %dma_start3A_38 : memref<1x2000xi32, #tpu.memory_space<vmem>> -> memref<2000xi32, #tpu.memory_space<vmem>>
    %dma_start3A_40 = tpu.memref_slice %arg3[%add3A_31] : memref<320000xi32, #tpu.memory_space<hbm>> -> memref<2000xi32, #tpu.memory_space<hbm>>
    tpu.enqueue_dma source(%dma_start3A_40 : memref<2000xi32, #tpu.memory_space<hbm>>) target(%dma_start3A_39 : memref<2000xi32, #tpu.memory_space<vmem>>) target_semaphore(%arg12 : memref<!tpu.dma_semaphore, #tpu.memory_space<semaphore_mem>>)
    %add3A_41 = arith.constant 2000 : i32
    %add3A_42 = arith.addi %mul3A_4, %add3A_41 : i32
    %dma_start3A_43 = arith.constant 1 : i32
    %dma_start3A_44 = arith.constant 0 : i32
    %dma_start3A_45 = tpu.memref_slice %arg7[%dma_start3A_43, %dma_start3A_44] : memref<5x2000xi32, #tpu.memory_space<vmem>> -> memref<1x2000xi32, #tpu.memory_space<vmem>>
    %dma_start3A_46 = tpu.memref_squeeze %dma_start3A_45 : memref<1x2000xi32, #tpu.memory_space<vmem>> -> memref<2000xi32, #tpu.memory_space<vmem>>
    %dma_start3A_47 = tpu.memref_slice %arg4[%add3A_42] : memref<320000xi32, #tpu.memory_space<hbm>> -> memref<2000xi32, #tpu.memory_space<hbm>>
    %dma_start3A_48 = arith.constant 0 : i32
    %dma_start3A_49 = tpu.memref_slice %arg7[%dma_start3A_43, %dma_start3A_48] : memref<5x2000xi32, #tpu.memory_space<vmem>> -> memref<1x2000xi32, #tpu.memory_space<vmem>>
    %dma_start3A_50 = tpu.memref_squeeze %dma_start3A_49 : memref<1x2000xi32, #tpu.memory_space<vmem>> -> memref<2000xi32, #tpu.memory_space<vmem>>
    %dma_start3A_51 = tpu.memref_slice %arg4[%add3A_42] : memref<320000xi32, #tpu.memory_space<hbm>> -> memref<2000xi32, #tpu.memory_space<hbm>>
    tpu.enqueue_dma source(%dma_start3A_51 : memref<2000xi32, #tpu.memory_space<hbm>>) target(%dma_start3A_50 : memref<2000xi32, #tpu.memory_space<vmem>>) target_semaphore(%arg12 : memref<!tpu.dma_semaphore, #tpu.memory_space<semaphore_mem>>)
    %add3A_52 = arith.constant 4000 : i32
    %add3A_53 = arith.addi %mul3A_4, %add3A_52 : i32
    %dma_start3A_54 = arith.constant 2 : i32
    %dma_start3A_55 = arith.constant 0 : i32
    %dma_start3A_56 = tpu.memref_slice %arg6[%dma_start3A_54, %dma_start3A_55] : memref<5x2000xi32, #tpu.memory_space<vmem>> -> memref<1x2000xi32, #tpu.memory_space<vmem>>
    %dma_start3A_57 = tpu.memref_squeeze %dma_start3A_56 : memref<1x2000xi32, #tpu.memory_space<vmem>> -> memref<2000xi32, #tpu.memory_space<vmem>>
    %dma_start3A_58 = tpu.memref_slice %arg3[%add3A_53] : memref<320000xi32, #tpu.memory_space<hbm>> -> memref<2000xi32, #tpu.memory_space<hbm>>
    %dma_start3A_59 = arith.constant 0 : i32
    %dma_start3A_60 = tpu.memref_slice %arg6[%dma_start3A_54, %dma_start3A_59] : memref<5x2000xi32, #tpu.memory_space<vmem>> -> memref<1x2000xi32, #tpu.memory_space<vmem>>
    %dma_start3A_61 = tpu.memref_squeeze %dma_start3A_60 : memref<1x2000xi32, #tpu.memory_space<vmem>> -> memref<2000xi32, #tpu.memory_space<vmem>>
    %dma_start3A_62 = tpu.memref_slice %arg3[%add3A_53] : memref<320000xi32, #tpu.memory_space<hbm>> -> memref<2000xi32, #tpu.memory_space<hbm>>
    tpu.enqueue_dma source(%dma_start3A_62 : memref<2000xi32, #tpu.memory_space<hbm>>) target(%dma_start3A_61 : memref<2000xi32, #tpu.memory_space<vmem>>) target_semaphore(%arg12 : memref<!tpu.dma_semaphore, #tpu.memory_space<semaphore_mem>>)
    %add3A_63 = arith.constant 4000 : i32
    %add3A_64 = arith.addi %mul3A_4, %add3A_63 : i32
    %dma_start3A_65 = arith.constant 2 : i32
    %dma_start3A_66 = arith.constant 0 : i32
    %dma_start3A_67 = tpu.memref_slice %arg7[%dma_start3A_65, %dma_start3A_66] : memref<5x2000xi32, #tpu.memory_space<vmem>> -> memref<1x2000xi32, #tpu.memory_space<vmem>>
    %dma_start3A_68 = tpu.memref_squeeze %dma_start3A_67 : memref<1x2000xi32, #tpu.memory_space<vmem>> -> memref<2000xi32, #tpu.memory_space<vmem>>
    %dma_start3A_69 = tpu.memref_slice %arg4[%add3A_64] : memref<320000xi32, #tpu.memory_space<hbm>> -> memref<2000xi32, #tpu.memory_space<hbm>>
    %dma_start3A_70 = arith.constant 0 : i32
    %dma_start3A_71 = tpu.memref_slice %arg7[%dma_start3A_65, %dma_start3A_70] : memref<5x2000xi32, #tpu.memory_space<vmem>> -> memref<1x2000xi32, #tpu.memory_space<vmem>>
    %dma_start3A_72 = tpu.memref_squeeze %dma_start3A_71 : memref<1x2000xi32, #tpu.memory_space<vmem>> -> memref<2000xi32, #tpu.memory_space<vmem>>
    %dma_start3A_73 = tpu.memref_slice %arg4[%add3A_64] : memref<320000xi32, #tpu.memory_space<hbm>> -> memref<2000xi32, #tpu.memory_space<hbm>>
    tpu.enqueue_dma source(%dma_start3A_73 : memref<2000xi32, #tpu.memory_space<hbm>>) target(%dma_start3A_72 : memref<2000xi32, #tpu.memory_space<vmem>>) target_semaphore(%arg12 : memref<!tpu.dma_semaphore, #tpu.memory_space<semaphore_mem>>)
    %add3A_74 = arith.constant 6000 : i32
    %add3A_75 = arith.addi %mul3A_4, %add3A_74 : i32
    %dma_start3A_76 = arith.constant 3 : i32
    %dma_start3A_77 = arith.constant 0 : i32
    %dma_start3A_78 = tpu.memref_slice %arg6[%dma_start3A_76, %dma_start3A_77] : memref<5x2000xi32, #tpu.memory_space<vmem>> -> memref<1x2000xi32, #tpu.memory_space<vmem>>
    %dma_start3A_79 = tpu.memref_squeeze %dma_start3A_78 : memref<1x2000xi32, #tpu.memory_space<vmem>> -> memref<2000xi32, #tpu.memory_space<vmem>>
    %dma_start3A_80 = tpu.memref_slice %arg3[%add3A_75] : memref<320000xi32, #tpu.memory_space<hbm>> -> memref<2000xi32, #tpu.memory_space<hbm>>
    %dma_start3A_81 = arith.constant 0 : i32
    %dma_start3A_82 = tpu.memref_slice %arg6[%dma_start3A_76, %dma_start3A_81] : memref<5x2000xi32, #tpu.memory_space<vmem>> -> memref<1x2000xi32, #tpu.memory_space<vmem>>
    %dma_start3A_83 = tpu.memref_squeeze %dma_start3A_82 : memref<1x2000xi32, #tpu.memory_space<vmem>> -> memref<2000xi32, #tpu.memory_space<vmem>>
    %dma_start3A_84 = tpu.memref_slice %arg3[%add3A_75] : memref<320000xi32, #tpu.memory_space<hbm>> -> memref<2000xi32, #tpu.memory_space<hbm>>
    tpu.enqueue_dma source(%dma_start3A_84 : memref<2000xi32, #tpu.memory_space<hbm>>) target(%dma_start3A_83 : memref<2000xi32, #tpu.memory_space<vmem>>) target_semaphore(%arg12 : memref<!tpu.dma_semaphore, #tpu.memory_space<semaphore_mem>>)
    %add3A_85 = arith.constant 6000 : i32
    %add3A_86 = arith.addi %mul3A_4, %add3A_85 : i32
    %dma_start3A_87 = arith.constant 3 : i32
    %dma_start3A_88 = arith.constant 0 : i32
    %dma_start3A_89 = tpu.memref_slice %arg7[%dma_start3A_87, %dma_start3A_88] : memref<5x2000xi32, #tpu.memory_space<vmem>> -> memref<1x2000xi32, #tpu.memory_space<vmem>>
    %dma_start3A_90 = tpu.memref_squeeze %dma_start3A_89 : memref<1x2000xi32, #tpu.memory_space<vmem>> -> memref<2000xi32, #tpu.memory_space<vmem>>
    %dma_start3A_91 = tpu.memref_slice %arg4[%add3A_86] : memref<320000xi32, #tpu.memory_space<hbm>> -> memref<2000xi32, #tpu.memory_space<hbm>>
    %dma_start3A_92 = arith.constant 0 : i32
    %dma_start3A_93 = tpu.memref_slice %arg7[%dma_start3A_87, %dma_start3A_92] : memref<5x2000xi32, #tpu.memory_space<vmem>> -> memref<1x2000xi32, #tpu.memory_space<vmem>>
    %dma_start3A_94 = tpu.memref_squeeze %dma_start3A_93 : memref<1x2000xi32, #tpu.memory_space<vmem>> -> memref<2000xi32, #tpu.memory_space<vmem>>
    %dma_start3A_95 = tpu.memref_slice %arg4[%add3A_86] : memref<320000xi32, #tpu.memory_space<hbm>> -> memref<2000xi32, #tpu.memory_space<hbm>>
    tpu.enqueue_dma source(%dma_start3A_95 : memref<2000xi32, #tpu.memory_space<hbm>>) target(%dma_start3A_94 : memref<2000xi32, #tpu.memory_space<vmem>>) target_semaphore(%arg12 : memref<!tpu.dma_semaphore, #tpu.memory_space<semaphore_mem>>)
    %add3A_96 = arith.constant 8000 : i32
    %add3A_97 = arith.addi %mul3A_4, %add3A_96 : i32
    %dma_start3A_98 = arith.constant 4 : i32
    %dma_start3A_99 = arith.constant 0 : i32
    %dma_start3A_100 = tpu.memref_slice %arg6[%dma_start3A_98, %dma_start3A_99] : memref<5x2000xi32, #tpu.memory_space<vmem>> -> memref<1x2000xi32, #tpu.memory_space<vmem>>
    %dma_start3A_101 = tpu.memref_squeeze %dma_start3A_100 : memref<1x2000xi32, #tpu.memory_space<vmem>> -> memref<2000xi32, #tpu.memory_space<vmem>>
    %dma_start3A_102 = tpu.memref_slice %arg3[%add3A_97] : memref<320000xi32, #tpu.memory_space<hbm>> -> memref<2000xi32, #tpu.memory_space<hbm>>
    %dma_start3A_103 = arith.constant 0 : i32
    %dma_start3A_104 = tpu.memref_slice %arg6[%dma_start3A_98, %dma_start3A_103] : memref<5x2000xi32, #tpu.memory_space<vmem>> -> memref<1x2000xi32, #tpu.memory_space<vmem>>
    %dma_start3A_105 = tpu.memref_squeeze %dma_start3A_104 : memref<1x2000xi32, #tpu.memory_space<vmem>> -> memref<2000xi32, #tpu.memory_space<vmem>>
    %dma_start3A_106 = tpu.memref_slice %arg3[%add3A_97] : memref<320000xi32, #tpu.memory_space<hbm>> -> memref<2000xi32, #tpu.memory_space<hbm>>
    tpu.enqueue_dma source(%dma_start3A_106 : memref<2000xi32, #tpu.memory_space<hbm>>) target(%dma_start3A_105 : memref<2000xi32, #tpu.memory_space<vmem>>) target_semaphore(%arg12 : memref<!tpu.dma_semaphore, #tpu.memory_space<semaphore_mem>>)
    %add3A_107 = arith.constant 8000 : i32
    %add3A_108 = arith.addi %mul3A_4, %add3A_107 : i32
    %dma_start3A_109 = arith.constant 4 : i32
    %dma_start3A_110 = arith.constant 0 : i32
    %dma_start3A_111 = tpu.memref_slice %arg7[%dma_start3A_109, %dma_start3A_110] : memref<5x2000xi32, #tpu.memory_space<vmem>> -> memref<1x2000xi32, #tpu.memory_space<vmem>>
    %dma_start3A_112 = tpu.memref_squeeze %dma_start3A_111 : memref<1x2000xi32, #tpu.memory_space<vmem>> -> memref<2000xi32, #tpu.memory_space<vmem>>
    %dma_start3A_113 = tpu.memref_slice %arg4[%add3A_108] : memref<320000xi32, #tpu.memory_space<hbm>> -> memref<2000xi32, #tpu.memory_space<hbm>>
    %dma_start3A_114 = arith.constant 0 : i32
    %dma_start3A_115 = tpu.memref_slice %arg7[%dma_start3A_109, %dma_start3A_114] : memref<5x2000xi32, #tpu.memory_space<vmem>> -> memref<1x2000xi32, #tpu.memory_space<vmem>>
    %dma_start3A_116 = tpu.memref_squeeze %dma_start3A_115 : memref<1x2000xi32, #tpu.memory_space<vmem>> -> memref<2000xi32, #tpu.memory_space<vmem>>
    %dma_start3A_117 = tpu.memref_slice %arg4[%add3A_108] : memref<320000xi32, #tpu.memory_space<hbm>> -> memref<2000xi32, #tpu.memory_space<hbm>>
    tpu.enqueue_dma source(%dma_start3A_117 : memref<2000xi32, #tpu.memory_space<hbm>>) target(%dma_start3A_116 : memref<2000xi32, #tpu.memory_space<vmem>>) target_semaphore(%arg12 : memref<!tpu.dma_semaphore, #tpu.memory_space<semaphore_mem>>)
    %scan3A = arith.constant 0 : i32
    %scan3A_118 = arith.constant 0 : i32
    %scan3A_119 = arith.constant 640 : i32
    %scan3A_120 = arith.addi %scan3A_118, %scan3A_119 : i32
    %scan3A_121 = arith.constant 1 : i32
    %scan3A_122 = scf.for %scan3A_249 = %scan3A_118 to %scan3A_120 step %scan3A_121 iter_args(%scan3A_250 = %scan3A) -> (i32)  : i32 {
      %broadcast_in_dim3A = arith.constant 0.000000e+00 : f32
      %broadcast_in_dim3A_251 = vector.broadcast %broadcast_in_dim3A : f32 to vector<16xf32>
      %swap3A = arith.index_cast %scan3A_249 : i32 to index
      %swap3A_252 = arith.constant 0 : index
      %swap3A_253 = tpu.vector_load %arg9[%swap3A, %swap3A_252] {strides = array<i32>} : memref<640x16xf32, #tpu.memory_space<vmem>>, vector<1x16xf32>,
      %swap3A_254 = vector.shape_cast %swap3A_253 : vector<1x16xf32> to vector<16xf32>
      %swap3A_255 = vector.shape_cast %broadcast_in_dim3A_251 : vector<16xf32> to vector<1x16xf32>
      tpu.vector_store %arg9[%swap3A, %swap3A_252], %swap3A_255 {strides = array<i32>} : memref<640x16xf32, #tpu.memory_space<vmem>>, vector<1x16xf32>,
      %scan3A_256 = arith.constant 0 : i32
      scf.yield %scan3A_256 : i32
    }
    %scan3A_123 = arith.constant 640 : i32
    "tpu.region"() ({
      %run_scoped3A = tpu.sem_alloc : memref<!tpu.dma_semaphore, #tpu.memory_space<semaphore_mem>>
      %dma_start3A_249 = arith.constant 0 : i32
      %dma_start3A_250 = tpu.memref_slice %arg10[%mul3A_2, %dma_start3A_249] : memref<10240x16xf32, #tpu.memory_space<vmem_shared>> -> memref<640x16xf32, #tpu.memory_space<vmem_shared>>
      %dma_start3A_251 = arith.constant 0 : i32
      %dma_start3A_252 = tpu.memref_slice %arg10[%mul3A_2, %dma_start3A_251] : memref<10240x16xf32, #tpu.memory_space<vmem_shared>> -> memref<640x16xf32, #tpu.memory_space<vmem_shared>>
      tpu.enqueue_dma source(%arg9 : memref<640x16xf32, #tpu.memory_space<vmem>>) target(%dma_start3A_252 : memref<640x16xf32, #tpu.memory_space<vmem_shared>>) target_semaphore(%run_scoped3A : memref<!tpu.dma_semaphore, #tpu.memory_space<semaphore_mem>>)
      %dma_wait3A_253 = arith.constant 0 : i32
      %dma_wait3A_254 = tpu.memref_slice %arg10[%mul3A_2, %dma_wait3A_253] : memref<10240x16xf32, #tpu.memory_space<vmem_shared>> -> memref<640x16xf32, #tpu.memory_space<vmem_shared>>
      %dma_wait3A_255 = arith.constant 0 : i32
      %dma_wait3A_256 = tpu.memref_slice %arg10[%mul3A_2, %dma_wait3A_255] : memref<10240x16xf32, #tpu.memory_space<vmem_shared>> -> memref<640x16xf32, #tpu.memory_space<vmem_shared>>
      tpu.wait_dma2 semaphore(%run_scoped3A : memref<!tpu.dma_semaphore, #tpu.memory_space<semaphore_mem>>) src(%arg9 : memref<640x16xf32, #tpu.memory_space<vmem>>) dst(%dma_wait3A_256 : memref<640x16xf32, #tpu.memory_space<vmem_shared>>)
      tpu.yield
    }) : () -> ()
    %dma_wait3A = arith.constant 0 : i32
    %dma_wait3A_124 = tpu.memref_slice %arg11[%mul3A_2, %dma_wait3A] : memref<10240x16xf32, #tpu.memory_space<vmem_shared>> -> memref<640x16xf32, #tpu.memory_space<vmem_shared>>
    %dma_wait3A_125 = arith.constant 0 : i32
    %dma_wait3A_126 = tpu.memref_slice %arg2[%mul3A_2, %dma_wait3A_125] : memref<10240x16xf32, #tpu.memory_space<hbm>> -> memref<640x16xf32, #tpu.memory_space<hbm>>
    tpu.wait_dma2 semaphore(%arg12 : memref<!tpu.dma_semaphore, #tpu.memory_space<semaphore_mem>>) src(%dma_wait3A_126 : memref<640x16xf32, #tpu.memory_space<hbm>>) dst(%dma_wait3A_124 : memref<640x16xf32, #tpu.memory_space<vmem_shared>>)
    %dma_wait3A_127 = arith.constant 0 : i32
    %dma_wait3A_128 = arith.constant 0 : i32
    %dma_wait3A_129 = tpu.memref_slice %arg6[%dma_wait3A_127, %dma_wait3A_128] : memref<5x2000xi32, #tpu.memory_space<vmem>> -> memref<1x2000xi32, #tpu.memory_space<vmem>>
    %dma_wait3A_130 = tpu.memref_squeeze %dma_wait3A_129 : memref<1x2000xi32, #tpu.memory_space<vmem>> -> memref<2000xi32, #tpu.memory_space<vmem>>
    %dma_wait3A_131 = tpu.memref_slice %arg3[%add3A_9] : memref<320000xi32, #tpu.memory_space<hbm>> -> memref<2000xi32, #tpu.memory_space<hbm>>
    %dma_wait3A_132 = arith.constant 0 : i32
    %dma_wait3A_133 = tpu.memref_slice %arg6[%dma_wait3A_127, %dma_wait3A_132] : memref<5x2000xi32, #tpu.memory_space<vmem>> -> memref<1x2000xi32, #tpu.memory_space<vmem>>
    %dma_wait3A_134 = tpu.memref_squeeze %dma_wait3A_133 : memref<1x2000xi32, #tpu.memory_space<vmem>> -> memref<2000xi32, #tpu.memory_space<vmem>>
    %dma_wait3A_135 = tpu.memref_slice %arg3[%add3A_9] : memref<320000xi32, #tpu.memory_space<hbm>> -> memref<2000xi32, #tpu.memory_space<hbm>>
    tpu.wait_dma2 semaphore(%arg12 : memref<!tpu.dma_semaphore, #tpu.memory_space<semaphore_mem>>) src(%dma_wait3A_135 : memref<2000xi32, #tpu.memory_space<hbm>>) dst(%dma_wait3A_134 : memref<2000xi32, #tpu.memory_space<vmem>>)
    %dma_wait3A_136 = arith.constant 0 : i32
    %dma_wait3A_137 = arith.constant 0 : i32
    %dma_wait3A_138 = tpu.memref_slice %arg7[%dma_wait3A_136, %dma_wait3A_137] : memref<5x2000xi32, #tpu.memory_space<vmem>> -> memref<1x2000xi32, #tpu.memory_space<vmem>>
    %dma_wait3A_139 = tpu.memref_squeeze %dma_wait3A_138 : memref<1x2000xi32, #tpu.memory_space<vmem>> -> memref<2000xi32, #tpu.memory_space<vmem>>
    %dma_wait3A_140 = tpu.memref_slice %arg4[%add3A_20] : memref<320000xi32, #tpu.memory_space<hbm>> -> memref<2000xi32, #tpu.memory_space<hbm>>
    %dma_wait3A_141 = arith.constant 0 : i32
    %dma_wait3A_142 = tpu.memref_slice %arg7[%dma_wait3A_136, %dma_wait3A_141] : memref<5x2000xi32, #tpu.memory_space<vmem>> -> memref<1x2000xi32, #tpu.memory_space<vmem>>
    %dma_wait3A_143 = tpu.memref_squeeze %dma_wait3A_142 : memref<1x2000xi32, #tpu.memory_space<vmem>> -> memref<2000xi32, #tpu.memory_space<vmem>>
    %dma_wait3A_144 = tpu.memref_slice %arg4[%add3A_20] : memref<320000xi32, #tpu.memory_space<hbm>> -> memref<2000xi32, #tpu.memory_space<hbm>>
    tpu.wait_dma2 semaphore(%arg12 : memref<!tpu.dma_semaphore, #tpu.memory_space<semaphore_mem>>) src(%dma_wait3A_144 : memref<2000xi32, #tpu.memory_space<hbm>>) dst(%dma_wait3A_143 : memref<2000xi32, #tpu.memory_space<vmem>>)
    %dma_wait3A_145 = arith.constant 1 : i32
    %dma_wait3A_146 = arith.constant 0 : i32
    %dma_wait3A_147 = tpu.memref_slice %arg6[%dma_wait3A_145, %dma_wait3A_146] : memref<5x2000xi32, #tpu.memory_space<vmem>> -> memref<1x2000xi32, #tpu.memory_space<vmem>>
    %dma_wait3A_148 = tpu.memref_squeeze %dma_wait3A_147 : memref<1x2000xi32, #tpu.memory_space<vmem>> -> memref<2000xi32, #tpu.memory_space<vmem>>
    %dma_wait3A_149 = tpu.memref_slice %arg3[%add3A_31] : memref<320000xi32, #tpu.memory_space<hbm>> -> memref<2000xi32, #tpu.memory_space<hbm>>
    %dma_wait3A_150 = arith.constant 0 : i32
    %dma_wait3A_151 = tpu.memref_slice %arg6[%dma_wait3A_145, %dma_wait3A_150] : memref<5x2000xi32, #tpu.memory_space<vmem>> -> memref<1x2000xi32, #tpu.memory_space<vmem>>
    %dma_wait3A_152 = tpu.memref_squeeze %dma_wait3A_151 : memref<1x2000xi32, #tpu.memory_space<vmem>> -> memref<2000xi32, #tpu.memory_space<vmem>>
    %dma_wait3A_153 = tpu.memref_slice %arg3[%add3A_31] : memref<320000xi32, #tpu.memory_space<hbm>> -> memref<2000xi32, #tpu.memory_space<hbm>>
    tpu.wait_dma2 semaphore(%arg12 : memref<!tpu.dma_semaphore, #tpu.memory_space<semaphore_mem>>) src(%dma_wait3A_153 : memref<2000xi32, #tpu.memory_space<hbm>>) dst(%dma_wait3A_152 : memref<2000xi32, #tpu.memory_space<vmem>>)
    %dma_wait3A_154 = arith.constant 1 : i32
    %dma_wait3A_155 = arith.constant 0 : i32
    %dma_wait3A_156 = tpu.memref_slice %arg7[%dma_wait3A_154, %dma_wait3A_155] : memref<5x2000xi32, #tpu.memory_space<vmem>> -> memref<1x2000xi32, #tpu.memory_space<vmem>>
    %dma_wait3A_157 = tpu.memref_squeeze %dma_wait3A_156 : memref<1x2000xi32, #tpu.memory_space<vmem>> -> memref<2000xi32, #tpu.memory_space<vmem>>
    %dma_wait3A_158 = tpu.memref_slice %arg4[%add3A_42] : memref<320000xi32, #tpu.memory_space<hbm>> -> memref<2000xi32, #tpu.memory_space<hbm>>
    %dma_wait3A_159 = arith.constant 0 : i32
    %dma_wait3A_160 = tpu.memref_slice %arg7[%dma_wait3A_154, %dma_wait3A_159] : memref<5x2000xi32, #tpu.memory_space<vmem>> -> memref<1x2000xi32, #tpu.memory_space<vmem>>
    %dma_wait3A_161 = tpu.memref_squeeze %dma_wait3A_160 : memref<1x2000xi32, #tpu.memory_space<vmem>> -> memref<2000xi32, #tpu.memory_space<vmem>>
    %dma_wait3A_162 = tpu.memref_slice %arg4[%add3A_42] : memref<320000xi32, #tpu.memory_space<hbm>> -> memref<2000xi32, #tpu.memory_space<hbm>>
    tpu.wait_dma2 semaphore(%arg12 : memref<!tpu.dma_semaphore, #tpu.memory_space<semaphore_mem>>) src(%dma_wait3A_162 : memref<2000xi32, #tpu.memory_space<hbm>>) dst(%dma_wait3A_161 : memref<2000xi32, #tpu.memory_space<vmem>>)
    %dma_wait3A_163 = arith.constant 2 : i32
    %dma_wait3A_164 = arith.constant 0 : i32
    %dma_wait3A_165 = tpu.memref_slice %arg6[%dma_wait3A_163, %dma_wait3A_164] : memref<5x2000xi32, #tpu.memory_space<vmem>> -> memref<1x2000xi32, #tpu.memory_space<vmem>>
    %dma_wait3A_166 = tpu.memref_squeeze %dma_wait3A_165 : memref<1x2000xi32, #tpu.memory_space<vmem>> -> memref<2000xi32, #tpu.memory_space<vmem>>
    %dma_wait3A_167 = tpu.memref_slice %arg3[%add3A_53] : memref<320000xi32, #tpu.memory_space<hbm>> -> memref<2000xi32, #tpu.memory_space<hbm>>
    %dma_wait3A_168 = arith.constant 0 : i32
    %dma_wait3A_169 = tpu.memref_slice %arg6[%dma_wait3A_163, %dma_wait3A_168] : memref<5x2000xi32, #tpu.memory_space<vmem>> -> memref<1x2000xi32, #tpu.memory_space<vmem>>
    %dma_wait3A_170 = tpu.memref_squeeze %dma_wait3A_169 : memref<1x2000xi32, #tpu.memory_space<vmem>> -> memref<2000xi32, #tpu.memory_space<vmem>>
    %dma_wait3A_171 = tpu.memref_slice %arg3[%add3A_53] : memref<320000xi32, #tpu.memory_space<hbm>> -> memref<2000xi32, #tpu.memory_space<hbm>>
    tpu.wait_dma2 semaphore(%arg12 : memref<!tpu.dma_semaphore, #tpu.memory_space<semaphore_mem>>) src(%dma_wait3A_171 : memref<2000xi32, #tpu.memory_space<hbm>>) dst(%dma_wait3A_170 : memref<2000xi32, #tpu.memory_space<vmem>>)
    %dma_wait3A_172 = arith.constant 2 : i32
    %dma_wait3A_173 = arith.constant 0 : i32
    %dma_wait3A_174 = tpu.memref_slice %arg7[%dma_wait3A_172, %dma_wait3A_173] : memref<5x2000xi32, #tpu.memory_space<vmem>> -> memref<1x2000xi32, #tpu.memory_space<vmem>>
    %dma_wait3A_175 = tpu.memref_squeeze %dma_wait3A_174 : memref<1x2000xi32, #tpu.memory_space<vmem>> -> memref<2000xi32, #tpu.memory_space<vmem>>
    %dma_wait3A_176 = tpu.memref_slice %arg4[%add3A_64] : memref<320000xi32, #tpu.memory_space<hbm>> -> memref<2000xi32, #tpu.memory_space<hbm>>
    %dma_wait3A_177 = arith.constant 0 : i32
    %dma_wait3A_178 = tpu.memref_slice %arg7[%dma_wait3A_172, %dma_wait3A_177] : memref<5x2000xi32, #tpu.memory_space<vmem>> -> memref<1x2000xi32, #tpu.memory_space<vmem>>
    %dma_wait3A_179 = tpu.memref_squeeze %dma_wait3A_178 : memref<1x2000xi32, #tpu.memory_space<vmem>> -> memref<2000xi32, #tpu.memory_space<vmem>>
    %dma_wait3A_180 = tpu.memref_slice %arg4[%add3A_64] : memref<320000xi32, #tpu.memory_space<hbm>> -> memref<2000xi32, #tpu.memory_space<hbm>>
    tpu.wait_dma2 semaphore(%arg12 : memref<!tpu.dma_semaphore, #tpu.memory_space<semaphore_mem>>) src(%dma_wait3A_180 : memref<2000xi32, #tpu.memory_space<hbm>>) dst(%dma_wait3A_179 : memref<2000xi32, #tpu.memory_space<vmem>>)
    %dma_wait3A_181 = arith.constant 3 : i32
    %dma_wait3A_182 = arith.constant 0 : i32
    %dma_wait3A_183 = tpu.memref_slice %arg6[%dma_wait3A_181, %dma_wait3A_182] : memref<5x2000xi32, #tpu.memory_space<vmem>> -> memref<1x2000xi32, #tpu.memory_space<vmem>>
    %dma_wait3A_184 = tpu.memref_squeeze %dma_wait3A_183 : memref<1x2000xi32, #tpu.memory_space<vmem>> -> memref<2000xi32, #tpu.memory_space<vmem>>
    %dma_wait3A_185 = tpu.memref_slice %arg3[%add3A_75] : memref<320000xi32, #tpu.memory_space<hbm>> -> memref<2000xi32, #tpu.memory_space<hbm>>
    %dma_wait3A_186 = arith.constant 0 : i32
    %dma_wait3A_187 = tpu.memref_slice %arg6[%dma_wait3A_181, %dma_wait3A_186] : memref<5x2000xi32, #tpu.memory_space<vmem>> -> memref<1x2000xi32, #tpu.memory_space<vmem>>
    %dma_wait3A_188 = tpu.memref_squeeze %dma_wait3A_187 : memref<1x2000xi32, #tpu.memory_space<vmem>> -> memref<2000xi32, #tpu.memory_space<vmem>>
    %dma_wait3A_189 = tpu.memref_slice %arg3[%add3A_75] : memref<320000xi32, #tpu.memory_space<hbm>> -> memref<2000xi32, #tpu.memory_space<hbm>>
    tpu.wait_dma2 semaphore(%arg12 : memref<!tpu.dma_semaphore, #tpu.memory_space<semaphore_mem>>) src(%dma_wait3A_189 : memref<2000xi32, #tpu.memory_space<hbm>>) dst(%dma_wait3A_188 : memref<2000xi32, #tpu.memory_space<vmem>>)
    %dma_wait3A_190 = arith.constant 3 : i32
    %dma_wait3A_191 = arith.constant 0 : i32
    %dma_wait3A_192 = tpu.memref_slice %arg7[%dma_wait3A_190, %dma_wait3A_191] : memref<5x2000xi32, #tpu.memory_space<vmem>> -> memref<1x2000xi32, #tpu.memory_space<vmem>>
    %dma_wait3A_193 = tpu.memref_squeeze %dma_wait3A_192 : memref<1x2000xi32, #tpu.memory_space<vmem>> -> memref<2000xi32, #tpu.memory_space<vmem>>
    %dma_wait3A_194 = tpu.memref_slice %arg4[%add3A_86] : memref<320000xi32, #tpu.memory_space<hbm>> -> memref<2000xi32, #tpu.memory_space<hbm>>
    %dma_wait3A_195 = arith.constant 0 : i32
    %dma_wait3A_196 = tpu.memref_slice %arg7[%dma_wait3A_190, %dma_wait3A_195] : memref<5x2000xi32, #tpu.memory_space<vmem>> -> memref<1x2000xi32, #tpu.memory_space<vmem>>
    %dma_wait3A_197 = tpu.memref_squeeze %dma_wait3A_196 : memref<1x2000xi32, #tpu.memory_space<vmem>> -> memref<2000xi32, #tpu.memory_space<vmem>>
    %dma_wait3A_198 = tpu.memref_slice %arg4[%add3A_86] : memref<320000xi32, #tpu.memory_space<hbm>> -> memref<2000xi32, #tpu.memory_space<hbm>>
    tpu.wait_dma2 semaphore(%arg12 : memref<!tpu.dma_semaphore, #tpu.memory_space<semaphore_mem>>) src(%dma_wait3A_198 : memref<2000xi32, #tpu.memory_space<hbm>>) dst(%dma_wait3A_197 : memref<2000xi32, #tpu.memory_space<vmem>>)
    %dma_wait3A_199 = arith.constant 4 : i32
    %dma_wait3A_200 = arith.constant 0 : i32
    %dma_wait3A_201 = tpu.memref_slice %arg6[%dma_wait3A_199, %dma_wait3A_200] : memref<5x2000xi32, #tpu.memory_space<vmem>> -> memref<1x2000xi32, #tpu.memory_space<vmem>>
    %dma_wait3A_202 = tpu.memref_squeeze %dma_wait3A_201 : memref<1x2000xi32, #tpu.memory_space<vmem>> -> memref<2000xi32, #tpu.memory_space<vmem>>
    %dma_wait3A_203 = tpu.memref_slice %arg3[%add3A_97] : memref<320000xi32, #tpu.memory_space<hbm>> -> memref<2000xi32, #tpu.memory_space<hbm>>
    %dma_wait3A_204 = arith.constant 0 : i32
    %dma_wait3A_205 = tpu.memref_slice %arg6[%dma_wait3A_199, %dma_wait3A_204] : memref<5x2000xi32, #tpu.memory_space<vmem>> -> memref<1x2000xi32, #tpu.memory_space<vmem>>
    %dma_wait3A_206 = tpu.memref_squeeze %dma_wait3A_205 : memref<1x2000xi32, #tpu.memory_space<vmem>> -> memref<2000xi32, #tpu.memory_space<vmem>>
    %dma_wait3A_207 = tpu.memref_slice %arg3[%add3A_97] : memref<320000xi32, #tpu.memory_space<hbm>> -> memref<2000xi32, #tpu.memory_space<hbm>>
    tpu.wait_dma2 semaphore(%arg12 : memref<!tpu.dma_semaphore, #tpu.memory_space<semaphore_mem>>) src(%dma_wait3A_207 : memref<2000xi32, #tpu.memory_space<hbm>>) dst(%dma_wait3A_206 : memref<2000xi32, #tpu.memory_space<vmem>>)
    %dma_wait3A_208 = arith.constant 4 : i32
    %dma_wait3A_209 = arith.constant 0 : i32
    %dma_wait3A_210 = tpu.memref_slice %arg7[%dma_wait3A_208, %dma_wait3A_209] : memref<5x2000xi32, #tpu.memory_space<vmem>> -> memref<1x2000xi32, #tpu.memory_space<vmem>>
    %dma_wait3A_211 = tpu.memref_squeeze %dma_wait3A_210 : memref<1x2000xi32, #tpu.memory_space<vmem>> -> memref<2000xi32, #tpu.memory_space<vmem>>
    %dma_wait3A_212 = tpu.memref_slice %arg4[%add3A_108] : memref<320000xi32, #tpu.memory_space<hbm>> -> memref<2000xi32, #tpu.memory_space<hbm>>
    %dma_wait3A_213 = arith.constant 0 : i32
    %dma_wait3A_214 = tpu.memref_slice %arg7[%dma_wait3A_208, %dma_wait3A_213] : memref<5x2000xi32, #tpu.memory_space<vmem>> -> memref<1x2000xi32, #tpu.memory_space<vmem>>
    %dma_wait3A_215 = tpu.memref_squeeze %dma_wait3A_214 : memref<1x2000xi32, #tpu.memory_space<vmem>> -> memref<2000xi32, #tpu.memory_space<vmem>>
    %dma_wait3A_216 = tpu.memref_slice %arg4[%add3A_108] : memref<320000xi32, #tpu.memory_space<hbm>> -> memref<2000xi32, #tpu.memory_space<hbm>>
    tpu.wait_dma2 semaphore(%arg12 : memref<!tpu.dma_semaphore, #tpu.memory_space<semaphore_mem>>) src(%dma_wait3A_216 : memref<2000xi32, #tpu.memory_space<hbm>>) dst(%dma_wait3A_215 : memref<2000xi32, #tpu.memory_space<vmem>>)
    %barrier3A = arith.constant 0 : index
    tpu.barrier barrier_id(%barrier3A)
    %dma_start3A_217 = arith.constant 0 : i32
    %dma_start3A_218 = arith.constant 0 : i32
    %dma_start3A_219 = arith.constant 0 : i32
    %dma_start3A_220 = arith.constant 0 : i32
    %dma_start3A_221 = tpu.memref_slice %arg8[%dma_start3A_218, %dma_start3A_219, %dma_start3A_220] : memref<2x2000x16xf32, #tpu.memory_space<vmem>> -> memref<1x2000x16xf32, #tpu.memory_space<vmem>>
    %dma_start3A_222 = tpu.memref_squeeze %dma_start3A_221 : memref<1x2000x16xf32, #tpu.memory_space<vmem>> -> memref<2000x16xf32, #tpu.memory_space<vmem>>
    %dma_start3A_223 = arith.constant 0 : i32
    %dma_start3A_224 = tpu.memref_slice %arg6[%dma_start3A_217, %dma_start3A_223] : memref<5x2000xi32, #tpu.memory_space<vmem>> -> memref<1x2000xi32, #tpu.memory_space<vmem>>
    %dma_start3A_225 = tpu.memref_squeeze %dma_start3A_224 : memref<1x2000xi32, #tpu.memory_space<vmem>> -> memref<2000xi32, #tpu.memory_space<vmem>>
    %dma_start3A_226 = arith.constant 0 : i32
    %dma_start3A_227 = arith.constant 0 : i32
    %dma_start3A_228 = tpu.memref_slice %arg11[%dma_start3A_226, %dma_start3A_227] : memref<10240x16xf32, #tpu.memory_space<vmem_shared>> -> memref<10240x16xf32, #tpu.memory_space<vmem_shared>>
    tpu.enqueue_indirect_dma source(%dma_start3A_228 : memref<10240x16xf32, #tpu.memory_space<vmem_shared>>) target(%dma_start3A_222 : memref<2000x16xf32, #tpu.memory_space<vmem>>) offsets(%dma_start3A_225 : memref<2000xi32, #tpu.memory_space<vmem>>) semaphore(%arg12 : memref<!tpu.dma_semaphore, #tpu.memory_space<semaphore_mem>>)
    %dma_wait3A_229 = arith.constant 0 : i32
    %dma_wait3A_230 = arith.constant 0 : i32
    %dma_wait3A_231 = arith.constant 0 : i32
    %dma_wait3A_232 = arith.constant 0 : i32
    %dma_wait3A_233 = tpu.memref_slice %arg8[%dma_wait3A_230, %dma_wait3A_231, %dma_wait3A_232] : memref<2x2000x16xf32, #tpu.memory_space<vmem>> -> memref<1x2000x16xf32, #tpu.memory_space<vmem>>
    %dma_wait3A_234 = tpu.memref_squeeze %dma_wait3A_233 : memref<1x2000x16xf32, #tpu.memory_space<vmem>> -> memref<2000x16xf32, #tpu.memory_space<vmem>>
    %dma_wait3A_235 = arith.constant 0 : i32
    %dma_wait3A_236 = tpu.memref_slice %arg6[%dma_wait3A_229, %dma_wait3A_235] : memref<5x2000xi32, #tpu.memory_space<vmem>> -> memref<1x2000xi32, #tpu.memory_space<vmem>>
    %dma_wait3A_237 = tpu.memref_squeeze %dma_wait3A_236 : memref<1x2000xi32, #tpu.memory_space<vmem>> -> memref<2000xi32, #tpu.memory_space<vmem>>
    %dma_wait3A_238 = arith.constant 0 : i32
    %dma_wait3A_239 = arith.constant 0 : i32
    %dma_wait3A_240 = tpu.memref_slice %arg11[%dma_wait3A_238, %dma_wait3A_239] : memref<10240x16xf32, #tpu.memory_space<vmem_shared>> -> memref<10240x16xf32, #tpu.memory_space<vmem_shared>>
    tpu.wait_indirect_dma semaphore(%arg12 : memref<!tpu.dma_semaphore, #tpu.memory_space<semaphore_mem>>) src(%dma_wait3A_240 : memref<10240x16xf32, #tpu.memory_space<vmem_shared>>) dst(%dma_wait3A_234 : memref<2000x16xf32, #tpu.memory_space<vmem>>)
    %scan3A_241 = arith.constant 0 : i32
    %scan3A_242 = arith.constant 0 : i32
    %scan3A_243 = arith.constant 5 : i32
    %scan3A_244 = arith.addi %scan3A_242, %scan3A_243 : i32
    %scan3A_245 = arith.constant 1 : i32
    %scan3A_246 = scf.for %scan3A_249 = %scan3A_242 to %scan3A_244 step %scan3A_245 iter_args(%scan3A_250 = %scan3A_241) -> (i32)  : i32 {
      %rem3A = arith.constant 2 : i32
      %rem3A_251 = arith.remsi %scan3A_249, %rem3A : i32
      %add3A_252 = arith.constant 1 : i32
      %add3A_253 = arith.addi %scan3A_249, %add3A_252 : i32
      %rem3A_254 = arith.constant 2 : i32
      %rem3A_255 = arith.remsi %add3A_253, %rem3A_254 : i32
      %add3A_256 = arith.constant 1 : i32
      %add3A_257 = arith.addi %scan3A_249, %add3A_256 : i32
      %lt3A = arith.constant 5 : i32
      %lt3A_258 = arith.cmpi slt, %add3A_257, %lt3A : i32
      %convert_element_type3A = arith.extui %lt3A_258 : i1 to i32
      %cond3A = arith.constant 0 : i32
      %cond3A_259 = arith.cmpi ne, %convert_element_type3A, %cond3A : i32
      scf.if %cond3A_259 {
        %add3A_288 = arith.constant 1 : i32
        %add3A_289 = arith.addi %scan3A_249, %add3A_288 : i32
        %dma_start3A_290 = arith.constant 0 : i32
        %dma_start3A_291 = arith.constant 0 : i32
        %dma_start3A_292 = tpu.memref_slice %arg8[%rem3A_255, %dma_start3A_290, %dma_start3A_291] : memref<2x2000x16xf32, #tpu.memory_space<vmem>> -> memref<1x2000x16xf32, #tpu.memory_space<vmem>>
        %dma_start3A_293 = tpu.memref_squeeze %dma_start3A_292 : memref<1x2000x16xf32, #tpu.memory_space<vmem>> -> memref<2000x16xf32, #tpu.memory_space<vmem>>
        %dma_start3A_294 = arith.constant 0 : i32
        %dma_start3A_295 = tpu.memref_slice %arg6[%add3A_289, %dma_start3A_294] : memref<5x2000xi32, #tpu.memory_space<vmem>> -> memref<1x2000xi32, #tpu.memory_space<vmem>>
        %dma_start3A_296 = tpu.memref_squeeze %dma_start3A_295 : memref<1x2000xi32, #tpu.memory_space<vmem>> -> memref<2000xi32, #tpu.memory_space<vmem>>
        %dma_start3A_297 = arith.constant 0 : i32
        %dma_start3A_298 = arith.constant 0 : i32
        %dma_start3A_299 = tpu.memref_slice %arg11[%dma_start3A_297, %dma_start3A_298] : memref<10240x16xf32, #tpu.memory_space<vmem_shared>> -> memref<10240x16xf32, #tpu.memory_space<vmem_shared>>
        tpu.enqueue_indirect_dma source(%dma_start3A_299 : memref<10240x16xf32, #tpu.memory_space<vmem_shared>>) target(%dma_start3A_293 : memref<2000x16xf32, #tpu.memory_space<vmem>>) offsets(%dma_start3A_296 : memref<2000xi32, #tpu.memory_space<vmem>>) semaphore(%arg12 : memref<!tpu.dma_semaphore, #tpu.memory_space<semaphore_mem>>)
      } else {
      }
      %dma_start3A_260 = arith.constant 0 : i32
      %dma_start3A_261 = arith.constant 0 : i32
      %dma_start3A_262 = tpu.memref_slice %arg8[%rem3A_251, %dma_start3A_260, %dma_start3A_261] : memref<2x2000x16xf32, #tpu.memory_space<vmem>> -> memref<1x2000x16xf32, #tpu.memory_space<vmem>>
      %dma_start3A_263 = tpu.memref_squeeze %dma_start3A_262 : memref<1x2000x16xf32, #tpu.memory_space<vmem>> -> memref<2000x16xf32, #tpu.memory_space<vmem>>
      %dma_start3A_264 = arith.constant 0 : i32
      %dma_start3A_265 = tpu.memref_slice %arg7[%scan3A_249, %dma_start3A_264] : memref<5x2000xi32, #tpu.memory_space<vmem>> -> memref<1x2000xi32, #tpu.memory_space<vmem>>
      %dma_start3A_266 = tpu.memref_squeeze %dma_start3A_265 : memref<1x2000xi32, #tpu.memory_space<vmem>> -> memref<2000xi32, #tpu.memory_space<vmem>>
      %dma_start3A_267 = arith.constant 0 : i32
      %dma_start3A_268 = arith.constant 0 : i32
      %dma_start3A_269 = tpu.memref_slice %arg10[%dma_start3A_267, %dma_start3A_268] : memref<10240x16xf32, #tpu.memory_space<vmem_shared>> -> memref<10240x16xf32, #tpu.memory_space<vmem_shared>>
      tpu.enqueue_indirect_dma source(%dma_start3A_263 : memref<2000x16xf32, #tpu.memory_space<vmem>>) target(%dma_start3A_269 : memref<10240x16xf32, #tpu.memory_space<vmem_shared>>) offsets(%dma_start3A_266 : memref<2000xi32, #tpu.memory_space<vmem>>) semaphore(%arg13 : memref<!tpu.dma_semaphore, #tpu.memory_space<semaphore_mem>>) {add = true}
      %dma_wait3A_270 = arith.constant 0 : i32
      %dma_wait3A_271 = arith.constant 0 : i32
      %dma_wait3A_272 = tpu.memref_slice %arg8[%rem3A_251, %dma_wait3A_270, %dma_wait3A_271] : memref<2x2000x16xf32, #tpu.memory_space<vmem>> -> memref<1x2000x16xf32, #tpu.memory_space<vmem>>
      %dma_wait3A_273 = tpu.memref_squeeze %dma_wait3A_272 : memref<1x2000x16xf32, #tpu.memory_space<vmem>> -> memref<2000x16xf32, #tpu.memory_space<vmem>>
      %dma_wait3A_274 = arith.constant 0 : i32
      %dma_wait3A_275 = tpu.memref_slice %arg7[%scan3A_249, %dma_wait3A_274] : memref<5x2000xi32, #tpu.memory_space<vmem>> -> memref<1x2000xi32, #tpu.memory_space<vmem>>
      %dma_wait3A_276 = tpu.memref_squeeze %dma_wait3A_275 : memref<1x2000xi32, #tpu.memory_space<vmem>> -> memref<2000xi32, #tpu.memory_space<vmem>>
      %dma_wait3A_277 = arith.constant 0 : i32
      %dma_wait3A_278 = arith.constant 0 : i32
      %dma_wait3A_279 = tpu.memref_slice %arg10[%dma_wait3A_277, %dma_wait3A_278] : memref<10240x16xf32, #tpu.memory_space<vmem_shared>> -> memref<10240x16xf32, #tpu.memory_space<vmem_shared>>
      tpu.wait_indirect_dma semaphore(%arg13 : memref<!tpu.dma_semaphore, #tpu.memory_space<semaphore_mem>>) src(%dma_wait3A_273 : memref<2000x16xf32, #tpu.memory_space<vmem>>) dst(%dma_wait3A_279 : memref<10240x16xf32, #tpu.memory_space<vmem_shared>>)
      %add3A_280 = arith.constant 1 : i32
      %add3A_281 = arith.addi %scan3A_249, %add3A_280 : i32
      %lt3A_282 = arith.constant 5 : i32
      %lt3A_283 = arith.cmpi slt, %add3A_281, %lt3A_282 : i32
      %convert_element_type3A_284 = arith.extui %lt3A_283 : i1 to i32
      %cond3A_285 = arith.constant 0 : i32
      %cond3A_286 = arith.cmpi ne, %convert_element_type3A_284, %cond3A_285 : i32
      scf.if %cond3A_286 {
        %add3A_288 = arith.constant 1 : i32
        %add3A_289 = arith.addi %scan3A_249, %add3A_288 : i32
        %dma_wait3A_290 = arith.constant 0 : i32
        %dma_wait3A_291 = arith.constant 0 : i32
        %dma_wait3A_292 = tpu.memref_slice %arg8[%rem3A_255, %dma_wait3A_290, %dma_wait3A_291] : memref<2x2000x16xf32, #tpu.memory_space<vmem>> -> memref<1x2000x16xf32, #tpu.memory_space<vmem>>
        %dma_wait3A_293 = tpu.memref_squeeze %dma_wait3A_292 : memref<1x2000x16xf32, #tpu.memory_space<vmem>> -> memref<2000x16xf32, #tpu.memory_space<vmem>>
        %dma_wait3A_294 = arith.constant 0 : i32
        %dma_wait3A_295 = tpu.memref_slice %arg6[%add3A_289, %dma_wait3A_294] : memref<5x2000xi32, #tpu.memory_space<vmem>> -> memref<1x2000xi32, #tpu.memory_space<vmem>>
        %dma_wait3A_296 = tpu.memref_squeeze %dma_wait3A_295 : memref<1x2000xi32, #tpu.memory_space<vmem>> -> memref<2000xi32, #tpu.memory_space<vmem>>
        %dma_wait3A_297 = arith.constant 0 : i32
        %dma_wait3A_298 = arith.constant 0 : i32
        %dma_wait3A_299 = tpu.memref_slice %arg11[%dma_wait3A_297, %dma_wait3A_298] : memref<10240x16xf32, #tpu.memory_space<vmem_shared>> -> memref<10240x16xf32, #tpu.memory_space<vmem_shared>>
        tpu.wait_indirect_dma semaphore(%arg12 : memref<!tpu.dma_semaphore, #tpu.memory_space<semaphore_mem>>) src(%dma_wait3A_299 : memref<10240x16xf32, #tpu.memory_space<vmem_shared>>) dst(%dma_wait3A_293 : memref<2000x16xf32, #tpu.memory_space<vmem>>)
      } else {
      }
      %scan3A_287 = arith.constant 0 : i32
      scf.yield %scan3A_287 : i32
    }
    %scan3A_247 = arith.constant 5 : i32
    %barrier3A_248 = arith.constant 0 : index
    tpu.barrier barrier_id(%barrier3A_248)
    "tpu.region"() ({
      %run_scoped3A = tpu.sem_alloc : memref<!tpu.dma_semaphore, #tpu.memory_space<semaphore_mem>>
      %dma_start3A_249 = arith.constant 0 : i32
      %dma_start3A_250 = tpu.memref_slice %arg5[%arg0, %mul3A_2, %dma_start3A_249] : memref<2x10240x16xf32, #tpu.memory_space<hbm>> -> memref<1x640x16xf32, #tpu.memory_space<hbm>>
      %dma_start3A_251 = tpu.memref_squeeze %dma_start3A_250 : memref<1x640x16xf32, #tpu.memory_space<hbm>> -> memref<640x16xf32, #tpu.memory_space<hbm>>
      %dma_start3A_252 = arith.constant 0 : i32
      %dma_start3A_253 = tpu.memref_slice %arg10[%mul3A_2, %dma_start3A_252] : memref<10240x16xf32, #tpu.memory_space<vmem_shared>> -> memref<640x16xf32, #tpu.memory_space<vmem_shared>>
      tpu.enqueue_dma source(%dma_start3A_253 : memref<640x16xf32, #tpu.memory_space<vmem_shared>>) target(%dma_start3A_251 : memref<640x16xf32, #tpu.memory_space<hbm>>) target_semaphore(%run_scoped3A : memref<!tpu.dma_semaphore, #tpu.memory_space<semaphore_mem>>)
      %dma_wait3A_254 = arith.constant 0 : i32
      %dma_wait3A_255 = tpu.memref_slice %arg5[%arg0, %mul3A_2, %dma_wait3A_254] : memref<2x10240x16xf32, #tpu.memory_space<hbm>> -> memref<1x640x16xf32, #tpu.memory_space<hbm>>
      %dma_wait3A_256 = tpu.memref_squeeze %dma_wait3A_255 : memref<1x640x16xf32, #tpu.memory_space<hbm>> -> memref<640x16xf32, #tpu.memory_space<hbm>>
      %dma_wait3A_257 = arith.constant 0 : i32
      %dma_wait3A_258 = tpu.memref_slice %arg10[%mul3A_2, %dma_wait3A_257] : memref<10240x16xf32, #tpu.memory_space<vmem_shared>> -> memref<640x16xf32, #tpu.memory_space<vmem_shared>>
      tpu.wait_dma2 semaphore(%run_scoped3A : memref<!tpu.dma_semaphore, #tpu.memory_space<semaphore_mem>>) src(%dma_wait3A_258 : memref<640x16xf32, #tpu.memory_space<vmem_shared>>) dst(%dma_wait3A_256 : memref<640x16xf32, #tpu.memory_space<hbm>>)
      tpu.yield
    }) : () -> ()
    return
  }
}

#map = affine_map<(d0, d1) -> (0, 0)>
#map1 = affine_map<(d0, d1) -> (0)>
#map2 = affine_map<(d0, d1) -> (0, 0, 0)>
module attributes {stable_mosaic.version = 14 : i64} {
  func.func @k(%arg0: i32, %arg1: i32, %arg2: memref<10240x16xf32, #tpu.memory_space<hbm>>, %arg3: memref<320000xi32, #tpu.memory_space<hbm>>, %arg4: memref<320000xi32, #tpu.memory_space<hbm>>, %arg5: memref<2x10240x16xf32, #tpu.memory_space<hbm>>, %arg6: memref<5x2000xi32, #tpu.memory_space<vmem>>, %arg7: memref<5x2000xi32, #tpu.memory_space<vmem>>, %arg8: memref<2x2000x16xf32, #tpu.memory_space<vmem>>, %arg9: memref<640x16xf32, #tpu.memory_space<vmem>>, %arg10: memref<10240x16xf32, #tpu.memory_space<vmem_shared>>, %arg11: memref<10240x16xf32, #tpu.memory_space<vmem_shared>>, %arg12: memref<!tpu.dma_semaphore, #tpu.memory_space<semaphore_mem>>, %arg13: memref<!tpu.dma_semaphore, #tpu.memory_space<semaphore_mem>>) attributes {dimension_semantics = [#tpu.dimension_semantics<core_parallel>, #tpu.dimension_semantics<subcore_parallel>], iteration_bounds = array<i64: 2, 16>, scalar_prefetch = 0 : i64, scratch_operands = 8 : i64, tpu.core_type = #tpu.core_type<sc_vector_subcore>, window_params = [{transform_indices = #map}, {transform_indices = #map1}, {transform_indices = #map1}, {transform_indices = #map2}]} {
    %mul3A = arith.constant 2 : i32
    %mul3A_0 = arith.muli %arg1, %mul3A : i32
    %add3A = arith.addi %mul3A_0, %arg0 : i32
    %mul3A_1 = arith.constant 640 : i32
    %mul3A_2 = arith.muli %arg1, %mul3A_1 : i32
    %mul3A_3 = arith.constant 10000 : i32
    %mul3A_4 = arith.muli %add3A, %mul3A_3 : i32
    %dma_start3A = arith.constant 0 : i32
    %dma_start3A_5 = tpu.memref_slice %arg11[%mul3A_2, %dma_start3A] : memref<10240x16xf32, #tpu.memory_space<vmem_shared>> -> memref<640x16xf32, #tpu.memory_space<vmem_shared>>
    %dma_start3A_6 = arith.constant 0 : i32
    %dma_start3A_7 = tpu.memref_slice %arg2[%mul3A_2, %dma_start3A_6] : memref<10240x16xf32, #tpu.memory_space<hbm>> -> memref<640x16xf32, #tpu.memory_space<hbm>>
    tpu.enqueue_dma source(%dma_start3A_7 : memref<640x16xf32, #tpu.memory_space<hbm>>) target(%dma_start3A_5 : memref<640x16xf32, #tpu.memory_space<vmem_shared>>) target_semaphore(%arg12 : memref<!tpu.dma_semaphore, #tpu.memory_space<semaphore_mem>>)
    %add3A_8 = arith.constant 0 : i32
    %add3A_9 = arith.addi %mul3A_4, %add3A_8 : i32
    %dma_start3A_10 = arith.constant 0 : i32
    %dma_start3A_11 = arith.constant 0 : i32
    %dma_start3A_12 = tpu.memref_slice %arg6[%dma_start3A_10, %dma_start3A_11] : memref<5x2000xi32, #tpu.memory_space<vmem>> -> memref<1x2000xi32, #tpu.memory_space<vmem>>
    %dma_start3A_13 = tpu.memref_squeeze %dma_start3A_12 : memref<1x2000xi32, #tpu.memory_space<vmem>> -> memref<2000xi32, #tpu.memory_space<vmem>>
    %dma_start3A_14 = tpu.memref_slice %arg3[%add3A_9] : memref<320000xi32, #tpu.memory_space<hbm>> -> memref<2000xi32, #tpu.memory_space<hbm>>
    %dma_start3A_15 = arith.constant 0 : i32
    %dma_start3A_16 = tpu.memref_slice %arg6[%dma_start3A_10, %dma_start3A_15] : memref<5x2000xi32, #tpu.memory_space<vmem>> -> memref<1x2000xi32, #tpu.memory_space<vmem>>
    %dma_start3A_17 = tpu.memref_squeeze %dma_start3A_16 : memref<1x2000xi32, #tpu.memory_space<vmem>> -> memref<2000xi32, #tpu.memory_space<vmem>>
    %dma_start3A_18 = tpu.memref_slice %arg3[%add3A_9] : memref<320000xi32, #tpu.memory_space<hbm>> -> memref<2000xi32, #tpu.memory_space<hbm>>
    tpu.enqueue_dma source(%dma_start3A_18 : memref<2000xi32, #tpu.memory_space<hbm>>) target(%dma_start3A_17 : memref<2000xi32, #tpu.memory_space<vmem>>) target_semaphore(%arg12 : memref<!tpu.dma_semaphore, #tpu.memory_space<semaphore_mem>>)
    %add3A_19 = arith.constant 0 : i32
    %add3A_20 = arith.addi %mul3A_4, %add3A_19 : i32
    %dma_start3A_21 = arith.constant 0 : i32
    %dma_start3A_22 = arith.constant 0 : i32
    %dma_start3A_23 = tpu.memref_slice %arg7[%dma_start3A_21, %dma_start3A_22] : memref<5x2000xi32, #tpu.memory_space<vmem>> -> memref<1x2000xi32, #tpu.memory_space<vmem>>
    %dma_start3A_24 = tpu.memref_squeeze %dma_start3A_23 : memref<1x2000xi32, #tpu.memory_space<vmem>> -> memref<2000xi32, #tpu.memory_space<vmem>>
    %dma_start3A_25 = tpu.memref_slice %arg4[%add3A_20] : memref<320000xi32, #tpu.memory_space<hbm>> -> memref<2000xi32, #tpu.memory_space<hbm>>
    %dma_start3A_26 = arith.constant 0 : i32
    %dma_start3A_27 = tpu.memref_slice %arg7[%dma_start3A_21, %dma_start3A_26] : memref<5x2000xi32, #tpu.memory_space<vmem>> -> memref<1x2000xi32, #tpu.memory_space<vmem>>
    %dma_start3A_28 = tpu.memref_squeeze %dma_start3A_27 : memref<1x2000xi32, #tpu.memory_space<vmem>> -> memref<2000xi32, #tpu.memory_space<vmem>>
    %dma_start3A_29 = tpu.memref_slice %arg4[%add3A_20] : memref<320000xi32, #tpu.memory_space<hbm>> -> memref<2000xi32, #tpu.memory_space<hbm>>
    tpu.enqueue_dma source(%dma_start3A_29 : memref<2000xi32, #tpu.memory_space<hbm>>) target(%dma_start3A_28 : memref<2000xi32, #tpu.memory_space<vmem>>) target_semaphore(%arg12 : memref<!tpu.dma_semaphore, #tpu.memory_space<semaphore_mem>>)
    %add3A_30 = arith.constant 2000 : i32
    %add3A_31 = arith.addi %mul3A_4, %add3A_30 : i32
    %dma_start3A_32 = arith.constant 1 : i32
    %dma_start3A_33 = arith.constant 0 : i32
    %dma_start3A_34 = tpu.memref_slice %arg6[%dma_start3A_32, %dma_start3A_33] : memref<5x2000xi32, #tpu.memory_space<vmem>> -> memref<1x2000xi32, #tpu.memory_space<vmem>>
    %dma_start3A_35 = tpu.memref_squeeze %dma_start3A_34 : memref<1x2000xi32, #tpu.memory_space<vmem>> -> memref<2000xi32, #tpu.memory_space<vmem>>
    %dma_start3A_36 = tpu.memref_slice %arg3[%add3A_31] : memref<320000xi32, #tpu.memory_space<hbm>> -> memref<2000xi32, #tpu.memory_space<hbm>>
    %dma_start3A_37 = arith.constant 0 : i32
    %dma_start3A_38 = tpu.memref_slice %arg6[%dma_start3A_32, %dma_start3A_37] : memref<5x2000xi32, #tpu.memory_space<vmem>> -> memref<1x2000xi32, #tpu.memory_space<vmem>>
    %dma_start3A_39 = tpu.memref_squeeze %dma_start3A_38 : memref<1x2000xi32, #tpu.memory_space<vmem>> -> memref<2000xi32, #tpu.memory_space<vmem>>
    %dma_start3A_40 = tpu.memref_slice %arg3[%add3A_31] : memref<320000xi32, #tpu.memory_space<hbm>> -> memref<2000xi32, #tpu.memory_space<hbm>>
    tpu.enqueue_dma source(%dma_start3A_40 : memref<2000xi32, #tpu.memory_space<hbm>>) target(%dma_start3A_39 : memref<2000xi32, #tpu.memory_space<vmem>>) target_semaphore(%arg12 : memref<!tpu.dma_semaphore, #tpu.memory_space<semaphore_mem>>)
    %add3A_41 = arith.constant 2000 : i32
    %add3A_42 = arith.addi %mul3A_4, %add3A_41 : i32
    %dma_start3A_43 = arith.constant 1 : i32
    %dma_start3A_44 = arith.constant 0 : i32
    %dma_start3A_45 = tpu.memref_slice %arg7[%dma_start3A_43, %dma_start3A_44] : memref<5x2000xi32, #tpu.memory_space<vmem>> -> memref<1x2000xi32, #tpu.memory_space<vmem>>
    %dma_start3A_46 = tpu.memref_squeeze %dma_start3A_45 : memref<1x2000xi32, #tpu.memory_space<vmem>> -> memref<2000xi32, #tpu.memory_space<vmem>>
    %dma_start3A_47 = tpu.memref_slice %arg4[%add3A_42] : memref<320000xi32, #tpu.memory_space<hbm>> -> memref<2000xi32, #tpu.memory_space<hbm>>
    %dma_start3A_48 = arith.constant 0 : i32
    %dma_start3A_49 = tpu.memref_slice %arg7[%dma_start3A_43, %dma_start3A_48] : memref<5x2000xi32, #tpu.memory_space<vmem>> -> memref<1x2000xi32, #tpu.memory_space<vmem>>
    %dma_start3A_50 = tpu.memref_squeeze %dma_start3A_49 : memref<1x2000xi32, #tpu.memory_space<vmem>> -> memref<2000xi32, #tpu.memory_space<vmem>>
    %dma_start3A_51 = tpu.memref_slice %arg4[%add3A_42] : memref<320000xi32, #tpu.memory_space<hbm>> -> memref<2000xi32, #tpu.memory_space<hbm>>
    tpu.enqueue_dma source(%dma_start3A_51 : memref<2000xi32, #tpu.memory_space<hbm>>) target(%dma_start3A_50 : memref<2000xi32, #tpu.memory_space<vmem>>) target_semaphore(%arg12 : memref<!tpu.dma_semaphore, #tpu.memory_space<semaphore_mem>>)
    %add3A_52 = arith.constant 4000 : i32
    %add3A_53 = arith.addi %mul3A_4, %add3A_52 : i32
    %dma_start3A_54 = arith.constant 2 : i32
    %dma_start3A_55 = arith.constant 0 : i32
    %dma_start3A_56 = tpu.memref_slice %arg6[%dma_start3A_54, %dma_start3A_55] : memref<5x2000xi32, #tpu.memory_space<vmem>> -> memref<1x2000xi32, #tpu.memory_space<vmem>>
    %dma_start3A_57 = tpu.memref_squeeze %dma_start3A_56 : memref<1x2000xi32, #tpu.memory_space<vmem>> -> memref<2000xi32, #tpu.memory_space<vmem>>
    %dma_start3A_58 = tpu.memref_slice %arg3[%add3A_53] : memref<320000xi32, #tpu.memory_space<hbm>> -> memref<2000xi32, #tpu.memory_space<hbm>>
    %dma_start3A_59 = arith.constant 0 : i32
    %dma_start3A_60 = tpu.memref_slice %arg6[%dma_start3A_54, %dma_start3A_59] : memref<5x2000xi32, #tpu.memory_space<vmem>> -> memref<1x2000xi32, #tpu.memory_space<vmem>>
    %dma_start3A_61 = tpu.memref_squeeze %dma_start3A_60 : memref<1x2000xi32, #tpu.memory_space<vmem>> -> memref<2000xi32, #tpu.memory_space<vmem>>
    %dma_start3A_62 = tpu.memref_slice %arg3[%add3A_53] : memref<320000xi32, #tpu.memory_space<hbm>> -> memref<2000xi32, #tpu.memory_space<hbm>>
    tpu.enqueue_dma source(%dma_start3A_62 : memref<2000xi32, #tpu.memory_space<hbm>>) target(%dma_start3A_61 : memref<2000xi32, #tpu.memory_space<vmem>>) target_semaphore(%arg12 : memref<!tpu.dma_semaphore, #tpu.memory_space<semaphore_mem>>)
    %add3A_63 = arith.constant 4000 : i32
    %add3A_64 = arith.addi %mul3A_4, %add3A_63 : i32
    %dma_start3A_65 = arith.constant 2 : i32
    %dma_start3A_66 = arith.constant 0 : i32
    %dma_start3A_67 = tpu.memref_slice %arg7[%dma_start3A_65, %dma_start3A_66] : memref<5x2000xi32, #tpu.memory_space<vmem>> -> memref<1x2000xi32, #tpu.memory_space<vmem>>
    %dma_start3A_68 = tpu.memref_squeeze %dma_start3A_67 : memref<1x2000xi32, #tpu.memory_space<vmem>> -> memref<2000xi32, #tpu.memory_space<vmem>>
    %dma_start3A_69 = tpu.memref_slice %arg4[%add3A_64] : memref<320000xi32, #tpu.memory_space<hbm>> -> memref<2000xi32, #tpu.memory_space<hbm>>
    %dma_start3A_70 = arith.constant 0 : i32
    %dma_start3A_71 = tpu.memref_slice %arg7[%dma_start3A_65, %dma_start3A_70] : memref<5x2000xi32, #tpu.memory_space<vmem>> -> memref<1x2000xi32, #tpu.memory_space<vmem>>
    %dma_start3A_72 = tpu.memref_squeeze %dma_start3A_71 : memref<1x2000xi32, #tpu.memory_space<vmem>> -> memref<2000xi32, #tpu.memory_space<vmem>>
    %dma_start3A_73 = tpu.memref_slice %arg4[%add3A_64] : memref<320000xi32, #tpu.memory_space<hbm>> -> memref<2000xi32, #tpu.memory_space<hbm>>
    tpu.enqueue_dma source(%dma_start3A_73 : memref<2000xi32, #tpu.memory_space<hbm>>) target(%dma_start3A_72 : memref<2000xi32, #tpu.memory_space<vmem>>) target_semaphore(%arg12 : memref<!tpu.dma_semaphore, #tpu.memory_space<semaphore_mem>>)
    %add3A_74 = arith.constant 6000 : i32
    %add3A_75 = arith.addi %mul3A_4, %add3A_74 : i32
    %dma_start3A_76 = arith.constant 3 : i32
    %dma_start3A_77 = arith.constant 0 : i32
    %dma_start3A_78 = tpu.memref_slice %arg6[%dma_start3A_76, %dma_start3A_77] : memref<5x2000xi32, #tpu.memory_space<vmem>> -> memref<1x2000xi32, #tpu.memory_space<vmem>>
    %dma_start3A_79 = tpu.memref_squeeze %dma_start3A_78 : memref<1x2000xi32, #tpu.memory_space<vmem>> -> memref<2000xi32, #tpu.memory_space<vmem>>
    %dma_start3A_80 = tpu.memref_slice %arg3[%add3A_75] : memref<320000xi32, #tpu.memory_space<hbm>> -> memref<2000xi32, #tpu.memory_space<hbm>>
    %dma_start3A_81 = arith.constant 0 : i32
    %dma_start3A_82 = tpu.memref_slice %arg6[%dma_start3A_76, %dma_start3A_81] : memref<5x2000xi32, #tpu.memory_space<vmem>> -> memref<1x2000xi32, #tpu.memory_space<vmem>>
    %dma_start3A_83 = tpu.memref_squeeze %dma_start3A_82 : memref<1x2000xi32, #tpu.memory_space<vmem>> -> memref<2000xi32, #tpu.memory_space<vmem>>
    %dma_start3A_84 = tpu.memref_slice %arg3[%add3A_75] : memref<320000xi32, #tpu.memory_space<hbm>> -> memref<2000xi32, #tpu.memory_space<hbm>>
    tpu.enqueue_dma source(%dma_start3A_84 : memref<2000xi32, #tpu.memory_space<hbm>>) target(%dma_start3A_83 : memref<2000xi32, #tpu.memory_space<vmem>>) target_semaphore(%arg12 : memref<!tpu.dma_semaphore, #tpu.memory_space<semaphore_mem>>)
    %add3A_85 = arith.constant 6000 : i32
    %add3A_86 = arith.addi %mul3A_4, %add3A_85 : i32
    %dma_start3A_87 = arith.constant 3 : i32
    %dma_start3A_88 = arith.constant 0 : i32
    %dma_start3A_89 = tpu.memref_slice %arg7[%dma_start3A_87, %dma_start3A_88] : memref<5x2000xi32, #tpu.memory_space<vmem>> -> memref<1x2000xi32, #tpu.memory_space<vmem>>
    %dma_start3A_90 = tpu.memref_squeeze %dma_start3A_89 : memref<1x2000xi32, #tpu.memory_space<vmem>> -> memref<2000xi32, #tpu.memory_space<vmem>>
    %dma_start3A_91 = tpu.memref_slice %arg4[%add3A_86] : memref<320000xi32, #tpu.memory_space<hbm>> -> memref<2000xi32, #tpu.memory_space<hbm>>
    %dma_start3A_92 = arith.constant 0 : i32
    %dma_start3A_93 = tpu.memref_slice %arg7[%dma_start3A_87, %dma_start3A_92] : memref<5x2000xi32, #tpu.memory_space<vmem>> -> memref<1x2000xi32, #tpu.memory_space<vmem>>
    %dma_start3A_94 = tpu.memref_squeeze %dma_start3A_93 : memref<1x2000xi32, #tpu.memory_space<vmem>> -> memref<2000xi32, #tpu.memory_space<vmem>>
    %dma_start3A_95 = tpu.memref_slice %arg4[%add3A_86] : memref<320000xi32, #tpu.memory_space<hbm>> -> memref<2000xi32, #tpu.memory_space<hbm>>
    tpu.enqueue_dma source(%dma_start3A_95 : memref<2000xi32, #tpu.memory_space<hbm>>) target(%dma_start3A_94 : memref<2000xi32, #tpu.memory_space<vmem>>) target_semaphore(%arg12 : memref<!tpu.dma_semaphore, #tpu.memory_space<semaphore_mem>>)
    %add3A_96 = arith.constant 8000 : i32
    %add3A_97 = arith.addi %mul3A_4, %add3A_96 : i32
    %dma_start3A_98 = arith.constant 4 : i32
    %dma_start3A_99 = arith.constant 0 : i32
    %dma_start3A_100 = tpu.memref_slice %arg6[%dma_start3A_98, %dma_start3A_99] : memref<5x2000xi32, #tpu.memory_space<vmem>> -> memref<1x2000xi32, #tpu.memory_space<vmem>>
    %dma_start3A_101 = tpu.memref_squeeze %dma_start3A_100 : memref<1x2000xi32, #tpu.memory_space<vmem>> -> memref<2000xi32, #tpu.memory_space<vmem>>
    %dma_start3A_102 = tpu.memref_slice %arg3[%add3A_97] : memref<320000xi32, #tpu.memory_space<hbm>> -> memref<2000xi32, #tpu.memory_space<hbm>>
    %dma_start3A_103 = arith.constant 0 : i32
    %dma_start3A_104 = tpu.memref_slice %arg6[%dma_start3A_98, %dma_start3A_103] : memref<5x2000xi32, #tpu.memory_space<vmem>> -> memref<1x2000xi32, #tpu.memory_space<vmem>>
    %dma_start3A_105 = tpu.memref_squeeze %dma_start3A_104 : memref<1x2000xi32, #tpu.memory_space<vmem>> -> memref<2000xi32, #tpu.memory_space<vmem>>
    %dma_start3A_106 = tpu.memref_slice %arg3[%add3A_97] : memref<320000xi32, #tpu.memory_space<hbm>> -> memref<2000xi32, #tpu.memory_space<hbm>>
    tpu.enqueue_dma source(%dma_start3A_106 : memref<2000xi32, #tpu.memory_space<hbm>>) target(%dma_start3A_105 : memref<2000xi32, #tpu.memory_space<vmem>>) target_semaphore(%arg12 : memref<!tpu.dma_semaphore, #tpu.memory_space<semaphore_mem>>)
    %add3A_107 = arith.constant 8000 : i32
    %add3A_108 = arith.addi %mul3A_4, %add3A_107 : i32
    %dma_start3A_109 = arith.constant 4 : i32
    %dma_start3A_110 = arith.constant 0 : i32
    %dma_start3A_111 = tpu.memref_slice %arg7[%dma_start3A_109, %dma_start3A_110] : memref<5x2000xi32, #tpu.memory_space<vmem>> -> memref<1x2000xi32, #tpu.memory_space<vmem>>
    %dma_start3A_112 = tpu.memref_squeeze %dma_start3A_111 : memref<1x2000xi32, #tpu.memory_space<vmem>> -> memref<2000xi32, #tpu.memory_space<vmem>>
    %dma_start3A_113 = tpu.memref_slice %arg4[%add3A_108] : memref<320000xi32, #tpu.memory_space<hbm>> -> memref<2000xi32, #tpu.memory_space<hbm>>
    %dma_start3A_114 = arith.constant 0 : i32
    %dma_start3A_115 = tpu.memref_slice %arg7[%dma_start3A_109, %dma_start3A_114] : memref<5x2000xi32, #tpu.memory_space<vmem>> -> memref<1x2000xi32, #tpu.memory_space<vmem>>
    %dma_start3A_116 = tpu.memref_squeeze %dma_start3A_115 : memref<1x2000xi32, #tpu.memory_space<vmem>> -> memref<2000xi32, #tpu.memory_space<vmem>>
    %dma_start3A_117 = tpu.memref_slice %arg4[%add3A_108] : memref<320000xi32, #tpu.memory_space<hbm>> -> memref<2000xi32, #tpu.memory_space<hbm>>
    tpu.enqueue_dma source(%dma_start3A_117 : memref<2000xi32, #tpu.memory_space<hbm>>) target(%dma_start3A_116 : memref<2000xi32, #tpu.memory_space<vmem>>) target_semaphore(%arg12 : memref<!tpu.dma_semaphore, #tpu.memory_space<semaphore_mem>>)
    %scan3A = arith.constant 0 : i32
    %scan3A_118 = arith.constant 0 : i32
    %scan3A_119 = arith.constant 640 : i32
    %scan3A_120 = arith.addi %scan3A_118, %scan3A_119 : i32
    %scan3A_121 = arith.constant 1 : i32
    %scan3A_122 = scf.for %scan3A_249 = %scan3A_118 to %scan3A_120 step %scan3A_121 iter_args(%scan3A_250 = %scan3A) -> (i32)  : i32 {
      %broadcast_in_dim3A = arith.constant 0.000000e+00 : f32
      %broadcast_in_dim3A_251 = vector.broadcast %broadcast_in_dim3A : f32 to vector<16xf32>
      %swap3A = arith.index_cast %scan3A_249 : i32 to index
      %swap3A_252 = arith.constant 0 : index
      %swap3A_253 = tpu.vector_load %arg9[%swap3A, %swap3A_252] {strides = array<i32>} : memref<640x16xf32, #tpu.memory_space<vmem>>, vector<1x16xf32>,
      %swap3A_254 = vector.shape_cast %swap3A_253 : vector<1x16xf32> to vector<16xf32>
      %swap3A_255 = vector.shape_cast %broadcast_in_dim3A_251 : vector<16xf32> to vector<1x16xf32>
      tpu.vector_store %arg9[%swap3A, %swap3A_252], %swap3A_255 {strides = array<i32>} : memref<640x16xf32, #tpu.memory_space<vmem>>, vector<1x16xf32>,
      %scan3A_256 = arith.constant 0 : i32
      scf.yield %scan3A_256 : i32
    }
    %scan3A_123 = arith.constant 640 : i32
    "tpu.region"() ({
      %run_scoped3A = tpu.sem_alloc : memref<!tpu.dma_semaphore, #tpu.memory_space<semaphore_mem>>
      %dma_start3A_249 = arith.constant 0 : i32
      %dma_start3A_250 = tpu.memref_slice %arg10[%mul3A_2, %dma_start3A_249] : memref<10240x16xf32, #tpu.memory_space<vmem_shared>> -> memref<640x16xf32, #tpu.memory_space<vmem_shared>>
      %dma_start3A_251 = arith.constant 0 : i32
      %dma_start3A_252 = tpu.memref_slice %arg10[%mul3A_2, %dma_start3A_251] : memref<10240x16xf32, #tpu.memory_space<vmem_shared>> -> memref<640x16xf32, #tpu.memory_space<vmem_shared>>
      tpu.enqueue_dma source(%arg9 : memref<640x16xf32, #tpu.memory_space<vmem>>) target(%dma_start3A_252 : memref<640x16xf32, #tpu.memory_space<vmem_shared>>) target_semaphore(%run_scoped3A : memref<!tpu.dma_semaphore, #tpu.memory_space<semaphore_mem>>)
      %dma_wait3A_253 = arith.constant 0 : i32
      %dma_wait3A_254 = tpu.memref_slice %arg10[%mul3A_2, %dma_wait3A_253] : memref<10240x16xf32, #tpu.memory_space<vmem_shared>> -> memref<640x16xf32, #tpu.memory_space<vmem_shared>>
      %dma_wait3A_255 = arith.constant 0 : i32
      %dma_wait3A_256 = tpu.memref_slice %arg10[%mul3A_2, %dma_wait3A_255] : memref<10240x16xf32, #tpu.memory_space<vmem_shared>> -> memref<640x16xf32, #tpu.memory_space<vmem_shared>>
      tpu.wait_dma2 semaphore(%run_scoped3A : memref<!tpu.dma_semaphore, #tpu.memory_space<semaphore_mem>>) src(%arg9 : memref<640x16xf32, #tpu.memory_space<vmem>>) dst(%dma_wait3A_256 : memref<640x16xf32, #tpu.memory_space<vmem_shared>>)
      tpu.yield
    }) : () -> ()
    %dma_wait3A = arith.constant 0 : i32
    %dma_wait3A_124 = tpu.memref_slice %arg11[%mul3A_2, %dma_wait3A] : memref<10240x16xf32, #tpu.memory_space<vmem_shared>> -> memref<640x16xf32, #tpu.memory_space<vmem_shared>>
    %dma_wait3A_125 = arith.constant 0 : i32
    %dma_wait3A_126 = tpu.memref_slice %arg2[%mul3A_2, %dma_wait3A_125] : memref<10240x16xf32, #tpu.memory_space<hbm>> -> memref<640x16xf32, #tpu.memory_space<hbm>>
    tpu.wait_dma2 semaphore(%arg12 : memref<!tpu.dma_semaphore, #tpu.memory_space<semaphore_mem>>) src(%dma_wait3A_126 : memref<640x16xf32, #tpu.memory_space<hbm>>) dst(%dma_wait3A_124 : memref<640x16xf32, #tpu.memory_space<vmem_shared>>)
    %dma_wait3A_127 = arith.constant 0 : i32
    %dma_wait3A_128 = arith.constant 0 : i32
    %dma_wait3A_129 = tpu.memref_slice %arg6[%dma_wait3A_127, %dma_wait3A_128] : memref<5x2000xi32, #tpu.memory_space<vmem>> -> memref<1x2000xi32, #tpu.memory_space<vmem>>
    %dma_wait3A_130 = tpu.memref_squeeze %dma_wait3A_129 : memref<1x2000xi32, #tpu.memory_space<vmem>> -> memref<2000xi32, #tpu.memory_space<vmem>>
    %dma_wait3A_131 = tpu.memref_slice %arg3[%add3A_9] : memref<320000xi32, #tpu.memory_space<hbm>> -> memref<2000xi32, #tpu.memory_space<hbm>>
    %dma_wait3A_132 = arith.constant 0 : i32
    %dma_wait3A_133 = tpu.memref_slice %arg6[%dma_wait3A_127, %dma_wait3A_132] : memref<5x2000xi32, #tpu.memory_space<vmem>> -> memref<1x2000xi32, #tpu.memory_space<vmem>>
    %dma_wait3A_134 = tpu.memref_squeeze %dma_wait3A_133 : memref<1x2000xi32, #tpu.memory_space<vmem>> -> memref<2000xi32, #tpu.memory_space<vmem>>
    %dma_wait3A_135 = tpu.memref_slice %arg3[%add3A_9] : memref<320000xi32, #tpu.memory_space<hbm>> -> memref<2000xi32, #tpu.memory_space<hbm>>
    tpu.wait_dma2 semaphore(%arg12 : memref<!tpu.dma_semaphore, #tpu.memory_space<semaphore_mem>>) src(%dma_wait3A_135 : memref<2000xi32, #tpu.memory_space<hbm>>) dst(%dma_wait3A_134 : memref<2000xi32, #tpu.memory_space<vmem>>)
    %dma_wait3A_136 = arith.constant 0 : i32
    %dma_wait3A_137 = arith.constant 0 : i32
    %dma_wait3A_138 = tpu.memref_slice %arg7[%dma_wait3A_136, %dma_wait3A_137] : memref<5x2000xi32, #tpu.memory_space<vmem>> -> memref<1x2000xi32, #tpu.memory_space<vmem>>
    %dma_wait3A_139 = tpu.memref_squeeze %dma_wait3A_138 : memref<1x2000xi32, #tpu.memory_space<vmem>> -> memref<2000xi32, #tpu.memory_space<vmem>>
    %dma_wait3A_140 = tpu.memref_slice %arg4[%add3A_20] : memref<320000xi32, #tpu.memory_space<hbm>> -> memref<2000xi32, #tpu.memory_space<hbm>>
    %dma_wait3A_141 = arith.constant 0 : i32
    %dma_wait3A_142 = tpu.memref_slice %arg7[%dma_wait3A_136, %dma_wait3A_141] : memref<5x2000xi32, #tpu.memory_space<vmem>> -> memref<1x2000xi32, #tpu.memory_space<vmem>>
    %dma_wait3A_143 = tpu.memref_squeeze %dma_wait3A_142 : memref<1x2000xi32, #tpu.memory_space<vmem>> -> memref<2000xi32, #tpu.memory_space<vmem>>
    %dma_wait3A_144 = tpu.memref_slice %arg4[%add3A_20] : memref<320000xi32, #tpu.memory_space<hbm>> -> memref<2000xi32, #tpu.memory_space<hbm>>
    tpu.wait_dma2 semaphore(%arg12 : memref<!tpu.dma_semaphore, #tpu.memory_space<semaphore_mem>>) src(%dma_wait3A_144 : memref<2000xi32, #tpu.memory_space<hbm>>) dst(%dma_wait3A_143 : memref<2000xi32, #tpu.memory_space<vmem>>)
    %dma_wait3A_145 = arith.constant 1 : i32
    %dma_wait3A_146 = arith.constant 0 : i32
    %dma_wait3A_147 = tpu.memref_slice %arg6[%dma_wait3A_145, %dma_wait3A_146] : memref<5x2000xi32, #tpu.memory_space<vmem>> -> memref<1x2000xi32, #tpu.memory_space<vmem>>
    %dma_wait3A_148 = tpu.memref_squeeze %dma_wait3A_147 : memref<1x2000xi32, #tpu.memory_space<vmem>> -> memref<2000xi32, #tpu.memory_space<vmem>>
    %dma_wait3A_149 = tpu.memref_slice %arg3[%add3A_31] : memref<320000xi32, #tpu.memory_space<hbm>> -> memref<2000xi32, #tpu.memory_space<hbm>>
    %dma_wait3A_150 = arith.constant 0 : i32
    %dma_wait3A_151 = tpu.memref_slice %arg6[%dma_wait3A_145, %dma_wait3A_150] : memref<5x2000xi32, #tpu.memory_space<vmem>> -> memref<1x2000xi32, #tpu.memory_space<vmem>>
    %dma_wait3A_152 = tpu.memref_squeeze %dma_wait3A_151 : memref<1x2000xi32, #tpu.memory_space<vmem>> -> memref<2000xi32, #tpu.memory_space<vmem>>
    %dma_wait3A_153 = tpu.memref_slice %arg3[%add3A_31] : memref<320000xi32, #tpu.memory_space<hbm>> -> memref<2000xi32, #tpu.memory_space<hbm>>
    tpu.wait_dma2 semaphore(%arg12 : memref<!tpu.dma_semaphore, #tpu.memory_space<semaphore_mem>>) src(%dma_wait3A_153 : memref<2000xi32, #tpu.memory_space<hbm>>) dst(%dma_wait3A_152 : memref<2000xi32, #tpu.memory_space<vmem>>)
    %dma_wait3A_154 = arith.constant 1 : i32
    %dma_wait3A_155 = arith.constant 0 : i32
    %dma_wait3A_156 = tpu.memref_slice %arg7[%dma_wait3A_154, %dma_wait3A_155] : memref<5x2000xi32, #tpu.memory_space<vmem>> -> memref<1x2000xi32, #tpu.memory_space<vmem>>
    %dma_wait3A_157 = tpu.memref_squeeze %dma_wait3A_156 : memref<1x2000xi32, #tpu.memory_space<vmem>> -> memref<2000xi32, #tpu.memory_space<vmem>>
    %dma_wait3A_158 = tpu.memref_slice %arg4[%add3A_42] : memref<320000xi32, #tpu.memory_space<hbm>> -> memref<2000xi32, #tpu.memory_space<hbm>>
    %dma_wait3A_159 = arith.constant 0 : i32
    %dma_wait3A_160 = tpu.memref_slice %arg7[%dma_wait3A_154, %dma_wait3A_159] : memref<5x2000xi32, #tpu.memory_space<vmem>> -> memref<1x2000xi32, #tpu.memory_space<vmem>>
    %dma_wait3A_161 = tpu.memref_squeeze %dma_wait3A_160 : memref<1x2000xi32, #tpu.memory_space<vmem>> -> memref<2000xi32, #tpu.memory_space<vmem>>
    %dma_wait3A_162 = tpu.memref_slice %arg4[%add3A_42] : memref<320000xi32, #tpu.memory_space<hbm>> -> memref<2000xi32, #tpu.memory_space<hbm>>
    tpu.wait_dma2 semaphore(%arg12 : memref<!tpu.dma_semaphore, #tpu.memory_space<semaphore_mem>>) src(%dma_wait3A_162 : memref<2000xi32, #tpu.memory_space<hbm>>) dst(%dma_wait3A_161 : memref<2000xi32, #tpu.memory_space<vmem>>)
    %dma_wait3A_163 = arith.constant 2 : i32
    %dma_wait3A_164 = arith.constant 0 : i32
    %dma_wait3A_165 = tpu.memref_slice %arg6[%dma_wait3A_163, %dma_wait3A_164] : memref<5x2000xi32, #tpu.memory_space<vmem>> -> memref<1x2000xi32, #tpu.memory_space<vmem>>
    %dma_wait3A_166 = tpu.memref_squeeze %dma_wait3A_165 : memref<1x2000xi32, #tpu.memory_space<vmem>> -> memref<2000xi32, #tpu.memory_space<vmem>>
    %dma_wait3A_167 = tpu.memref_slice %arg3[%add3A_53] : memref<320000xi32, #tpu.memory_space<hbm>> -> memref<2000xi32, #tpu.memory_space<hbm>>
    %dma_wait3A_168 = arith.constant 0 : i32
    %dma_wait3A_169 = tpu.memref_slice %arg6[%dma_wait3A_163, %dma_wait3A_168] : memref<5x2000xi32, #tpu.memory_space<vmem>> -> memref<1x2000xi32, #tpu.memory_space<vmem>>
    %dma_wait3A_170 = tpu.memref_squeeze %dma_wait3A_169 : memref<1x2000xi32, #tpu.memory_space<vmem>> -> memref<2000xi32, #tpu.memory_space<vmem>>
    %dma_wait3A_171 = tpu.memref_slice %arg3[%add3A_53] : memref<320000xi32, #tpu.memory_space<hbm>> -> memref<2000xi32, #tpu.memory_space<hbm>>
    tpu.wait_dma2 semaphore(%arg12 : memref<!tpu.dma_semaphore, #tpu.memory_space<semaphore_mem>>) src(%dma_wait3A_171 : memref<2000xi32, #tpu.memory_space<hbm>>) dst(%dma_wait3A_170 : memref<2000xi32, #tpu.memory_space<vmem>>)
    %dma_wait3A_172 = arith.constant 2 : i32
    %dma_wait3A_173 = arith.constant 0 : i32
    %dma_wait3A_174 = tpu.memref_slice %arg7[%dma_wait3A_172, %dma_wait3A_173] : memref<5x2000xi32, #tpu.memory_space<vmem>> -> memref<1x2000xi32, #tpu.memory_space<vmem>>
    %dma_wait3A_175 = tpu.memref_squeeze %dma_wait3A_174 : memref<1x2000xi32, #tpu.memory_space<vmem>> -> memref<2000xi32, #tpu.memory_space<vmem>>
    %dma_wait3A_176 = tpu.memref_slice %arg4[%add3A_64] : memref<320000xi32, #tpu.memory_space<hbm>> -> memref<2000xi32, #tpu.memory_space<hbm>>
    %dma_wait3A_177 = arith.constant 0 : i32
    %dma_wait3A_178 = tpu.memref_slice %arg7[%dma_wait3A_172, %dma_wait3A_177] : memref<5x2000xi32, #tpu.memory_space<vmem>> -> memref<1x2000xi32, #tpu.memory_space<vmem>>
    %dma_wait3A_179 = tpu.memref_squeeze %dma_wait3A_178 : memref<1x2000xi32, #tpu.memory_space<vmem>> -> memref<2000xi32, #tpu.memory_space<vmem>>
    %dma_wait3A_180 = tpu.memref_slice %arg4[%add3A_64] : memref<320000xi32, #tpu.memory_space<hbm>> -> memref<2000xi32, #tpu.memory_space<hbm>>
    tpu.wait_dma2 semaphore(%arg12 : memref<!tpu.dma_semaphore, #tpu.memory_space<semaphore_mem>>) src(%dma_wait3A_180 : memref<2000xi32, #tpu.memory_space<hbm>>) dst(%dma_wait3A_179 : memref<2000xi32, #tpu.memory_space<vmem>>)
    %dma_wait3A_181 = arith.constant 3 : i32
    %dma_wait3A_182 = arith.constant 0 : i32
    %dma_wait3A_183 = tpu.memref_slice %arg6[%dma_wait3A_181, %dma_wait3A_182] : memref<5x2000xi32, #tpu.memory_space<vmem>> -> memref<1x2000xi32, #tpu.memory_space<vmem>>
    %dma_wait3A_184 = tpu.memref_squeeze %dma_wait3A_183 : memref<1x2000xi32, #tpu.memory_space<vmem>> -> memref<2000xi32, #tpu.memory_space<vmem>>
    %dma_wait3A_185 = tpu.memref_slice %arg3[%add3A_75] : memref<320000xi32, #tpu.memory_space<hbm>> -> memref<2000xi32, #tpu.memory_space<hbm>>
    %dma_wait3A_186 = arith.constant 0 : i32
    %dma_wait3A_187 = tpu.memref_slice %arg6[%dma_wait3A_181, %dma_wait3A_186] : memref<5x2000xi32, #tpu.memory_space<vmem>> -> memref<1x2000xi32, #tpu.memory_space<vmem>>
    %dma_wait3A_188 = tpu.memref_squeeze %dma_wait3A_187 : memref<1x2000xi32, #tpu.memory_space<vmem>> -> memref<2000xi32, #tpu.memory_space<vmem>>
    %dma_wait3A_189 = tpu.memref_slice %arg3[%add3A_75] : memref<320000xi32, #tpu.memory_space<hbm>> -> memref<2000xi32, #tpu.memory_space<hbm>>
    tpu.wait_dma2 semaphore(%arg12 : memref<!tpu.dma_semaphore, #tpu.memory_space<semaphore_mem>>) src(%dma_wait3A_189 : memref<2000xi32, #tpu.memory_space<hbm>>) dst(%dma_wait3A_188 : memref<2000xi32, #tpu.memory_space<vmem>>)
    %dma_wait3A_190 = arith.constant 3 : i32
    %dma_wait3A_191 = arith.constant 0 : i32
    %dma_wait3A_192 = tpu.memref_slice %arg7[%dma_wait3A_190, %dma_wait3A_191] : memref<5x2000xi32, #tpu.memory_space<vmem>> -> memref<1x2000xi32, #tpu.memory_space<vmem>>
    %dma_wait3A_193 = tpu.memref_squeeze %dma_wait3A_192 : memref<1x2000xi32, #tpu.memory_space<vmem>> -> memref<2000xi32, #tpu.memory_space<vmem>>
    %dma_wait3A_194 = tpu.memref_slice %arg4[%add3A_86] : memref<320000xi32, #tpu.memory_space<hbm>> -> memref<2000xi32, #tpu.memory_space<hbm>>
    %dma_wait3A_195 = arith.constant 0 : i32
    %dma_wait3A_196 = tpu.memref_slice %arg7[%dma_wait3A_190, %dma_wait3A_195] : memref<5x2000xi32, #tpu.memory_space<vmem>> -> memref<1x2000xi32, #tpu.memory_space<vmem>>
    %dma_wait3A_197 = tpu.memref_squeeze %dma_wait3A_196 : memref<1x2000xi32, #tpu.memory_space<vmem>> -> memref<2000xi32, #tpu.memory_space<vmem>>
    %dma_wait3A_198 = tpu.memref_slice %arg4[%add3A_86] : memref<320000xi32, #tpu.memory_space<hbm>> -> memref<2000xi32, #tpu.memory_space<hbm>>
    tpu.wait_dma2 semaphore(%arg12 : memref<!tpu.dma_semaphore, #tpu.memory_space<semaphore_mem>>) src(%dma_wait3A_198 : memref<2000xi32, #tpu.memory_space<hbm>>) dst(%dma_wait3A_197 : memref<2000xi32, #tpu.memory_space<vmem>>)
    %dma_wait3A_199 = arith.constant 4 : i32
    %dma_wait3A_200 = arith.constant 0 : i32
    %dma_wait3A_201 = tpu.memref_slice %arg6[%dma_wait3A_199, %dma_wait3A_200] : memref<5x2000xi32, #tpu.memory_space<vmem>> -> memref<1x2000xi32, #tpu.memory_space<vmem>>
    %dma_wait3A_202 = tpu.memref_squeeze %dma_wait3A_201 : memref<1x2000xi32, #tpu.memory_space<vmem>> -> memref<2000xi32, #tpu.memory_space<vmem>>
    %dma_wait3A_203 = tpu.memref_slice %arg3[%add3A_97] : memref<320000xi32, #tpu.memory_space<hbm>> -> memref<2000xi32, #tpu.memory_space<hbm>>
    %dma_wait3A_204 = arith.constant 0 : i32
    %dma_wait3A_205 = tpu.memref_slice %arg6[%dma_wait3A_199, %dma_wait3A_204] : memref<5x2000xi32, #tpu.memory_space<vmem>> -> memref<1x2000xi32, #tpu.memory_space<vmem>>
    %dma_wait3A_206 = tpu.memref_squeeze %dma_wait3A_205 : memref<1x2000xi32, #tpu.memory_space<vmem>> -> memref<2000xi32, #tpu.memory_space<vmem>>
    %dma_wait3A_207 = tpu.memref_slice %arg3[%add3A_97] : memref<320000xi32, #tpu.memory_space<hbm>> -> memref<2000xi32, #tpu.memory_space<hbm>>
    tpu.wait_dma2 semaphore(%arg12 : memref<!tpu.dma_semaphore, #tpu.memory_space<semaphore_mem>>) src(%dma_wait3A_207 : memref<2000xi32, #tpu.memory_space<hbm>>) dst(%dma_wait3A_206 : memref<2000xi32, #tpu.memory_space<vmem>>)
    %dma_wait3A_208 = arith.constant 4 : i32
    %dma_wait3A_209 = arith.constant 0 : i32
    %dma_wait3A_210 = tpu.memref_slice %arg7[%dma_wait3A_208, %dma_wait3A_209] : memref<5x2000xi32, #tpu.memory_space<vmem>> -> memref<1x2000xi32, #tpu.memory_space<vmem>>
    %dma_wait3A_211 = tpu.memref_squeeze %dma_wait3A_210 : memref<1x2000xi32, #tpu.memory_space<vmem>> -> memref<2000xi32, #tpu.memory_space<vmem>>
    %dma_wait3A_212 = tpu.memref_slice %arg4[%add3A_108] : memref<320000xi32, #tpu.memory_space<hbm>> -> memref<2000xi32, #tpu.memory_space<hbm>>
    %dma_wait3A_213 = arith.constant 0 : i32
    %dma_wait3A_214 = tpu.memref_slice %arg7[%dma_wait3A_208, %dma_wait3A_213] : memref<5x2000xi32, #tpu.memory_space<vmem>> -> memref<1x2000xi32, #tpu.memory_space<vmem>>
    %dma_wait3A_215 = tpu.memref_squeeze %dma_wait3A_214 : memref<1x2000xi32, #tpu.memory_space<vmem>> -> memref<2000xi32, #tpu.memory_space<vmem>>
    %dma_wait3A_216 = tpu.memref_slice %arg4[%add3A_108] : memref<320000xi32, #tpu.memory_space<hbm>> -> memref<2000xi32, #tpu.memory_space<hbm>>
    tpu.wait_dma2 semaphore(%arg12 : memref<!tpu.dma_semaphore, #tpu.memory_space<semaphore_mem>>) src(%dma_wait3A_216 : memref<2000xi32, #tpu.memory_space<hbm>>) dst(%dma_wait3A_215 : memref<2000xi32, #tpu.memory_space<vmem>>)
    %barrier3A = arith.constant 0 : index
    tpu.barrier barrier_id(%barrier3A)
    %dma_start3A_217 = arith.constant 0 : i32
    %dma_start3A_218 = arith.constant 0 : i32
    %dma_start3A_219 = arith.constant 0 : i32
    %dma_start3A_220 = arith.constant 0 : i32
    %dma_start3A_221 = tpu.memref_slice %arg8[%dma_start3A_218, %dma_start3A_219, %dma_start3A_220] : memref<2x2000x16xf32, #tpu.memory_space<vmem>> -> memref<1x2000x16xf32, #tpu.memory_space<vmem>>
    %dma_start3A_222 = tpu.memref_squeeze %dma_start3A_221 : memref<1x2000x16xf32, #tpu.memory_space<vmem>> -> memref<2000x16xf32, #tpu.memory_space<vmem>>
    %dma_start3A_223 = arith.constant 0 : i32
    %dma_start3A_224 = tpu.memref_slice %arg6[%dma_start3A_217, %dma_start3A_223] : memref<5x2000xi32, #tpu.memory_space<vmem>> -> memref<1x2000xi32, #tpu.memory_space<vmem>>
    %dma_start3A_225 = tpu.memref_squeeze %dma_start3A_224 : memref<1x2000xi32, #tpu.memory_space<vmem>> -> memref<2000xi32, #tpu.memory_space<vmem>>
    %dma_start3A_226 = arith.constant 0 : i32
    %dma_start3A_227 = arith.constant 0 : i32
    %dma_start3A_228 = tpu.memref_slice %arg11[%dma_start3A_226, %dma_start3A_227] : memref<10240x16xf32, #tpu.memory_space<vmem_shared>> -> memref<10240x16xf32, #tpu.memory_space<vmem_shared>>
    tpu.enqueue_indirect_dma source(%dma_start3A_228 : memref<10240x16xf32, #tpu.memory_space<vmem_shared>>) target(%dma_start3A_222 : memref<2000x16xf32, #tpu.memory_space<vmem>>) offsets(%dma_start3A_225 : memref<2000xi32, #tpu.memory_space<vmem>>) semaphore(%arg12 : memref<!tpu.dma_semaphore, #tpu.memory_space<semaphore_mem>>)
    %dma_wait3A_229 = arith.constant 0 : i32
    %dma_wait3A_230 = arith.constant 0 : i32
    %dma_wait3A_231 = arith.constant 0 : i32
    %dma_wait3A_232 = arith.constant 0 : i32
    %dma_wait3A_233 = tpu.memref_slice %arg8[%dma_wait3A_230, %dma_wait3A_231, %dma_wait3A_232] : memref<2x2000x16xf32, #tpu.memory_space<vmem>> -> memref<1x2000x16xf32, #tpu.memory_space<vmem>>
    %dma_wait3A_234 = tpu.memref_squeeze %dma_wait3A_233 : memref<1x2000x16xf32, #tpu.memory_space<vmem>> -> memref<2000x16xf32, #tpu.memory_space<vmem>>
    %dma_wait3A_235 = arith.constant 0 : i32
    %dma_wait3A_236 = tpu.memref_slice %arg6[%dma_wait3A_229, %dma_wait3A_235] : memref<5x2000xi32, #tpu.memory_space<vmem>> -> memref<1x2000xi32, #tpu.memory_space<vmem>>
    %dma_wait3A_237 = tpu.memref_squeeze %dma_wait3A_236 : memref<1x2000xi32, #tpu.memory_space<vmem>> -> memref<2000xi32, #tpu.memory_space<vmem>>
    %dma_wait3A_238 = arith.constant 0 : i32
    %dma_wait3A_239 = arith.constant 0 : i32
    %dma_wait3A_240 = tpu.memref_slice %arg11[%dma_wait3A_238, %dma_wait3A_239] : memref<10240x16xf32, #tpu.memory_space<vmem_shared>> -> memref<10240x16xf32, #tpu.memory_space<vmem_shared>>
    tpu.wait_indirect_dma semaphore(%arg12 : memref<!tpu.dma_semaphore, #tpu.memory_space<semaphore_mem>>) src(%dma_wait3A_240 : memref<10240x16xf32, #tpu.memory_space<vmem_shared>>) dst(%dma_wait3A_234 : memref<2000x16xf32, #tpu.memory_space<vmem>>)
    %scan3A_241 = arith.constant 0 : i32
    %scan3A_242 = arith.constant 0 : i32
    %scan3A_243 = arith.constant 5 : i32
    %scan3A_244 = arith.addi %scan3A_242, %scan3A_243 : i32
    %scan3A_245 = arith.constant 1 : i32
    %scan3A_246 = scf.for %scan3A_249 = %scan3A_242 to %scan3A_244 step %scan3A_245 iter_args(%scan3A_250 = %scan3A_241) -> (i32)  : i32 {
      %rem3A = arith.constant 2 : i32
      %rem3A_251 = arith.remsi %scan3A_249, %rem3A : i32
      %add3A_252 = arith.constant 1 : i32
      %add3A_253 = arith.addi %scan3A_249, %add3A_252 : i32
      %rem3A_254 = arith.constant 2 : i32
      %rem3A_255 = arith.remsi %add3A_253, %rem3A_254 : i32
      %add3A_256 = arith.constant 1 : i32
      %add3A_257 = arith.addi %scan3A_249, %add3A_256 : i32
      %lt3A = arith.constant 5 : i32
      %lt3A_258 = arith.cmpi slt, %add3A_257, %lt3A : i32
      %convert_element_type3A = arith.extui %lt3A_258 : i1 to i32
      %cond3A = arith.constant 0 : i32
      %cond3A_259 = arith.cmpi ne, %convert_element_type3A, %cond3A : i32
      scf.if %cond3A_259 {
        %add3A_288 = arith.constant 1 : i32
        %add3A_289 = arith.addi %scan3A_249, %add3A_288 : i32
        %dma_start3A_290 = arith.constant 0 : i32
        %dma_start3A_291 = arith.constant 0 : i32
        %dma_start3A_292 = tpu.memref_slice %arg8[%rem3A_255, %dma_start3A_290, %dma_start3A_291] : memref<2x2000x16xf32, #tpu.memory_space<vmem>> -> memref<1x2000x16xf32, #tpu.memory_space<vmem>>
        %dma_start3A_293 = tpu.memref_squeeze %dma_start3A_292 : memref<1x2000x16xf32, #tpu.memory_space<vmem>> -> memref<2000x16xf32, #tpu.memory_space<vmem>>
        %dma_start3A_294 = arith.constant 0 : i32
        %dma_start3A_295 = tpu.memref_slice %arg6[%add3A_289, %dma_start3A_294] : memref<5x2000xi32, #tpu.memory_space<vmem>> -> memref<1x2000xi32, #tpu.memory_space<vmem>>
        %dma_start3A_296 = tpu.memref_squeeze %dma_start3A_295 : memref<1x2000xi32, #tpu.memory_space<vmem>> -> memref<2000xi32, #tpu.memory_space<vmem>>
        %dma_start3A_297 = arith.constant 0 : i32
        %dma_start3A_298 = arith.constant 0 : i32
        %dma_start3A_299 = tpu.memref_slice %arg11[%dma_start3A_297, %dma_start3A_298] : memref<10240x16xf32, #tpu.memory_space<vmem_shared>> -> memref<10240x16xf32, #tpu.memory_space<vmem_shared>>
        tpu.enqueue_indirect_dma source(%dma_start3A_299 : memref<10240x16xf32, #tpu.memory_space<vmem_shared>>) target(%dma_start3A_293 : memref<2000x16xf32, #tpu.memory_space<vmem>>) offsets(%dma_start3A_296 : memref<2000xi32, #tpu.memory_space<vmem>>) semaphore(%arg12 : memref<!tpu.dma_semaphore, #tpu.memory_space<semaphore_mem>>)
      } else {
      }
      %dma_start3A_260 = arith.constant 0 : i32
      %dma_start3A_261 = arith.constant 0 : i32
      %dma_start3A_262 = tpu.memref_slice %arg8[%rem3A_251, %dma_start3A_260, %dma_start3A_261] : memref<2x2000x16xf32, #tpu.memory_space<vmem>> -> memref<1x2000x16xf32, #tpu.memory_space<vmem>>
      %dma_start3A_263 = tpu.memref_squeeze %dma_start3A_262 : memref<1x2000x16xf32, #tpu.memory_space<vmem>> -> memref<2000x16xf32, #tpu.memory_space<vmem>>
      %dma_start3A_264 = arith.constant 0 : i32
      %dma_start3A_265 = tpu.memref_slice %arg7[%scan3A_249, %dma_start3A_264] : memref<5x2000xi32, #tpu.memory_space<vmem>> -> memref<1x2000xi32, #tpu.memory_space<vmem>>
      %dma_start3A_266 = tpu.memref_squeeze %dma_start3A_265 : memref<1x2000xi32, #tpu.memory_space<vmem>> -> memref<2000xi32, #tpu.memory_space<vmem>>
      %dma_start3A_267 = arith.constant 0 : i32
      %dma_start3A_268 = arith.constant 0 : i32
      %dma_start3A_269 = tpu.memref_slice %arg10[%dma_start3A_267, %dma_start3A_268] : memref<10240x16xf32, #tpu.memory_space<vmem_shared>> -> memref<10240x16xf32, #tpu.memory_space<vmem_shared>>
      tpu.enqueue_indirect_dma source(%dma_start3A_263 : memref<2000x16xf32, #tpu.memory_space<vmem>>) target(%dma_start3A_269 : memref<10240x16xf32, #tpu.memory_space<vmem_shared>>) offsets(%dma_start3A_266 : memref<2000xi32, #tpu.memory_space<vmem>>) semaphore(%arg13 : memref<!tpu.dma_semaphore, #tpu.memory_space<semaphore_mem>>) {add = true}
      %dma_wait3A_270 = arith.constant 0 : i32
      %dma_wait3A_271 = arith.constant 0 : i32
      %dma_wait3A_272 = tpu.memref_slice %arg8[%rem3A_251, %dma_wait3A_270, %dma_wait3A_271] : memref<2x2000x16xf32, #tpu.memory_space<vmem>> -> memref<1x2000x16xf32, #tpu.memory_space<vmem>>
      %dma_wait3A_273 = tpu.memref_squeeze %dma_wait3A_272 : memref<1x2000x16xf32, #tpu.memory_space<vmem>> -> memref<2000x16xf32, #tpu.memory_space<vmem>>
      %dma_wait3A_274 = arith.constant 0 : i32
      %dma_wait3A_275 = tpu.memref_slice %arg7[%scan3A_249, %dma_wait3A_274] : memref<5x2000xi32, #tpu.memory_space<vmem>> -> memref<1x2000xi32, #tpu.memory_space<vmem>>
      %dma_wait3A_276 = tpu.memref_squeeze %dma_wait3A_275 : memref<1x2000xi32, #tpu.memory_space<vmem>> -> memref<2000xi32, #tpu.memory_space<vmem>>
      %dma_wait3A_277 = arith.constant 0 : i32
      %dma_wait3A_278 = arith.constant 0 : i32
      %dma_wait3A_279 = tpu.memref_slice %arg10[%dma_wait3A_277, %dma_wait3A_278] : memref<10240x16xf32, #tpu.memory_space<vmem_shared>> -> memref<10240x16xf32, #tpu.memory_space<vmem_shared>>
      tpu.wait_indirect_dma semaphore(%arg13 : memref<!tpu.dma_semaphore, #tpu.memory_space<semaphore_mem>>) src(%dma_wait3A_273 : memref<2000x16xf32, #tpu.memory_space<vmem>>) dst(%dma_wait3A_279 : memref<10240x16xf32, #tpu.memory_space<vmem_shared>>)
      %add3A_280 = arith.constant 1 : i32
      %add3A_281 = arith.addi %scan3A_249, %add3A_280 : i32
      %lt3A_282 = arith.constant 5 : i32
      %lt3A_283 = arith.cmpi slt, %add3A_281, %lt3A_282 : i32
      %convert_element_type3A_284 = arith.extui %lt3A_283 : i1 to i32
      %cond3A_285 = arith.constant 0 : i32
      %cond3A_286 = arith.cmpi ne, %convert_element_type3A_284, %cond3A_285 : i32
      scf.if %cond3A_286 {
        %add3A_288 = arith.constant 1 : i32
        %add3A_289 = arith.addi %scan3A_249, %add3A_288 : i32
        %dma_wait3A_290 = arith.constant 0 : i32
        %dma_wait3A_291 = arith.constant 0 : i32
        %dma_wait3A_292 = tpu.memref_slice %arg8[%rem3A_255, %dma_wait3A_290, %dma_wait3A_291] : memref<2x2000x16xf32, #tpu.memory_space<vmem>> -> memref<1x2000x16xf32, #tpu.memory_space<vmem>>
        %dma_wait3A_293 = tpu.memref_squeeze %dma_wait3A_292 : memref<1x2000x16xf32, #tpu.memory_space<vmem>> -> memref<2000x16xf32, #tpu.memory_space<vmem>>
        %dma_wait3A_294 = arith.constant 0 : i32
        %dma_wait3A_295 = tpu.memref_slice %arg6[%add3A_289, %dma_wait3A_294] : memref<5x2000xi32, #tpu.memory_space<vmem>> -> memref<1x2000xi32, #tpu.memory_space<vmem>>
        %dma_wait3A_296 = tpu.memref_squeeze %dma_wait3A_295 : memref<1x2000xi32, #tpu.memory_space<vmem>> -> memref<2000xi32, #tpu.memory_space<vmem>>
        %dma_wait3A_297 = arith.constant 0 : i32
        %dma_wait3A_298 = arith.constant 0 : i32
        %dma_wait3A_299 = tpu.memref_slice %arg11[%dma_wait3A_297, %dma_wait3A_298] : memref<10240x16xf32, #tpu.memory_space<vmem_shared>> -> memref<10240x16xf32, #tpu.memory_space<vmem_shared>>
        tpu.wait_indirect_dma semaphore(%arg12 : memref<!tpu.dma_semaphore, #tpu.memory_space<semaphore_mem>>) src(%dma_wait3A_299 : memref<10240x16xf32, #tpu.memory_space<vmem_shared>>) dst(%dma_wait3A_293 : memref<2000x16xf32, #tpu.memory_space<vmem>>)
      } else {
      }
      %scan3A_287 = arith.constant 0 : i32
      scf.yield %scan3A_287 : i32
    }
    %scan3A_247 = arith.constant 5 : i32
    %barrier3A_248 = arith.constant 0 : index
    tpu.barrier barrier_id(%barrier3A_248)
    "tpu.region"() ({
      %run_scoped3A = tpu.sem_alloc : memref<!tpu.dma_semaphore, #tpu.memory_space<semaphore_mem>>
      %dma_start3A_249 = arith.constant 0 : i32
      %dma_start3A_250 = tpu.memref_slice %arg5[%arg0, %mul3A_2, %dma_start3A_249] : memref<2x10240x16xf32, #tpu.memory_space<hbm>> -> memref<1x640x16xf32, #tpu.memory_space<hbm>>
      %dma_start3A_251 = tpu.memref_squeeze %dma_start3A_250 : memref<1x640x16xf32, #tpu.memory_space<hbm>> -> memref<640x16xf32, #tpu.memory_space<hbm>>
      %dma_start3A_252 = arith.constant 0 : i32
      %dma_start3A_253 = tpu.memref_slice %arg10[%mul3A_2, %dma_start3A_252] : memref<10240x16xf32, #tpu.memory_space<vmem_shared>> -> memref<640x16xf32, #tpu.memory_space<vmem_shared>>
      tpu.enqueue_dma source(%dma_start3A_253 : memref<640x16xf32, #tpu.memory_space<vmem_shared>>) target(%dma_start3A_251 : memref<640x16xf32, #tpu.memory_space<hbm>>) target_semaphore(%run_scoped3A : memref<!tpu.dma_semaphore, #tpu.memory_space<semaphore_mem>>)
      %dma_wait3A_254 = arith.constant 0 : i32
      %dma_wait3A_255 = tpu.memref_slice %arg5[%arg0, %mul3A_2, %dma_wait3A_254] : memref<2x10240x16xf32, #tpu.memory_space<hbm>> -> memref<1x640x16xf32, #tpu.memory_space<hbm>>
      %dma_wait3A_256 = tpu.memref_squeeze %dma_wait3A_255 : memref<1x640x16xf32, #tpu.memory_space<hbm>> -> memref<640x16xf32, #tpu.memory_space<hbm>>
      %dma_wait3A_257 = arith.constant 0 : i32
      %dma_wait3A_258 = tpu.memref_slice %arg10[%mul3A_2, %dma_wait3A_257] : memref<10240x16xf32, #tpu.memory_space<vmem_shared>> -> memref<640x16xf32, #tpu.memory_space<vmem_shared>>
      tpu.wait_dma2 semaphore(%run_scoped3A : memref<!tpu.dma_semaphore, #tpu.memory_space<semaphore_mem>>) src(%dma_wait3A_258 : memref<640x16xf32, #tpu.memory_space<vmem_shared>>) dst(%dma_wait3A_256 : memref<640x16xf32, #tpu.memory_space<hbm>>)
      tpu.yield
    }) : () -> ()
    return
  }
}

#map = affine_map<(d0, d1) -> (0, 0)>
#map1 = affine_map<(d0, d1) -> (0)>
#map2 = affine_map<(d0, d1) -> (0, 0, 0)>
module attributes {stable_mosaic.version = 14 : i64} {
  func.func @k(%arg0: i32, %arg1: i32, %arg2: memref<10240x16xf32, #tpu.memory_space<hbm>>, %arg3: memref<320000xi32, #tpu.memory_space<hbm>>, %arg4: memref<320000xi32, #tpu.memory_space<hbm>>, %arg5: memref<2x10240x16xf32, #tpu.memory_space<hbm>>, %arg6: memref<5x2000xi32, #tpu.memory_space<vmem>>, %arg7: memref<5x2000xi32, #tpu.memory_space<vmem>>, %arg8: memref<2x2000x16xf32, #tpu.memory_space<vmem>>, %arg9: memref<640x16xf32, #tpu.memory_space<vmem>>, %arg10: memref<10240x16xf32, #tpu.memory_space<vmem_shared>>, %arg11: memref<10240x16xf32, #tpu.memory_space<vmem_shared>>, %arg12: memref<!tpu.dma_semaphore, #tpu.memory_space<semaphore_mem>>, %arg13: memref<!tpu.dma_semaphore, #tpu.memory_space<semaphore_mem>>) attributes {dimension_semantics = [#tpu.dimension_semantics<core_parallel>, #tpu.dimension_semantics<subcore_parallel>], iteration_bounds = array<i64: 2, 16>, scalar_prefetch = 0 : i64, scratch_operands = 8 : i64, tpu.core_type = #tpu.core_type<sc_vector_subcore>, window_params = [{transform_indices = #map}, {transform_indices = #map1}, {transform_indices = #map1}, {transform_indices = #map2}]} {
    %mul3A = arith.constant 2 : i32
    %mul3A_0 = arith.muli %arg1, %mul3A : i32
    %add3A = arith.addi %mul3A_0, %arg0 : i32
    %mul3A_1 = arith.constant 640 : i32
    %mul3A_2 = arith.muli %arg1, %mul3A_1 : i32
    %mul3A_3 = arith.constant 10000 : i32
    %mul3A_4 = arith.muli %add3A, %mul3A_3 : i32
    %dma_start3A = arith.constant 0 : i32
    %dma_start3A_5 = tpu.memref_slice %arg11[%mul3A_2, %dma_start3A] : memref<10240x16xf32, #tpu.memory_space<vmem_shared>> -> memref<640x16xf32, #tpu.memory_space<vmem_shared>>
    %dma_start3A_6 = arith.constant 0 : i32
    %dma_start3A_7 = tpu.memref_slice %arg2[%mul3A_2, %dma_start3A_6] : memref<10240x16xf32, #tpu.memory_space<hbm>> -> memref<640x16xf32, #tpu.memory_space<hbm>>
    tpu.enqueue_dma source(%dma_start3A_7 : memref<640x16xf32, #tpu.memory_space<hbm>>) target(%dma_start3A_5 : memref<640x16xf32, #tpu.memory_space<vmem_shared>>) target_semaphore(%arg12 : memref<!tpu.dma_semaphore, #tpu.memory_space<semaphore_mem>>)
    %add3A_8 = arith.constant 0 : i32
    %add3A_9 = arith.addi %mul3A_4, %add3A_8 : i32
    %dma_start3A_10 = arith.constant 0 : i32
    %dma_start3A_11 = arith.constant 0 : i32
    %dma_start3A_12 = tpu.memref_slice %arg6[%dma_start3A_10, %dma_start3A_11] : memref<5x2000xi32, #tpu.memory_space<vmem>> -> memref<1x2000xi32, #tpu.memory_space<vmem>>
    %dma_start3A_13 = tpu.memref_squeeze %dma_start3A_12 : memref<1x2000xi32, #tpu.memory_space<vmem>> -> memref<2000xi32, #tpu.memory_space<vmem>>
    %dma_start3A_14 = tpu.memref_slice %arg3[%add3A_9] : memref<320000xi32, #tpu.memory_space<hbm>> -> memref<2000xi32, #tpu.memory_space<hbm>>
    %dma_start3A_15 = arith.constant 0 : i32
    %dma_start3A_16 = tpu.memref_slice %arg6[%dma_start3A_10, %dma_start3A_15] : memref<5x2000xi32, #tpu.memory_space<vmem>> -> memref<1x2000xi32, #tpu.memory_space<vmem>>
    %dma_start3A_17 = tpu.memref_squeeze %dma_start3A_16 : memref<1x2000xi32, #tpu.memory_space<vmem>> -> memref<2000xi32, #tpu.memory_space<vmem>>
    %dma_start3A_18 = tpu.memref_slice %arg3[%add3A_9] : memref<320000xi32, #tpu.memory_space<hbm>> -> memref<2000xi32, #tpu.memory_space<hbm>>
    tpu.enqueue_dma source(%dma_start3A_18 : memref<2000xi32, #tpu.memory_space<hbm>>) target(%dma_start3A_17 : memref<2000xi32, #tpu.memory_space<vmem>>) target_semaphore(%arg12 : memref<!tpu.dma_semaphore, #tpu.memory_space<semaphore_mem>>)
    %add3A_19 = arith.constant 0 : i32
    %add3A_20 = arith.addi %mul3A_4, %add3A_19 : i32
    %dma_start3A_21 = arith.constant 0 : i32
    %dma_start3A_22 = arith.constant 0 : i32
    %dma_start3A_23 = tpu.memref_slice %arg7[%dma_start3A_21, %dma_start3A_22] : memref<5x2000xi32, #tpu.memory_space<vmem>> -> memref<1x2000xi32, #tpu.memory_space<vmem>>
    %dma_start3A_24 = tpu.memref_squeeze %dma_start3A_23 : memref<1x2000xi32, #tpu.memory_space<vmem>> -> memref<2000xi32, #tpu.memory_space<vmem>>
    %dma_start3A_25 = tpu.memref_slice %arg4[%add3A_20] : memref<320000xi32, #tpu.memory_space<hbm>> -> memref<2000xi32, #tpu.memory_space<hbm>>
    %dma_start3A_26 = arith.constant 0 : i32
    %dma_start3A_27 = tpu.memref_slice %arg7[%dma_start3A_21, %dma_start3A_26] : memref<5x2000xi32, #tpu.memory_space<vmem>> -> memref<1x2000xi32, #tpu.memory_space<vmem>>
    %dma_start3A_28 = tpu.memref_squeeze %dma_start3A_27 : memref<1x2000xi32, #tpu.memory_space<vmem>> -> memref<2000xi32, #tpu.memory_space<vmem>>
    %dma_start3A_29 = tpu.memref_slice %arg4[%add3A_20] : memref<320000xi32, #tpu.memory_space<hbm>> -> memref<2000xi32, #tpu.memory_space<hbm>>
    tpu.enqueue_dma source(%dma_start3A_29 : memref<2000xi32, #tpu.memory_space<hbm>>) target(%dma_start3A_28 : memref<2000xi32, #tpu.memory_space<vmem>>) target_semaphore(%arg12 : memref<!tpu.dma_semaphore, #tpu.memory_space<semaphore_mem>>)
    %add3A_30 = arith.constant 2000 : i32
    %add3A_31 = arith.addi %mul3A_4, %add3A_30 : i32
    %dma_start3A_32 = arith.constant 1 : i32
    %dma_start3A_33 = arith.constant 0 : i32
    %dma_start3A_34 = tpu.memref_slice %arg6[%dma_start3A_32, %dma_start3A_33] : memref<5x2000xi32, #tpu.memory_space<vmem>> -> memref<1x2000xi32, #tpu.memory_space<vmem>>
    %dma_start3A_35 = tpu.memref_squeeze %dma_start3A_34 : memref<1x2000xi32, #tpu.memory_space<vmem>> -> memref<2000xi32, #tpu.memory_space<vmem>>
    %dma_start3A_36 = tpu.memref_slice %arg3[%add3A_31] : memref<320000xi32, #tpu.memory_space<hbm>> -> memref<2000xi32, #tpu.memory_space<hbm>>
    %dma_start3A_37 = arith.constant 0 : i32
    %dma_start3A_38 = tpu.memref_slice %arg6[%dma_start3A_32, %dma_start3A_37] : memref<5x2000xi32, #tpu.memory_space<vmem>> -> memref<1x2000xi32, #tpu.memory_space<vmem>>
    %dma_start3A_39 = tpu.memref_squeeze %dma_start3A_38 : memref<1x2000xi32, #tpu.memory_space<vmem>> -> memref<2000xi32, #tpu.memory_space<vmem>>
    %dma_start3A_40 = tpu.memref_slice %arg3[%add3A_31] : memref<320000xi32, #tpu.memory_space<hbm>> -> memref<2000xi32, #tpu.memory_space<hbm>>
    tpu.enqueue_dma source(%dma_start3A_40 : memref<2000xi32, #tpu.memory_space<hbm>>) target(%dma_start3A_39 : memref<2000xi32, #tpu.memory_space<vmem>>) target_semaphore(%arg12 : memref<!tpu.dma_semaphore, #tpu.memory_space<semaphore_mem>>)
    %add3A_41 = arith.constant 2000 : i32
    %add3A_42 = arith.addi %mul3A_4, %add3A_41 : i32
    %dma_start3A_43 = arith.constant 1 : i32
    %dma_start3A_44 = arith.constant 0 : i32
    %dma_start3A_45 = tpu.memref_slice %arg7[%dma_start3A_43, %dma_start3A_44] : memref<5x2000xi32, #tpu.memory_space<vmem>> -> memref<1x2000xi32, #tpu.memory_space<vmem>>
    %dma_start3A_46 = tpu.memref_squeeze %dma_start3A_45 : memref<1x2000xi32, #tpu.memory_space<vmem>> -> memref<2000xi32, #tpu.memory_space<vmem>>
    %dma_start3A_47 = tpu.memref_slice %arg4[%add3A_42] : memref<320000xi32, #tpu.memory_space<hbm>> -> memref<2000xi32, #tpu.memory_space<hbm>>
    %dma_start3A_48 = arith.constant 0 : i32
    %dma_start3A_49 = tpu.memref_slice %arg7[%dma_start3A_43, %dma_start3A_48] : memref<5x2000xi32, #tpu.memory_space<vmem>> -> memref<1x2000xi32, #tpu.memory_space<vmem>>
    %dma_start3A_50 = tpu.memref_squeeze %dma_start3A_49 : memref<1x2000xi32, #tpu.memory_space<vmem>> -> memref<2000xi32, #tpu.memory_space<vmem>>
    %dma_start3A_51 = tpu.memref_slice %arg4[%add3A_42] : memref<320000xi32, #tpu.memory_space<hbm>> -> memref<2000xi32, #tpu.memory_space<hbm>>
    tpu.enqueue_dma source(%dma_start3A_51 : memref<2000xi32, #tpu.memory_space<hbm>>) target(%dma_start3A_50 : memref<2000xi32, #tpu.memory_space<vmem>>) target_semaphore(%arg12 : memref<!tpu.dma_semaphore, #tpu.memory_space<semaphore_mem>>)
    %add3A_52 = arith.constant 4000 : i32
    %add3A_53 = arith.addi %mul3A_4, %add3A_52 : i32
    %dma_start3A_54 = arith.constant 2 : i32
    %dma_start3A_55 = arith.constant 0 : i32
    %dma_start3A_56 = tpu.memref_slice %arg6[%dma_start3A_54, %dma_start3A_55] : memref<5x2000xi32, #tpu.memory_space<vmem>> -> memref<1x2000xi32, #tpu.memory_space<vmem>>
    %dma_start3A_57 = tpu.memref_squeeze %dma_start3A_56 : memref<1x2000xi32, #tpu.memory_space<vmem>> -> memref<2000xi32, #tpu.memory_space<vmem>>
    %dma_start3A_58 = tpu.memref_slice %arg3[%add3A_53] : memref<320000xi32, #tpu.memory_space<hbm>> -> memref<2000xi32, #tpu.memory_space<hbm>>
    %dma_start3A_59 = arith.constant 0 : i32
    %dma_start3A_60 = tpu.memref_slice %arg6[%dma_start3A_54, %dma_start3A_59] : memref<5x2000xi32, #tpu.memory_space<vmem>> -> memref<1x2000xi32, #tpu.memory_space<vmem>>
    %dma_start3A_61 = tpu.memref_squeeze %dma_start3A_60 : memref<1x2000xi32, #tpu.memory_space<vmem>> -> memref<2000xi32, #tpu.memory_space<vmem>>
    %dma_start3A_62 = tpu.memref_slice %arg3[%add3A_53] : memref<320000xi32, #tpu.memory_space<hbm>> -> memref<2000xi32, #tpu.memory_space<hbm>>
    tpu.enqueue_dma source(%dma_start3A_62 : memref<2000xi32, #tpu.memory_space<hbm>>) target(%dma_start3A_61 : memref<2000xi32, #tpu.memory_space<vmem>>) target_semaphore(%arg12 : memref<!tpu.dma_semaphore, #tpu.memory_space<semaphore_mem>>)
    %add3A_63 = arith.constant 4000 : i32
    %add3A_64 = arith.addi %mul3A_4, %add3A_63 : i32
    %dma_start3A_65 = arith.constant 2 : i32
    %dma_start3A_66 = arith.constant 0 : i32
    %dma_start3A_67 = tpu.memref_slice %arg7[%dma_start3A_65, %dma_start3A_66] : memref<5x2000xi32, #tpu.memory_space<vmem>> -> memref<1x2000xi32, #tpu.memory_space<vmem>>
    %dma_start3A_68 = tpu.memref_squeeze %dma_start3A_67 : memref<1x2000xi32, #tpu.memory_space<vmem>> -> memref<2000xi32, #tpu.memory_space<vmem>>
    %dma_start3A_69 = tpu.memref_slice %arg4[%add3A_64] : memref<320000xi32, #tpu.memory_space<hbm>> -> memref<2000xi32, #tpu.memory_space<hbm>>
    %dma_start3A_70 = arith.constant 0 : i32
    %dma_start3A_71 = tpu.memref_slice %arg7[%dma_start3A_65, %dma_start3A_70] : memref<5x2000xi32, #tpu.memory_space<vmem>> -> memref<1x2000xi32, #tpu.memory_space<vmem>>
    %dma_start3A_72 = tpu.memref_squeeze %dma_start3A_71 : memref<1x2000xi32, #tpu.memory_space<vmem>> -> memref<2000xi32, #tpu.memory_space<vmem>>
    %dma_start3A_73 = tpu.memref_slice %arg4[%add3A_64] : memref<320000xi32, #tpu.memory_space<hbm>> -> memref<2000xi32, #tpu.memory_space<hbm>>
    tpu.enqueue_dma source(%dma_start3A_73 : memref<2000xi32, #tpu.memory_space<hbm>>) target(%dma_start3A_72 : memref<2000xi32, #tpu.memory_space<vmem>>) target_semaphore(%arg12 : memref<!tpu.dma_semaphore, #tpu.memory_space<semaphore_mem>>)
    %add3A_74 = arith.constant 6000 : i32
    %add3A_75 = arith.addi %mul3A_4, %add3A_74 : i32
    %dma_start3A_76 = arith.constant 3 : i32
    %dma_start3A_77 = arith.constant 0 : i32
    %dma_start3A_78 = tpu.memref_slice %arg6[%dma_start3A_76, %dma_start3A_77] : memref<5x2000xi32, #tpu.memory_space<vmem>> -> memref<1x2000xi32, #tpu.memory_space<vmem>>
    %dma_start3A_79 = tpu.memref_squeeze %dma_start3A_78 : memref<1x2000xi32, #tpu.memory_space<vmem>> -> memref<2000xi32, #tpu.memory_space<vmem>>
    %dma_start3A_80 = tpu.memref_slice %arg3[%add3A_75] : memref<320000xi32, #tpu.memory_space<hbm>> -> memref<2000xi32, #tpu.memory_space<hbm>>
    %dma_start3A_81 = arith.constant 0 : i32
    %dma_start3A_82 = tpu.memref_slice %arg6[%dma_start3A_76, %dma_start3A_81] : memref<5x2000xi32, #tpu.memory_space<vmem>> -> memref<1x2000xi32, #tpu.memory_space<vmem>>
    %dma_start3A_83 = tpu.memref_squeeze %dma_start3A_82 : memref<1x2000xi32, #tpu.memory_space<vmem>> -> memref<2000xi32, #tpu.memory_space<vmem>>
    %dma_start3A_84 = tpu.memref_slice %arg3[%add3A_75] : memref<320000xi32, #tpu.memory_space<hbm>> -> memref<2000xi32, #tpu.memory_space<hbm>>
    tpu.enqueue_dma source(%dma_start3A_84 : memref<2000xi32, #tpu.memory_space<hbm>>) target(%dma_start3A_83 : memref<2000xi32, #tpu.memory_space<vmem>>) target_semaphore(%arg12 : memref<!tpu.dma_semaphore, #tpu.memory_space<semaphore_mem>>)
    %add3A_85 = arith.constant 6000 : i32
    %add3A_86 = arith.addi %mul3A_4, %add3A_85 : i32
    %dma_start3A_87 = arith.constant 3 : i32
    %dma_start3A_88 = arith.constant 0 : i32
    %dma_start3A_89 = tpu.memref_slice %arg7[%dma_start3A_87, %dma_start3A_88] : memref<5x2000xi32, #tpu.memory_space<vmem>> -> memref<1x2000xi32, #tpu.memory_space<vmem>>
    %dma_start3A_90 = tpu.memref_squeeze %dma_start3A_89 : memref<1x2000xi32, #tpu.memory_space<vmem>> -> memref<2000xi32, #tpu.memory_space<vmem>>
    %dma_start3A_91 = tpu.memref_slice %arg4[%add3A_86] : memref<320000xi32, #tpu.memory_space<hbm>> -> memref<2000xi32, #tpu.memory_space<hbm>>
    %dma_start3A_92 = arith.constant 0 : i32
    %dma_start3A_93 = tpu.memref_slice %arg7[%dma_start3A_87, %dma_start3A_92] : memref<5x2000xi32, #tpu.memory_space<vmem>> -> memref<1x2000xi32, #tpu.memory_space<vmem>>
    %dma_start3A_94 = tpu.memref_squeeze %dma_start3A_93 : memref<1x2000xi32, #tpu.memory_space<vmem>> -> memref<2000xi32, #tpu.memory_space<vmem>>
    %dma_start3A_95 = tpu.memref_slice %arg4[%add3A_86] : memref<320000xi32, #tpu.memory_space<hbm>> -> memref<2000xi32, #tpu.memory_space<hbm>>
    tpu.enqueue_dma source(%dma_start3A_95 : memref<2000xi32, #tpu.memory_space<hbm>>) target(%dma_start3A_94 : memref<2000xi32, #tpu.memory_space<vmem>>) target_semaphore(%arg12 : memref<!tpu.dma_semaphore, #tpu.memory_space<semaphore_mem>>)
    %add3A_96 = arith.constant 8000 : i32
    %add3A_97 = arith.addi %mul3A_4, %add3A_96 : i32
    %dma_start3A_98 = arith.constant 4 : i32
    %dma_start3A_99 = arith.constant 0 : i32
    %dma_start3A_100 = tpu.memref_slice %arg6[%dma_start3A_98, %dma_start3A_99] : memref<5x2000xi32, #tpu.memory_space<vmem>> -> memref<1x2000xi32, #tpu.memory_space<vmem>>
    %dma_start3A_101 = tpu.memref_squeeze %dma_start3A_100 : memref<1x2000xi32, #tpu.memory_space<vmem>> -> memref<2000xi32, #tpu.memory_space<vmem>>
    %dma_start3A_102 = tpu.memref_slice %arg3[%add3A_97] : memref<320000xi32, #tpu.memory_space<hbm>> -> memref<2000xi32, #tpu.memory_space<hbm>>
    %dma_start3A_103 = arith.constant 0 : i32
    %dma_start3A_104 = tpu.memref_slice %arg6[%dma_start3A_98, %dma_start3A_103] : memref<5x2000xi32, #tpu.memory_space<vmem>> -> memref<1x2000xi32, #tpu.memory_space<vmem>>
    %dma_start3A_105 = tpu.memref_squeeze %dma_start3A_104 : memref<1x2000xi32, #tpu.memory_space<vmem>> -> memref<2000xi32, #tpu.memory_space<vmem>>
    %dma_start3A_106 = tpu.memref_slice %arg3[%add3A_97] : memref<320000xi32, #tpu.memory_space<hbm>> -> memref<2000xi32, #tpu.memory_space<hbm>>
    tpu.enqueue_dma source(%dma_start3A_106 : memref<2000xi32, #tpu.memory_space<hbm>>) target(%dma_start3A_105 : memref<2000xi32, #tpu.memory_space<vmem>>) target_semaphore(%arg12 : memref<!tpu.dma_semaphore, #tpu.memory_space<semaphore_mem>>)
    %add3A_107 = arith.constant 8000 : i32
    %add3A_108 = arith.addi %mul3A_4, %add3A_107 : i32
    %dma_start3A_109 = arith.constant 4 : i32
    %dma_start3A_110 = arith.constant 0 : i32
    %dma_start3A_111 = tpu.memref_slice %arg7[%dma_start3A_109, %dma_start3A_110] : memref<5x2000xi32, #tpu.memory_space<vmem>> -> memref<1x2000xi32, #tpu.memory_space<vmem>>
    %dma_start3A_112 = tpu.memref_squeeze %dma_start3A_111 : memref<1x2000xi32, #tpu.memory_space<vmem>> -> memref<2000xi32, #tpu.memory_space<vmem>>
    %dma_start3A_113 = tpu.memref_slice %arg4[%add3A_108] : memref<320000xi32, #tpu.memory_space<hbm>> -> memref<2000xi32, #tpu.memory_space<hbm>>
    %dma_start3A_114 = arith.constant 0 : i32
    %dma_start3A_115 = tpu.memref_slice %arg7[%dma_start3A_109, %dma_start3A_114] : memref<5x2000xi32, #tpu.memory_space<vmem>> -> memref<1x2000xi32, #tpu.memory_space<vmem>>
    %dma_start3A_116 = tpu.memref_squeeze %dma_start3A_115 : memref<1x2000xi32, #tpu.memory_space<vmem>> -> memref<2000xi32, #tpu.memory_space<vmem>>
    %dma_start3A_117 = tpu.memref_slice %arg4[%add3A_108] : memref<320000xi32, #tpu.memory_space<hbm>> -> memref<2000xi32, #tpu.memory_space<hbm>>
    tpu.enqueue_dma source(%dma_start3A_117 : memref<2000xi32, #tpu.memory_space<hbm>>) target(%dma_start3A_116 : memref<2000xi32, #tpu.memory_space<vmem>>) target_semaphore(%arg12 : memref<!tpu.dma_semaphore, #tpu.memory_space<semaphore_mem>>)
    %scan3A = arith.constant 0 : i32
    %scan3A_118 = arith.constant 0 : i32
    %scan3A_119 = arith.constant 640 : i32
    %scan3A_120 = arith.addi %scan3A_118, %scan3A_119 : i32
    %scan3A_121 = arith.constant 1 : i32
    %scan3A_122 = scf.for %scan3A_249 = %scan3A_118 to %scan3A_120 step %scan3A_121 iter_args(%scan3A_250 = %scan3A) -> (i32)  : i32 {
      %broadcast_in_dim3A = arith.constant 0.000000e+00 : f32
      %broadcast_in_dim3A_251 = vector.broadcast %broadcast_in_dim3A : f32 to vector<16xf32>
      %swap3A = arith.index_cast %scan3A_249 : i32 to index
      %swap3A_252 = arith.constant 0 : index
      %swap3A_253 = tpu.vector_load %arg9[%swap3A, %swap3A_252] {strides = array<i32>} : memref<640x16xf32, #tpu.memory_space<vmem>>, vector<1x16xf32>,
      %swap3A_254 = vector.shape_cast %swap3A_253 : vector<1x16xf32> to vector<16xf32>
      %swap3A_255 = vector.shape_cast %broadcast_in_dim3A_251 : vector<16xf32> to vector<1x16xf32>
      tpu.vector_store %arg9[%swap3A, %swap3A_252], %swap3A_255 {strides = array<i32>} : memref<640x16xf32, #tpu.memory_space<vmem>>, vector<1x16xf32>,
      %scan3A_256 = arith.constant 0 : i32
      scf.yield %scan3A_256 : i32
    }
    %scan3A_123 = arith.constant 640 : i32
    "tpu.region"() ({
      %run_scoped3A = tpu.sem_alloc : memref<!tpu.dma_semaphore, #tpu.memory_space<semaphore_mem>>
      %dma_start3A_249 = arith.constant 0 : i32
      %dma_start3A_250 = tpu.memref_slice %arg10[%mul3A_2, %dma_start3A_249] : memref<10240x16xf32, #tpu.memory_space<vmem_shared>> -> memref<640x16xf32, #tpu.memory_space<vmem_shared>>
      %dma_start3A_251 = arith.constant 0 : i32
      %dma_start3A_252 = tpu.memref_slice %arg10[%mul3A_2, %dma_start3A_251] : memref<10240x16xf32, #tpu.memory_space<vmem_shared>> -> memref<640x16xf32, #tpu.memory_space<vmem_shared>>
      tpu.enqueue_dma source(%arg9 : memref<640x16xf32, #tpu.memory_space<vmem>>) target(%dma_start3A_252 : memref<640x16xf32, #tpu.memory_space<vmem_shared>>) target_semaphore(%run_scoped3A : memref<!tpu.dma_semaphore, #tpu.memory_space<semaphore_mem>>)
      %dma_wait3A_253 = arith.constant 0 : i32
      %dma_wait3A_254 = tpu.memref_slice %arg10[%mul3A_2, %dma_wait3A_253] : memref<10240x16xf32, #tpu.memory_space<vmem_shared>> -> memref<640x16xf32, #tpu.memory_space<vmem_shared>>
      %dma_wait3A_255 = arith.constant 0 : i32
      %dma_wait3A_256 = tpu.memref_slice %arg10[%mul3A_2, %dma_wait3A_255] : memref<10240x16xf32, #tpu.memory_space<vmem_shared>> -> memref<640x16xf32, #tpu.memory_space<vmem_shared>>
      tpu.wait_dma2 semaphore(%run_scoped3A : memref<!tpu.dma_semaphore, #tpu.memory_space<semaphore_mem>>) src(%arg9 : memref<640x16xf32, #tpu.memory_space<vmem>>) dst(%dma_wait3A_256 : memref<640x16xf32, #tpu.memory_space<vmem_shared>>)
      tpu.yield
    }) : () -> ()
    %dma_wait3A = arith.constant 0 : i32
    %dma_wait3A_124 = tpu.memref_slice %arg11[%mul3A_2, %dma_wait3A] : memref<10240x16xf32, #tpu.memory_space<vmem_shared>> -> memref<640x16xf32, #tpu.memory_space<vmem_shared>>
    %dma_wait3A_125 = arith.constant 0 : i32
    %dma_wait3A_126 = tpu.memref_slice %arg2[%mul3A_2, %dma_wait3A_125] : memref<10240x16xf32, #tpu.memory_space<hbm>> -> memref<640x16xf32, #tpu.memory_space<hbm>>
    tpu.wait_dma2 semaphore(%arg12 : memref<!tpu.dma_semaphore, #tpu.memory_space<semaphore_mem>>) src(%dma_wait3A_126 : memref<640x16xf32, #tpu.memory_space<hbm>>) dst(%dma_wait3A_124 : memref<640x16xf32, #tpu.memory_space<vmem_shared>>)
    %dma_wait3A_127 = arith.constant 0 : i32
    %dma_wait3A_128 = arith.constant 0 : i32
    %dma_wait3A_129 = tpu.memref_slice %arg6[%dma_wait3A_127, %dma_wait3A_128] : memref<5x2000xi32, #tpu.memory_space<vmem>> -> memref<1x2000xi32, #tpu.memory_space<vmem>>
    %dma_wait3A_130 = tpu.memref_squeeze %dma_wait3A_129 : memref<1x2000xi32, #tpu.memory_space<vmem>> -> memref<2000xi32, #tpu.memory_space<vmem>>
    %dma_wait3A_131 = tpu.memref_slice %arg3[%add3A_9] : memref<320000xi32, #tpu.memory_space<hbm>> -> memref<2000xi32, #tpu.memory_space<hbm>>
    %dma_wait3A_132 = arith.constant 0 : i32
    %dma_wait3A_133 = tpu.memref_slice %arg6[%dma_wait3A_127, %dma_wait3A_132] : memref<5x2000xi32, #tpu.memory_space<vmem>> -> memref<1x2000xi32, #tpu.memory_space<vmem>>
    %dma_wait3A_134 = tpu.memref_squeeze %dma_wait3A_133 : memref<1x2000xi32, #tpu.memory_space<vmem>> -> memref<2000xi32, #tpu.memory_space<vmem>>
    %dma_wait3A_135 = tpu.memref_slice %arg3[%add3A_9] : memref<320000xi32, #tpu.memory_space<hbm>> -> memref<2000xi32, #tpu.memory_space<hbm>>
    tpu.wait_dma2 semaphore(%arg12 : memref<!tpu.dma_semaphore, #tpu.memory_space<semaphore_mem>>) src(%dma_wait3A_135 : memref<2000xi32, #tpu.memory_space<hbm>>) dst(%dma_wait3A_134 : memref<2000xi32, #tpu.memory_space<vmem>>)
    %dma_wait3A_136 = arith.constant 0 : i32
    %dma_wait3A_137 = arith.constant 0 : i32
    %dma_wait3A_138 = tpu.memref_slice %arg7[%dma_wait3A_136, %dma_wait3A_137] : memref<5x2000xi32, #tpu.memory_space<vmem>> -> memref<1x2000xi32, #tpu.memory_space<vmem>>
    %dma_wait3A_139 = tpu.memref_squeeze %dma_wait3A_138 : memref<1x2000xi32, #tpu.memory_space<vmem>> -> memref<2000xi32, #tpu.memory_space<vmem>>
    %dma_wait3A_140 = tpu.memref_slice %arg4[%add3A_20] : memref<320000xi32, #tpu.memory_space<hbm>> -> memref<2000xi32, #tpu.memory_space<hbm>>
    %dma_wait3A_141 = arith.constant 0 : i32
    %dma_wait3A_142 = tpu.memref_slice %arg7[%dma_wait3A_136, %dma_wait3A_141] : memref<5x2000xi32, #tpu.memory_space<vmem>> -> memref<1x2000xi32, #tpu.memory_space<vmem>>
    %dma_wait3A_143 = tpu.memref_squeeze %dma_wait3A_142 : memref<1x2000xi32, #tpu.memory_space<vmem>> -> memref<2000xi32, #tpu.memory_space<vmem>>
    %dma_wait3A_144 = tpu.memref_slice %arg4[%add3A_20] : memref<320000xi32, #tpu.memory_space<hbm>> -> memref<2000xi32, #tpu.memory_space<hbm>>
    tpu.wait_dma2 semaphore(%arg12 : memref<!tpu.dma_semaphore, #tpu.memory_space<semaphore_mem>>) src(%dma_wait3A_144 : memref<2000xi32, #tpu.memory_space<hbm>>) dst(%dma_wait3A_143 : memref<2000xi32, #tpu.memory_space<vmem>>)
    %dma_wait3A_145 = arith.constant 1 : i32
    %dma_wait3A_146 = arith.constant 0 : i32
    %dma_wait3A_147 = tpu.memref_slice %arg6[%dma_wait3A_145, %dma_wait3A_146] : memref<5x2000xi32, #tpu.memory_space<vmem>> -> memref<1x2000xi32, #tpu.memory_space<vmem>>
    %dma_wait3A_148 = tpu.memref_squeeze %dma_wait3A_147 : memref<1x2000xi32, #tpu.memory_space<vmem>> -> memref<2000xi32, #tpu.memory_space<vmem>>
    %dma_wait3A_149 = tpu.memref_slice %arg3[%add3A_31] : memref<320000xi32, #tpu.memory_space<hbm>> -> memref<2000xi32, #tpu.memory_space<hbm>>
    %dma_wait3A_150 = arith.constant 0 : i32
    %dma_wait3A_151 = tpu.memref_slice %arg6[%dma_wait3A_145, %dma_wait3A_150] : memref<5x2000xi32, #tpu.memory_space<vmem>> -> memref<1x2000xi32, #tpu.memory_space<vmem>>
    %dma_wait3A_152 = tpu.memref_squeeze %dma_wait3A_151 : memref<1x2000xi32, #tpu.memory_space<vmem>> -> memref<2000xi32, #tpu.memory_space<vmem>>
    %dma_wait3A_153 = tpu.memref_slice %arg3[%add3A_31] : memref<320000xi32, #tpu.memory_space<hbm>> -> memref<2000xi32, #tpu.memory_space<hbm>>
    tpu.wait_dma2 semaphore(%arg12 : memref<!tpu.dma_semaphore, #tpu.memory_space<semaphore_mem>>) src(%dma_wait3A_153 : memref<2000xi32, #tpu.memory_space<hbm>>) dst(%dma_wait3A_152 : memref<2000xi32, #tpu.memory_space<vmem>>)
    %dma_wait3A_154 = arith.constant 1 : i32
    %dma_wait3A_155 = arith.constant 0 : i32
    %dma_wait3A_156 = tpu.memref_slice %arg7[%dma_wait3A_154, %dma_wait3A_155] : memref<5x2000xi32, #tpu.memory_space<vmem>> -> memref<1x2000xi32, #tpu.memory_space<vmem>>
    %dma_wait3A_157 = tpu.memref_squeeze %dma_wait3A_156 : memref<1x2000xi32, #tpu.memory_space<vmem>> -> memref<2000xi32, #tpu.memory_space<vmem>>
    %dma_wait3A_158 = tpu.memref_slice %arg4[%add3A_42] : memref<320000xi32, #tpu.memory_space<hbm>> -> memref<2000xi32, #tpu.memory_space<hbm>>
    %dma_wait3A_159 = arith.constant 0 : i32
    %dma_wait3A_160 = tpu.memref_slice %arg7[%dma_wait3A_154, %dma_wait3A_159] : memref<5x2000xi32, #tpu.memory_space<vmem>> -> memref<1x2000xi32, #tpu.memory_space<vmem>>
    %dma_wait3A_161 = tpu.memref_squeeze %dma_wait3A_160 : memref<1x2000xi32, #tpu.memory_space<vmem>> -> memref<2000xi32, #tpu.memory_space<vmem>>
    %dma_wait3A_162 = tpu.memref_slice %arg4[%add3A_42] : memref<320000xi32, #tpu.memory_space<hbm>> -> memref<2000xi32, #tpu.memory_space<hbm>>
    tpu.wait_dma2 semaphore(%arg12 : memref<!tpu.dma_semaphore, #tpu.memory_space<semaphore_mem>>) src(%dma_wait3A_162 : memref<2000xi32, #tpu.memory_space<hbm>>) dst(%dma_wait3A_161 : memref<2000xi32, #tpu.memory_space<vmem>>)
    %dma_wait3A_163 = arith.constant 2 : i32
    %dma_wait3A_164 = arith.constant 0 : i32
    %dma_wait3A_165 = tpu.memref_slice %arg6[%dma_wait3A_163, %dma_wait3A_164] : memref<5x2000xi32, #tpu.memory_space<vmem>> -> memref<1x2000xi32, #tpu.memory_space<vmem>>
    %dma_wait3A_166 = tpu.memref_squeeze %dma_wait3A_165 : memref<1x2000xi32, #tpu.memory_space<vmem>> -> memref<2000xi32, #tpu.memory_space<vmem>>
    %dma_wait3A_167 = tpu.memref_slice %arg3[%add3A_53] : memref<320000xi32, #tpu.memory_space<hbm>> -> memref<2000xi32, #tpu.memory_space<hbm>>
    %dma_wait3A_168 = arith.constant 0 : i32
    %dma_wait3A_169 = tpu.memref_slice %arg6[%dma_wait3A_163, %dma_wait3A_168] : memref<5x2000xi32, #tpu.memory_space<vmem>> -> memref<1x2000xi32, #tpu.memory_space<vmem>>
    %dma_wait3A_170 = tpu.memref_squeeze %dma_wait3A_169 : memref<1x2000xi32, #tpu.memory_space<vmem>> -> memref<2000xi32, #tpu.memory_space<vmem>>
    %dma_wait3A_171 = tpu.memref_slice %arg3[%add3A_53] : memref<320000xi32, #tpu.memory_space<hbm>> -> memref<2000xi32, #tpu.memory_space<hbm>>
    tpu.wait_dma2 semaphore(%arg12 : memref<!tpu.dma_semaphore, #tpu.memory_space<semaphore_mem>>) src(%dma_wait3A_171 : memref<2000xi32, #tpu.memory_space<hbm>>) dst(%dma_wait3A_170 : memref<2000xi32, #tpu.memory_space<vmem>>)
    %dma_wait3A_172 = arith.constant 2 : i32
    %dma_wait3A_173 = arith.constant 0 : i32
    %dma_wait3A_174 = tpu.memref_slice %arg7[%dma_wait3A_172, %dma_wait3A_173] : memref<5x2000xi32, #tpu.memory_space<vmem>> -> memref<1x2000xi32, #tpu.memory_space<vmem>>
    %dma_wait3A_175 = tpu.memref_squeeze %dma_wait3A_174 : memref<1x2000xi32, #tpu.memory_space<vmem>> -> memref<2000xi32, #tpu.memory_space<vmem>>
    %dma_wait3A_176 = tpu.memref_slice %arg4[%add3A_64] : memref<320000xi32, #tpu.memory_space<hbm>> -> memref<2000xi32, #tpu.memory_space<hbm>>
    %dma_wait3A_177 = arith.constant 0 : i32
    %dma_wait3A_178 = tpu.memref_slice %arg7[%dma_wait3A_172, %dma_wait3A_177] : memref<5x2000xi32, #tpu.memory_space<vmem>> -> memref<1x2000xi32, #tpu.memory_space<vmem>>
    %dma_wait3A_179 = tpu.memref_squeeze %dma_wait3A_178 : memref<1x2000xi32, #tpu.memory_space<vmem>> -> memref<2000xi32, #tpu.memory_space<vmem>>
    %dma_wait3A_180 = tpu.memref_slice %arg4[%add3A_64] : memref<320000xi32, #tpu.memory_space<hbm>> -> memref<2000xi32, #tpu.memory_space<hbm>>
    tpu.wait_dma2 semaphore(%arg12 : memref<!tpu.dma_semaphore, #tpu.memory_space<semaphore_mem>>) src(%dma_wait3A_180 : memref<2000xi32, #tpu.memory_space<hbm>>) dst(%dma_wait3A_179 : memref<2000xi32, #tpu.memory_space<vmem>>)
    %dma_wait3A_181 = arith.constant 3 : i32
    %dma_wait3A_182 = arith.constant 0 : i32
    %dma_wait3A_183 = tpu.memref_slice %arg6[%dma_wait3A_181, %dma_wait3A_182] : memref<5x2000xi32, #tpu.memory_space<vmem>> -> memref<1x2000xi32, #tpu.memory_space<vmem>>
    %dma_wait3A_184 = tpu.memref_squeeze %dma_wait3A_183 : memref<1x2000xi32, #tpu.memory_space<vmem>> -> memref<2000xi32, #tpu.memory_space<vmem>>
    %dma_wait3A_185 = tpu.memref_slice %arg3[%add3A_75] : memref<320000xi32, #tpu.memory_space<hbm>> -> memref<2000xi32, #tpu.memory_space<hbm>>
    %dma_wait3A_186 = arith.constant 0 : i32
    %dma_wait3A_187 = tpu.memref_slice %arg6[%dma_wait3A_181, %dma_wait3A_186] : memref<5x2000xi32, #tpu.memory_space<vmem>> -> memref<1x2000xi32, #tpu.memory_space<vmem>>
    %dma_wait3A_188 = tpu.memref_squeeze %dma_wait3A_187 : memref<1x2000xi32, #tpu.memory_space<vmem>> -> memref<2000xi32, #tpu.memory_space<vmem>>
    %dma_wait3A_189 = tpu.memref_slice %arg3[%add3A_75] : memref<320000xi32, #tpu.memory_space<hbm>> -> memref<2000xi32, #tpu.memory_space<hbm>>
    tpu.wait_dma2 semaphore(%arg12 : memref<!tpu.dma_semaphore, #tpu.memory_space<semaphore_mem>>) src(%dma_wait3A_189 : memref<2000xi32, #tpu.memory_space<hbm>>) dst(%dma_wait3A_188 : memref<2000xi32, #tpu.memory_space<vmem>>)
    %dma_wait3A_190 = arith.constant 3 : i32
    %dma_wait3A_191 = arith.constant 0 : i32
    %dma_wait3A_192 = tpu.memref_slice %arg7[%dma_wait3A_190, %dma_wait3A_191] : memref<5x2000xi32, #tpu.memory_space<vmem>> -> memref<1x2000xi32, #tpu.memory_space<vmem>>
    %dma_wait3A_193 = tpu.memref_squeeze %dma_wait3A_192 : memref<1x2000xi32, #tpu.memory_space<vmem>> -> memref<2000xi32, #tpu.memory_space<vmem>>
    %dma_wait3A_194 = tpu.memref_slice %arg4[%add3A_86] : memref<320000xi32, #tpu.memory_space<hbm>> -> memref<2000xi32, #tpu.memory_space<hbm>>
    %dma_wait3A_195 = arith.constant 0 : i32
    %dma_wait3A_196 = tpu.memref_slice %arg7[%dma_wait3A_190, %dma_wait3A_195] : memref<5x2000xi32, #tpu.memory_space<vmem>> -> memref<1x2000xi32, #tpu.memory_space<vmem>>
    %dma_wait3A_197 = tpu.memref_squeeze %dma_wait3A_196 : memref<1x2000xi32, #tpu.memory_space<vmem>> -> memref<2000xi32, #tpu.memory_space<vmem>>
    %dma_wait3A_198 = tpu.memref_slice %arg4[%add3A_86] : memref<320000xi32, #tpu.memory_space<hbm>> -> memref<2000xi32, #tpu.memory_space<hbm>>
    tpu.wait_dma2 semaphore(%arg12 : memref<!tpu.dma_semaphore, #tpu.memory_space<semaphore_mem>>) src(%dma_wait3A_198 : memref<2000xi32, #tpu.memory_space<hbm>>) dst(%dma_wait3A_197 : memref<2000xi32, #tpu.memory_space<vmem>>)
    %dma_wait3A_199 = arith.constant 4 : i32
    %dma_wait3A_200 = arith.constant 0 : i32
    %dma_wait3A_201 = tpu.memref_slice %arg6[%dma_wait3A_199, %dma_wait3A_200] : memref<5x2000xi32, #tpu.memory_space<vmem>> -> memref<1x2000xi32, #tpu.memory_space<vmem>>
    %dma_wait3A_202 = tpu.memref_squeeze %dma_wait3A_201 : memref<1x2000xi32, #tpu.memory_space<vmem>> -> memref<2000xi32, #tpu.memory_space<vmem>>
    %dma_wait3A_203 = tpu.memref_slice %arg3[%add3A_97] : memref<320000xi32, #tpu.memory_space<hbm>> -> memref<2000xi32, #tpu.memory_space<hbm>>
    %dma_wait3A_204 = arith.constant 0 : i32
    %dma_wait3A_205 = tpu.memref_slice %arg6[%dma_wait3A_199, %dma_wait3A_204] : memref<5x2000xi32, #tpu.memory_space<vmem>> -> memref<1x2000xi32, #tpu.memory_space<vmem>>
    %dma_wait3A_206 = tpu.memref_squeeze %dma_wait3A_205 : memref<1x2000xi32, #tpu.memory_space<vmem>> -> memref<2000xi32, #tpu.memory_space<vmem>>
    %dma_wait3A_207 = tpu.memref_slice %arg3[%add3A_97] : memref<320000xi32, #tpu.memory_space<hbm>> -> memref<2000xi32, #tpu.memory_space<hbm>>
    tpu.wait_dma2 semaphore(%arg12 : memref<!tpu.dma_semaphore, #tpu.memory_space<semaphore_mem>>) src(%dma_wait3A_207 : memref<2000xi32, #tpu.memory_space<hbm>>) dst(%dma_wait3A_206 : memref<2000xi32, #tpu.memory_space<vmem>>)
    %dma_wait3A_208 = arith.constant 4 : i32
    %dma_wait3A_209 = arith.constant 0 : i32
    %dma_wait3A_210 = tpu.memref_slice %arg7[%dma_wait3A_208, %dma_wait3A_209] : memref<5x2000xi32, #tpu.memory_space<vmem>> -> memref<1x2000xi32, #tpu.memory_space<vmem>>
    %dma_wait3A_211 = tpu.memref_squeeze %dma_wait3A_210 : memref<1x2000xi32, #tpu.memory_space<vmem>> -> memref<2000xi32, #tpu.memory_space<vmem>>
    %dma_wait3A_212 = tpu.memref_slice %arg4[%add3A_108] : memref<320000xi32, #tpu.memory_space<hbm>> -> memref<2000xi32, #tpu.memory_space<hbm>>
    %dma_wait3A_213 = arith.constant 0 : i32
    %dma_wait3A_214 = tpu.memref_slice %arg7[%dma_wait3A_208, %dma_wait3A_213] : memref<5x2000xi32, #tpu.memory_space<vmem>> -> memref<1x2000xi32, #tpu.memory_space<vmem>>
    %dma_wait3A_215 = tpu.memref_squeeze %dma_wait3A_214 : memref<1x2000xi32, #tpu.memory_space<vmem>> -> memref<2000xi32, #tpu.memory_space<vmem>>
    %dma_wait3A_216 = tpu.memref_slice %arg4[%add3A_108] : memref<320000xi32, #tpu.memory_space<hbm>> -> memref<2000xi32, #tpu.memory_space<hbm>>
    tpu.wait_dma2 semaphore(%arg12 : memref<!tpu.dma_semaphore, #tpu.memory_space<semaphore_mem>>) src(%dma_wait3A_216 : memref<2000xi32, #tpu.memory_space<hbm>>) dst(%dma_wait3A_215 : memref<2000xi32, #tpu.memory_space<vmem>>)
    %barrier3A = arith.constant 0 : index
    tpu.barrier barrier_id(%barrier3A)
    %dma_start3A_217 = arith.constant 0 : i32
    %dma_start3A_218 = arith.constant 0 : i32
    %dma_start3A_219 = arith.constant 0 : i32
    %dma_start3A_220 = arith.constant 0 : i32
    %dma_start3A_221 = tpu.memref_slice %arg8[%dma_start3A_218, %dma_start3A_219, %dma_start3A_220] : memref<2x2000x16xf32, #tpu.memory_space<vmem>> -> memref<1x2000x16xf32, #tpu.memory_space<vmem>>
    %dma_start3A_222 = tpu.memref_squeeze %dma_start3A_221 : memref<1x2000x16xf32, #tpu.memory_space<vmem>> -> memref<2000x16xf32, #tpu.memory_space<vmem>>
    %dma_start3A_223 = arith.constant 0 : i32
    %dma_start3A_224 = tpu.memref_slice %arg6[%dma_start3A_217, %dma_start3A_223] : memref<5x2000xi32, #tpu.memory_space<vmem>> -> memref<1x2000xi32, #tpu.memory_space<vmem>>
    %dma_start3A_225 = tpu.memref_squeeze %dma_start3A_224 : memref<1x2000xi32, #tpu.memory_space<vmem>> -> memref<2000xi32, #tpu.memory_space<vmem>>
    %dma_start3A_226 = arith.constant 0 : i32
    %dma_start3A_227 = arith.constant 0 : i32
    %dma_start3A_228 = tpu.memref_slice %arg11[%dma_start3A_226, %dma_start3A_227] : memref<10240x16xf32, #tpu.memory_space<vmem_shared>> -> memref<10240x16xf32, #tpu.memory_space<vmem_shared>>
    tpu.enqueue_indirect_dma source(%dma_start3A_228 : memref<10240x16xf32, #tpu.memory_space<vmem_shared>>) target(%dma_start3A_222 : memref<2000x16xf32, #tpu.memory_space<vmem>>) offsets(%dma_start3A_225 : memref<2000xi32, #tpu.memory_space<vmem>>) semaphore(%arg12 : memref<!tpu.dma_semaphore, #tpu.memory_space<semaphore_mem>>)
    %dma_wait3A_229 = arith.constant 0 : i32
    %dma_wait3A_230 = arith.constant 0 : i32
    %dma_wait3A_231 = arith.constant 0 : i32
    %dma_wait3A_232 = arith.constant 0 : i32
    %dma_wait3A_233 = tpu.memref_slice %arg8[%dma_wait3A_230, %dma_wait3A_231, %dma_wait3A_232] : memref<2x2000x16xf32, #tpu.memory_space<vmem>> -> memref<1x2000x16xf32, #tpu.memory_space<vmem>>
    %dma_wait3A_234 = tpu.memref_squeeze %dma_wait3A_233 : memref<1x2000x16xf32, #tpu.memory_space<vmem>> -> memref<2000x16xf32, #tpu.memory_space<vmem>>
    %dma_wait3A_235 = arith.constant 0 : i32
    %dma_wait3A_236 = tpu.memref_slice %arg6[%dma_wait3A_229, %dma_wait3A_235] : memref<5x2000xi32, #tpu.memory_space<vmem>> -> memref<1x2000xi32, #tpu.memory_space<vmem>>
    %dma_wait3A_237 = tpu.memref_squeeze %dma_wait3A_236 : memref<1x2000xi32, #tpu.memory_space<vmem>> -> memref<2000xi32, #tpu.memory_space<vmem>>
    %dma_wait3A_238 = arith.constant 0 : i32
    %dma_wait3A_239 = arith.constant 0 : i32
    %dma_wait3A_240 = tpu.memref_slice %arg11[%dma_wait3A_238, %dma_wait3A_239] : memref<10240x16xf32, #tpu.memory_space<vmem_shared>> -> memref<10240x16xf32, #tpu.memory_space<vmem_shared>>
    tpu.wait_indirect_dma semaphore(%arg12 : memref<!tpu.dma_semaphore, #tpu.memory_space<semaphore_mem>>) src(%dma_wait3A_240 : memref<10240x16xf32, #tpu.memory_space<vmem_shared>>) dst(%dma_wait3A_234 : memref<2000x16xf32, #tpu.memory_space<vmem>>)
    %scan3A_241 = arith.constant 0 : i32
    %scan3A_242 = arith.constant 0 : i32
    %scan3A_243 = arith.constant 5 : i32
    %scan3A_244 = arith.addi %scan3A_242, %scan3A_243 : i32
    %scan3A_245 = arith.constant 1 : i32
    %scan3A_246 = scf.for %scan3A_249 = %scan3A_242 to %scan3A_244 step %scan3A_245 iter_args(%scan3A_250 = %scan3A_241) -> (i32)  : i32 {
      %rem3A = arith.constant 2 : i32
      %rem3A_251 = arith.remsi %scan3A_249, %rem3A : i32
      %add3A_252 = arith.constant 1 : i32
      %add3A_253 = arith.addi %scan3A_249, %add3A_252 : i32
      %rem3A_254 = arith.constant 2 : i32
      %rem3A_255 = arith.remsi %add3A_253, %rem3A_254 : i32
      %add3A_256 = arith.constant 1 : i32
      %add3A_257 = arith.addi %scan3A_249, %add3A_256 : i32
      %lt3A = arith.constant 5 : i32
      %lt3A_258 = arith.cmpi slt, %add3A_257, %lt3A : i32
      %convert_element_type3A = arith.extui %lt3A_258 : i1 to i32
      %cond3A = arith.constant 0 : i32
      %cond3A_259 = arith.cmpi ne, %convert_element_type3A, %cond3A : i32
      scf.if %cond3A_259 {
        %add3A_288 = arith.constant 1 : i32
        %add3A_289 = arith.addi %scan3A_249, %add3A_288 : i32
        %dma_start3A_290 = arith.constant 0 : i32
        %dma_start3A_291 = arith.constant 0 : i32
        %dma_start3A_292 = tpu.memref_slice %arg8[%rem3A_255, %dma_start3A_290, %dma_start3A_291] : memref<2x2000x16xf32, #tpu.memory_space<vmem>> -> memref<1x2000x16xf32, #tpu.memory_space<vmem>>
        %dma_start3A_293 = tpu.memref_squeeze %dma_start3A_292 : memref<1x2000x16xf32, #tpu.memory_space<vmem>> -> memref<2000x16xf32, #tpu.memory_space<vmem>>
        %dma_start3A_294 = arith.constant 0 : i32
        %dma_start3A_295 = tpu.memref_slice %arg6[%add3A_289, %dma_start3A_294] : memref<5x2000xi32, #tpu.memory_space<vmem>> -> memref<1x2000xi32, #tpu.memory_space<vmem>>
        %dma_start3A_296 = tpu.memref_squeeze %dma_start3A_295 : memref<1x2000xi32, #tpu.memory_space<vmem>> -> memref<2000xi32, #tpu.memory_space<vmem>>
        %dma_start3A_297 = arith.constant 0 : i32
        %dma_start3A_298 = arith.constant 0 : i32
        %dma_start3A_299 = tpu.memref_slice %arg11[%dma_start3A_297, %dma_start3A_298] : memref<10240x16xf32, #tpu.memory_space<vmem_shared>> -> memref<10240x16xf32, #tpu.memory_space<vmem_shared>>
        tpu.enqueue_indirect_dma source(%dma_start3A_299 : memref<10240x16xf32, #tpu.memory_space<vmem_shared>>) target(%dma_start3A_293 : memref<2000x16xf32, #tpu.memory_space<vmem>>) offsets(%dma_start3A_296 : memref<2000xi32, #tpu.memory_space<vmem>>) semaphore(%arg12 : memref<!tpu.dma_semaphore, #tpu.memory_space<semaphore_mem>>)
      } else {
      }
      %dma_start3A_260 = arith.constant 0 : i32
      %dma_start3A_261 = arith.constant 0 : i32
      %dma_start3A_262 = tpu.memref_slice %arg8[%rem3A_251, %dma_start3A_260, %dma_start3A_261] : memref<2x2000x16xf32, #tpu.memory_space<vmem>> -> memref<1x2000x16xf32, #tpu.memory_space<vmem>>
      %dma_start3A_263 = tpu.memref_squeeze %dma_start3A_262 : memref<1x2000x16xf32, #tpu.memory_space<vmem>> -> memref<2000x16xf32, #tpu.memory_space<vmem>>
      %dma_start3A_264 = arith.constant 0 : i32
      %dma_start3A_265 = tpu.memref_slice %arg7[%scan3A_249, %dma_start3A_264] : memref<5x2000xi32, #tpu.memory_space<vmem>> -> memref<1x2000xi32, #tpu.memory_space<vmem>>
      %dma_start3A_266 = tpu.memref_squeeze %dma_start3A_265 : memref<1x2000xi32, #tpu.memory_space<vmem>> -> memref<2000xi32, #tpu.memory_space<vmem>>
      %dma_start3A_267 = arith.constant 0 : i32
      %dma_start3A_268 = arith.constant 0 : i32
      %dma_start3A_269 = tpu.memref_slice %arg10[%dma_start3A_267, %dma_start3A_268] : memref<10240x16xf32, #tpu.memory_space<vmem_shared>> -> memref<10240x16xf32, #tpu.memory_space<vmem_shared>>
      tpu.enqueue_indirect_dma source(%dma_start3A_263 : memref<2000x16xf32, #tpu.memory_space<vmem>>) target(%dma_start3A_269 : memref<10240x16xf32, #tpu.memory_space<vmem_shared>>) offsets(%dma_start3A_266 : memref<2000xi32, #tpu.memory_space<vmem>>) semaphore(%arg13 : memref<!tpu.dma_semaphore, #tpu.memory_space<semaphore_mem>>) {add = true}
      %dma_wait3A_270 = arith.constant 0 : i32
      %dma_wait3A_271 = arith.constant 0 : i32
      %dma_wait3A_272 = tpu.memref_slice %arg8[%rem3A_251, %dma_wait3A_270, %dma_wait3A_271] : memref<2x2000x16xf32, #tpu.memory_space<vmem>> -> memref<1x2000x16xf32, #tpu.memory_space<vmem>>
      %dma_wait3A_273 = tpu.memref_squeeze %dma_wait3A_272 : memref<1x2000x16xf32, #tpu.memory_space<vmem>> -> memref<2000x16xf32, #tpu.memory_space<vmem>>
      %dma_wait3A_274 = arith.constant 0 : i32
      %dma_wait3A_275 = tpu.memref_slice %arg7[%scan3A_249, %dma_wait3A_274] : memref<5x2000xi32, #tpu.memory_space<vmem>> -> memref<1x2000xi32, #tpu.memory_space<vmem>>
      %dma_wait3A_276 = tpu.memref_squeeze %dma_wait3A_275 : memref<1x2000xi32, #tpu.memory_space<vmem>> -> memref<2000xi32, #tpu.memory_space<vmem>>
      %dma_wait3A_277 = arith.constant 0 : i32
      %dma_wait3A_278 = arith.constant 0 : i32
      %dma_wait3A_279 = tpu.memref_slice %arg10[%dma_wait3A_277, %dma_wait3A_278] : memref<10240x16xf32, #tpu.memory_space<vmem_shared>> -> memref<10240x16xf32, #tpu.memory_space<vmem_shared>>
      tpu.wait_indirect_dma semaphore(%arg13 : memref<!tpu.dma_semaphore, #tpu.memory_space<semaphore_mem>>) src(%dma_wait3A_273 : memref<2000x16xf32, #tpu.memory_space<vmem>>) dst(%dma_wait3A_279 : memref<10240x16xf32, #tpu.memory_space<vmem_shared>>)
      %add3A_280 = arith.constant 1 : i32
      %add3A_281 = arith.addi %scan3A_249, %add3A_280 : i32
      %lt3A_282 = arith.constant 5 : i32
      %lt3A_283 = arith.cmpi slt, %add3A_281, %lt3A_282 : i32
      %convert_element_type3A_284 = arith.extui %lt3A_283 : i1 to i32
      %cond3A_285 = arith.constant 0 : i32
      %cond3A_286 = arith.cmpi ne, %convert_element_type3A_284, %cond3A_285 : i32
      scf.if %cond3A_286 {
        %add3A_288 = arith.constant 1 : i32
        %add3A_289 = arith.addi %scan3A_249, %add3A_288 : i32
        %dma_wait3A_290 = arith.constant 0 : i32
        %dma_wait3A_291 = arith.constant 0 : i32
        %dma_wait3A_292 = tpu.memref_slice %arg8[%rem3A_255, %dma_wait3A_290, %dma_wait3A_291] : memref<2x2000x16xf32, #tpu.memory_space<vmem>> -> memref<1x2000x16xf32, #tpu.memory_space<vmem>>
        %dma_wait3A_293 = tpu.memref_squeeze %dma_wait3A_292 : memref<1x2000x16xf32, #tpu.memory_space<vmem>> -> memref<2000x16xf32, #tpu.memory_space<vmem>>
        %dma_wait3A_294 = arith.constant 0 : i32
        %dma_wait3A_295 = tpu.memref_slice %arg6[%add3A_289, %dma_wait3A_294] : memref<5x2000xi32, #tpu.memory_space<vmem>> -> memref<1x2000xi32, #tpu.memory_space<vmem>>
        %dma_wait3A_296 = tpu.memref_squeeze %dma_wait3A_295 : memref<1x2000xi32, #tpu.memory_space<vmem>> -> memref<2000xi32, #tpu.memory_space<vmem>>
        %dma_wait3A_297 = arith.constant 0 : i32
        %dma_wait3A_298 = arith.constant 0 : i32
        %dma_wait3A_299 = tpu.memref_slice %arg11[%dma_wait3A_297, %dma_wait3A_298] : memref<10240x16xf32, #tpu.memory_space<vmem_shared>> -> memref<10240x16xf32, #tpu.memory_space<vmem_shared>>
        tpu.wait_indirect_dma semaphore(%arg12 : memref<!tpu.dma_semaphore, #tpu.memory_space<semaphore_mem>>) src(%dma_wait3A_299 : memref<10240x16xf32, #tpu.memory_space<vmem_shared>>) dst(%dma_wait3A_293 : memref<2000x16xf32, #tpu.memory_space<vmem>>)
      } else {
      }
      %scan3A_287 = arith.constant 0 : i32
      scf.yield %scan3A_287 : i32
    }
    %scan3A_247 = arith.constant 5 : i32
    %barrier3A_248 = arith.constant 0 : index
    tpu.barrier barrier_id(%barrier3A_248)
    "tpu.region"() ({
      %run_scoped3A = tpu.sem_alloc : memref<!tpu.dma_semaphore, #tpu.memory_space<semaphore_mem>>
      %dma_start3A_249 = arith.constant 0 : i32
      %dma_start3A_250 = tpu.memref_slice %arg5[%arg0, %mul3A_2, %dma_start3A_249] : memref<2x10240x16xf32, #tpu.memory_space<hbm>> -> memref<1x640x16xf32, #tpu.memory_space<hbm>>
      %dma_start3A_251 = tpu.memref_squeeze %dma_start3A_250 : memref<1x640x16xf32, #tpu.memory_space<hbm>> -> memref<640x16xf32, #tpu.memory_space<hbm>>
      %dma_start3A_252 = arith.constant 0 : i32
      %dma_start3A_253 = tpu.memref_slice %arg10[%mul3A_2, %dma_start3A_252] : memref<10240x16xf32, #tpu.memory_space<vmem_shared>> -> memref<640x16xf32, #tpu.memory_space<vmem_shared>>
      tpu.enqueue_dma source(%dma_start3A_253 : memref<640x16xf32, #tpu.memory_space<vmem_shared>>) target(%dma_start3A_251 : memref<640x16xf32, #tpu.memory_space<hbm>>) target_semaphore(%run_scoped3A : memref<!tpu.dma_semaphore, #tpu.memory_space<semaphore_mem>>)
      %dma_wait3A_254 = arith.constant 0 : i32
      %dma_wait3A_255 = tpu.memref_slice %arg5[%arg0, %mul3A_2, %dma_wait3A_254] : memref<2x10240x16xf32, #tpu.memory_space<hbm>> -> memref<1x640x16xf32, #tpu.memory_space<hbm>>
      %dma_wait3A_256 = tpu.memref_squeeze %dma_wait3A_255 : memref<1x640x16xf32, #tpu.memory_space<hbm>> -> memref<640x16xf32, #tpu.memory_space<hbm>>
      %dma_wait3A_257 = arith.constant 0 : i32
      %dma_wait3A_258 = tpu.memref_slice %arg10[%mul3A_2, %dma_wait3A_257] : memref<10240x16xf32, #tpu.memory_space<vmem_shared>> -> memref<640x16xf32, #tpu.memory_space<vmem_shared>>
      tpu.wait_dma2 semaphore(%run_scoped3A : memref<!tpu.dma_semaphore, #tpu.memory_space<semaphore_mem>>) src(%dma_wait3A_258 : memref<640x16xf32, #tpu.memory_space<vmem_shared>>) dst(%dma_wait3A_256 : memref<640x16xf32, #tpu.memory_space<hbm>>)
      tpu.yield
    }) : () -> ()
    return
  }
}

module attributes {stable_mosaic.version = 14 : i64} {
  func.func @body(%arg0: memref<2x320000xi32, #tpu.memory_space<vmem>>, %arg1: memref<2500x128xi32, #tpu.memory_space<vmem>>, %arg2: memref<2500x128xi32, #tpu.memory_space<vmem>>) attributes {dimension_semantics = [], scalar_prefetch = 0 : i64, scratch_operands = 0 : i64, tpu.core_type = #tpu.core_type<tc>} {
    %get3A = arith.constant 0 : index
    %get3A_0 = arith.constant 0 : index
    %get3A_1 = vector.load %arg0[%get3A, %get3A_0] : memref<2x320000xi32, #tpu.memory_space<vmem>>, vector<1x320000xi32>
    %get3A_2 = vector.shape_cast %get3A_1 : vector<1x320000xi32> to vector<320000xi32>
    %reshape3A = vector.shape_cast %get3A_2 : vector<320000xi32> to vector<2500x128xi32>
    %swap3A = arith.constant 0 : index
    %swap3A_3 = arith.constant 0 : index
    %swap3A_4 = vector.load %arg1[%swap3A, %swap3A_3] : memref<2500x128xi32, #tpu.memory_space<vmem>>, vector<2500x128xi32>
    tpu.vector_store %arg1[%swap3A, %swap3A_3], %reshape3A {strides = array<i32>} : memref<2500x128xi32, #tpu.memory_space<vmem>>, vector<2500x128xi32>,
    %get3A_5 = arith.constant 1 : index
    %get3A_6 = arith.constant 0 : index
    %get3A_7 = vector.load %arg0[%get3A_5, %get3A_6] : memref<2x320000xi32, #tpu.memory_space<vmem>>, vector<1x320000xi32>
    %get3A_8 = vector.shape_cast %get3A_7 : vector<1x320000xi32> to vector<320000xi32>
    %reshape3A_9 = vector.shape_cast %get3A_8 : vector<320000xi32> to vector<2500x128xi32>
    %swap3A_10 = arith.constant 0 : index
    %swap3A_11 = arith.constant 0 : index
    %swap3A_12 = vector.load %arg2[%swap3A_10, %swap3A_11] : memref<2500x128xi32, #tpu.memory_space<vmem>>, vector<2500x128xi32>
    tpu.vector_store %arg2[%swap3A_10, %swap3A_11], %reshape3A_9 {strides = array<i32>} : memref<2500x128xi32, #tpu.memory_space<vmem>>, vector<2500x128xi32>,
    return
  }
}

module attributes {stable_mosaic.version = 14 : i64} {
  func.func @body(%arg0: i32, %arg1: memref<160x1024xf32, #tpu.memory_space<vmem>>, %arg2: memref<1024x128xf32, #tpu.memory_space<vmem>>, %arg3: memref<160x128xf32, #tpu.memory_space<vmem>>) attributes {dimension_semantics = [#tpu.dimension_semantics<arbitrary>], iteration_bounds = array<i64: 8>, scalar_prefetch = 0 : i64, scratch_operands = 0 : i64, tpu.core_type = #tpu.core_type<tc>, window_params = [{transform_indices = @transform_0, window_bounds = array<i64: 160, 1024>}, {pipeline_mode = #tpu.pipeline_mode<synchronous>, transform_indices = @transform_1, window_bounds = array<i64: 1024, 128>}, {transform_indices = @transform_2, window_bounds = array<i64: 160, 128>}]} {
    %get3A = arith.constant 0 : index
    %get3A_0 = arith.constant 0 : index
    %get3A_1 = vector.load %arg1[%get3A, %get3A_0] : memref<160x1024xf32, #tpu.memory_space<vmem>>, vector<160x1024xf32>
    %get3A_2 = arith.constant 0 : index
    %get3A_3 = arith.constant 0 : index
    %get3A_4 = vector.load %arg2[%get3A_2, %get3A_3] : memref<1024x128xf32, #tpu.memory_space<vmem>>, vector<1024x128xf32>
    %dot_general3A = arith.constant dense<0.000000e+00> : vector<160x128xf32>
    %dot_general3A_5 = tpu.matmul %get3A_1, %get3A_4, %dot_general3A {dimension_numbers = #tpu.dot_dimension_numbers<[1], [0], [0], [1], [0, 0, 1, 1], [], []>, transpose_lhs_hint = false} : vector<160x1024xf32>, vector<1024x128xf32>, vector<160x128xf32> -> vector<160x128xf32>
    %swap3A = arith.constant 0 : index
    %swap3A_6 = arith.constant 0 : index
    %swap3A_7 = vector.load %arg3[%swap3A, %swap3A_6] : memref<160x128xf32, #tpu.memory_space<vmem>>, vector<160x128xf32>
    tpu.vector_store %arg3[%swap3A, %swap3A_6], %dot_general3A_5 {strides = array<i32>} : memref<160x128xf32, #tpu.memory_space<vmem>>, vector<160x128xf32>,
    return
  }
  func.func @transform_0(%arg0: i32) -> (i32, i32) {
    %c0_i32 = arith.constant 0 : i32
    %c0_i32_0 = arith.constant 0 : i32
    return %arg0, %c0_i32 : i32, i32
  }
  func.func @transform_1(%arg0: i32) -> (i32, i32) {
    %c0_i32 = arith.constant 0 : i32
    %c0_i32_0 = arith.constant 0 : i32
    %c0_i32_1 = arith.constant 0 : i32
    return %c0_i32, %c0_i32_0 : i32, i32
  }
  func.func @transform_2(%arg0: i32) -> (i32, i32) {
    %c0_i32 = arith.constant 0 : i32
    %c0_i32_0 = arith.constant 0 : i32
    return %arg0, %c0_i32 : i32, i32
  }
}

module attributes {stable_mosaic.version = 14 : i64} {
  func.func @body(%arg0: i32, %arg1: memref<256x128xf32, #tpu.memory_space<vmem>>, %arg2: memref<2x256x128xf32, #tpu.memory_space<vmem>>, %arg3: memref<256x128xf32, #tpu.memory_space<vmem>>) attributes {dimension_semantics = [#tpu.dimension_semantics<arbitrary>], iteration_bounds = array<i64: 5>, scalar_prefetch = 0 : i64, scratch_operands = 0 : i64, tpu.core_type = #tpu.core_type<tc>, window_params = [{transform_indices = @transform_0, window_bounds = array<i64: 256, 128>}, {transform_indices = @transform_1, window_bounds = array<i64: 2, 256, 128>}, {transform_indices = @transform_2, window_bounds = array<i64: 256, 128>}]} {
    %get3A = arith.constant 0 : index
    %get3A_0 = arith.constant 0 : index
    %get3A_1 = vector.load %arg1[%get3A, %get3A_0] : memref<256x128xf32, #tpu.memory_space<vmem>>, vector<256x128xf32>
    %get3A_2 = arith.constant 0 : index
    %get3A_3 = arith.constant 0 : index
    %get3A_4 = arith.constant 0 : index
    %get3A_5 = vector.load %arg2[%get3A_2, %get3A_3, %get3A_4] : memref<2x256x128xf32, #tpu.memory_space<vmem>>, vector<1x256x128xf32>
    %get3A_6 = vector.shape_cast %get3A_5 : vector<1x256x128xf32> to vector<256x128xf32>
    %add3A = arith.addf %get3A_1, %get3A_6 : vector<256x128xf32>
    %get3A_7 = arith.constant 1 : index
    %get3A_8 = arith.constant 0 : index
    %get3A_9 = arith.constant 0 : index
    %get3A_10 = vector.load %arg2[%get3A_7, %get3A_8, %get3A_9] : memref<2x256x128xf32, #tpu.memory_space<vmem>>, vector<1x256x128xf32>
    %get3A_11 = vector.shape_cast %get3A_10 : vector<1x256x128xf32> to vector<256x128xf32>
    %add3A_12 = arith.addf %add3A, %get3A_11 : vector<256x128xf32>
    %swap3A = arith.constant 0 : index
    %swap3A_13 = arith.constant 0 : index
    %swap3A_14 = vector.load %arg3[%swap3A, %swap3A_13] : memref<256x128xf32, #tpu.memory_space<vmem>>, vector<256x128xf32>
    tpu.vector_store %arg3[%swap3A, %swap3A_13], %add3A_12 {strides = array<i32>} : memref<256x128xf32, #tpu.memory_space<vmem>>, vector<256x128xf32>,
    return
  }
  func.func @transform_0(%arg0: i32) -> (i32, i32) {
    %c0_i32 = arith.constant 0 : i32
    %c0_i32_0 = arith.constant 0 : i32
    return %arg0, %c0_i32 : i32, i32
  }
  func.func @transform_1(%arg0: i32) -> (i32, i32, i32) {
    %c0_i32 = arith.constant 0 : i32
    %c0_i32_0 = arith.constant 0 : i32
    %c0_i32_1 = arith.constant 0 : i32
    return %c0_i32, %arg0, %c0_i32_0 : i32, i32, i32
  }
  func.func @transform_2(%arg0: i32) -> (i32, i32) {
    %c0_i32 = arith.constant 0 : i32
    %c0_i32_0 = arith.constant 0 : i32
    return %arg0, %c0_i32 : i32, i32
  }
}

module attributes {stable_mosaic.version = 14 : i64} {
  func.func @body(%arg0: memref<1280x128xf32, #tpu.memory_space<vmem>>, %arg1: memref<2x1280x128xf32, #tpu.memory_space<vmem>>, %arg2: memref<1x128xf32, #tpu.memory_space<vmem>>, %arg3: memref<1x128xf32, #tpu.memory_space<vmem>>, %arg4: memref<1x128xf32, #tpu.memory_space<vmem>>, %arg5: memref<1280x128xf32, #tpu.memory_space<vmem>>) attributes {dimension_semantics = [], scalar_prefetch = 0 : i64, scratch_operands = 0 : i64, tpu.core_type = #tpu.core_type<tc>} {
    %get3A = arith.constant 0 : index
    %get3A_0 = arith.constant 0 : index
    %get3A_1 = vector.load %arg0[%get3A, %get3A_0] : memref<1280x128xf32, #tpu.memory_space<vmem>>, vector<1280x128xf32>
    %get3A_2 = arith.constant 0 : index
    %get3A_3 = arith.constant 0 : index
    %get3A_4 = arith.constant 0 : index
    %get3A_5 = vector.load %arg1[%get3A_2, %get3A_3, %get3A_4] : memref<2x1280x128xf32, #tpu.memory_space<vmem>>, vector<1x1280x128xf32>
    %get3A_6 = vector.shape_cast %get3A_5 : vector<1x1280x128xf32> to vector<1280x128xf32>
    %add3A = arith.addf %get3A_1, %get3A_6 : vector<1280x128xf32>
    %get3A_7 = arith.constant 1 : index
    %get3A_8 = arith.constant 0 : index
    %get3A_9 = arith.constant 0 : index
    %get3A_10 = vector.load %arg1[%get3A_7, %get3A_8, %get3A_9] : memref<2x1280x128xf32, #tpu.memory_space<vmem>>, vector<1x1280x128xf32>
    %get3A_11 = vector.shape_cast %get3A_10 : vector<1x1280x128xf32> to vector<1280x128xf32>
    %add3A_12 = arith.addf %add3A, %get3A_11 : vector<1280x128xf32>
    %get3A_13 = arith.constant 0 : index
    %get3A_14 = arith.constant 0 : index
    %get3A_15 = vector.load %arg2[%get3A_13, %get3A_14] : memref<1x128xf32, #tpu.memory_space<vmem>>, vector<1x128xf32>
    %add3A_16 = vector.broadcast %get3A_15 : vector<1x128xf32> to vector<1280x128xf32>
    %add3A_17 = arith.addf %add3A_12, %add3A_16 : vector<1280x128xf32>
    %iota3A = tpu.iota {dimensions = array<i32: 0>} : vector<1280x128xi32>
    %lt3A = arith.constant 1250 : i32
    %lt3A_18 = vector.broadcast %lt3A : i32 to vector<1280x128xi32>
    %lt3A_19 = arith.cmpi slt, %iota3A, %lt3A_18 : vector<1280x128xi32>
    %iota3A_20 = tpu.iota {dimensions = array<i32: 0>} : vector<128x128xi32>
    %iota3A_21 = tpu.iota {dimensions = array<i32: 1>} : vector<128x128xi32>
    %jit3A = arith.constant 16 : i32
    %eq3A = arith.constant 0 : i32
    %eq3A_22 = arith.cmpi eq, %jit3A, %eq3A : i32
    %jit3A_23 = arith.constant 1 : i32
    %select_n3A = arith.select %eq3A_22, %jit3A_23, %jit3A : i32
    %rem3A = vector.broadcast %select_n3A : i32 to vector<128x128xi32>
    %rem3A_24 = arith.remsi %iota3A_20, %rem3A : vector<128x128xi32>
    %ne3A = arith.constant 0 : i32
    %ne3A_25 = vector.broadcast %ne3A : i32 to vector<128x128xi32>
    %ne3A_26 = arith.cmpi ne, %rem3A_24, %ne3A_25 : vector<128x128xi32>
    %lt3A_27 = arith.constant 0 : i32
    %lt3A_28 = vector.broadcast %lt3A_27 : i32 to vector<128x128xi32>
    %lt3A_29 = arith.cmpi slt, %rem3A_24, %lt3A_28 : vector<128x128xi32>
    %lt3A_30 = arith.constant 0 : i32
    %lt3A_31 = arith.cmpi slt, %select_n3A, %lt3A_30 : i32
    %ne3A_32 = vector.broadcast %lt3A_31 : i1 to vector<128x128xi1>
    %ne3A_33 = vector.broadcast %ne3A_32 : vector<128x128xi1> to vector<128x128xi1>
    %ne3A_34 = arith.xori %lt3A_29, %ne3A_33 : vector<128x128xi1>
    %and3A = arith.andi %ne3A_34, %ne3A_26 : vector<128x128xi1>
    %add3A_35 = vector.broadcast %select_n3A : i32 to vector<128x128xi32>
    %add3A_36 = arith.addi %rem3A_24, %add3A_35 : vector<128x128xi32>
    %select_n3A_37 = arith.select %and3A, %add3A_36, %rem3A_24 : vector<128x128xi1>, vector<128x128xi32>
    %jit3A_38 = arith.constant 16 : i32
    %eq3A_39 = arith.constant 0 : i32
    %eq3A_40 = arith.cmpi eq, %jit3A_38, %eq3A_39 : i32
    %jit3A_41 = arith.constant 1 : i32
    %select_n3A_42 = arith.select %eq3A_40, %jit3A_41, %jit3A_38 : i32
    %rem3A_43 = vector.broadcast %select_n3A_42 : i32 to vector<128x128xi32>
    %rem3A_44 = arith.remsi %iota3A_21, %rem3A_43 : vector<128x128xi32>
    %ne3A_45 = arith.constant 0 : i32
    %ne3A_46 = vector.broadcast %ne3A_45 : i32 to vector<128x128xi32>
    %ne3A_47 = arith.cmpi ne, %rem3A_44, %ne3A_46 : vector<128x128xi32>
    %lt3A_48 = arith.constant 0 : i32
    %lt3A_49 = vector.broadcast %lt3A_48 : i32 to vector<128x128xi32>
    %lt3A_50 = arith.cmpi slt, %rem3A_44, %lt3A_49 : vector<128x128xi32>
    %lt3A_51 = arith.constant 0 : i32
    %lt3A_52 = arith.cmpi slt, %select_n3A_42, %lt3A_51 : i32
    %ne3A_53 = vector.broadcast %lt3A_52 : i1 to vector<128x128xi1>
    %ne3A_54 = vector.broadcast %ne3A_53 : vector<128x128xi1> to vector<128x128xi1>
    %ne3A_55 = arith.xori %lt3A_50, %ne3A_54 : vector<128x128xi1>
    %and3A_56 = arith.andi %ne3A_55, %ne3A_47 : vector<128x128xi1>
    %add3A_57 = vector.broadcast %select_n3A_42 : i32 to vector<128x128xi32>
    %add3A_58 = arith.addi %rem3A_44, %add3A_57 : vector<128x128xi32>
    %select_n3A_59 = arith.select %and3A_56, %add3A_58, %rem3A_44 : vector<128x128xi1>, vector<128x128xi32>
    %eq3A_60 = arith.cmpi eq, %select_n3A_37, %select_n3A_59 : vector<128x128xi32>
    %jit3A_61 = arith.constant 1.000000e+00 : f32
    %jit3A_62 = arith.constant 0.000000e+00 : f32
    %broadcast_in_dim3A = vector.broadcast %jit3A_61 : f32 to vector<128x128xf32>
    %broadcast_in_dim3A_63 = vector.broadcast %jit3A_62 : f32 to vector<128x128xf32>
    %select_n3A_64 = arith.select %eq3A_60, %broadcast_in_dim3A, %broadcast_in_dim3A_63 : vector<128x128xi1>, vector<128x128xf32>
    %jit3A_65 = arith.constant 0.000000e+00 : f32
    %broadcast_in_dim3A_66 = vector.broadcast %jit3A_65 : f32 to vector<1280x128xf32>
    %select_n3A_67 = arith.select %lt3A_19, %add3A_17, %broadcast_in_dim3A_66 : vector<1280x128xi1>, vector<1280x128xf32>
    %reduce_sum3A = arith.constant dense<0.000000e+00> : vector<128xf32>
    %reduce_sum3A_68 = vector.multi_reduction <add>, %select_n3A_67, %reduce_sum3A [0] : vector<1280x128xf32> to vector<128xf32>
    %broadcast_in_dim3A_69 = vector.shape_cast %reduce_sum3A_68 : vector<128xf32> to vector<1x128xf32>
    %dot_general3A = arith.constant dense<0.000000e+00> : vector<1x128xf32>
    %dot_general3A_70 = tpu.matmul %broadcast_in_dim3A_69, %select_n3A_64, %dot_general3A {dimension_numbers = #tpu.dot_dimension_numbers<[1], [0], [0], [1], [0, 0, 1, 1], [], []>, transpose_lhs_hint = false} : vector<1x128xf32>, vector<128x128xf32>, vector<1x128xf32> -> vector<1x128xf32>
    %div3A = arith.constant 1.000000e+04 : f32
    %div3A_71 = vector.broadcast %div3A : f32 to vector<1x128xf32>
    %div3A_72 = arith.divf %dot_general3A_70, %div3A_71 : vector<1x128xf32>
    %sub3A = vector.broadcast %div3A_72 : vector<1x128xf32> to vector<1280x128xf32>
    %sub3A_73 = arith.subf %add3A_17, %sub3A : vector<1280x128xf32>
    %jit3A_74 = arith.constant 0.000000e+00 : f32
    %broadcast_in_dim3A_75 = vector.broadcast %jit3A_74 : f32 to vector<1280x128xf32>
    %select_n3A_76 = arith.select %lt3A_19, %sub3A_73, %broadcast_in_dim3A_75 : vector<1280x128xi1>, vector<1280x128xf32>
    %mul3A = arith.mulf %select_n3A_76, %select_n3A_76 : vector<1280x128xf32>
    %reduce_sum3A_77 = arith.constant dense<0.000000e+00> : vector<128xf32>
    %reduce_sum3A_78 = vector.multi_reduction <add>, %mul3A, %reduce_sum3A_77 [0] : vector<1280x128xf32> to vector<128xf32>
    %broadcast_in_dim3A_79 = vector.shape_cast %reduce_sum3A_78 : vector<128xf32> to vector<1x128xf32>
    %dot_general3A_80 = arith.constant dense<0.000000e+00> : vector<1x128xf32>
    %dot_general3A_81 = tpu.matmul %broadcast_in_dim3A_79, %select_n3A_64, %dot_general3A_80 {dimension_numbers = #tpu.dot_dimension_numbers<[1], [0], [0], [1], [0, 0, 1, 1], [], []>, transpose_lhs_hint = false} : vector<1x128xf32>, vector<128x128xf32>, vector<1x128xf32> -> vector<1x128xf32>
    %div3A_82 = arith.constant 1.000000e+04 : f32
    %div3A_83 = vector.broadcast %div3A_82 : f32 to vector<1x128xf32>
    %div3A_84 = arith.divf %dot_general3A_81, %div3A_83 : vector<1x128xf32>
    %sub3A_85 = vector.broadcast %div3A_72 : vector<1x128xf32> to vector<1280x128xf32>
    %sub3A_86 = arith.subf %add3A_17, %sub3A_85 : vector<1280x128xf32>
    %add3A_87 = arith.constant 9.99999974E-6 : f32
    %add3A_88 = vector.broadcast %add3A_87 : f32 to vector<1x128xf32>
    %add3A_89 = arith.addf %div3A_84, %add3A_88 : vector<1x128xf32>
    %rsqrt3A = math.rsqrt %add3A_89 : vector<1x128xf32>
    %mul3A_90 = vector.broadcast %rsqrt3A : vector<1x128xf32> to vector<1280x128xf32>
    %mul3A_91 = arith.mulf %sub3A_86, %mul3A_90 : vector<1280x128xf32>
    %get3A_92 = arith.constant 0 : index
    %get3A_93 = arith.constant 0 : index
    %get3A_94 = vector.load %arg3[%get3A_92, %get3A_93] : memref<1x128xf32, #tpu.memory_space<vmem>>, vector<1x128xf32>
    %mul3A_95 = vector.broadcast %get3A_94 : vector<1x128xf32> to vector<1280x128xf32>
    %mul3A_96 = arith.mulf %mul3A_91, %mul3A_95 : vector<1280x128xf32>
    %get3A_97 = arith.constant 0 : index
    %get3A_98 = arith.constant 0 : index
    %get3A_99 = vector.load %arg4[%get3A_97, %get3A_98] : memref<1x128xf32, #tpu.memory_space<vmem>>, vector<1x128xf32>
    %add3A_100 = vector.broadcast %get3A_99 : vector<1x128xf32> to vector<1280x128xf32>
    %add3A_101 = arith.addf %mul3A_96, %add3A_100 : vector<1280x128xf32>
    %gt3A = arith.constant 0.000000e+00 : f32
    %gt3A_102 = vector.broadcast %gt3A : f32 to vector<1280x128xf32>
    %gt3A_103 = arith.cmpf ogt, %add3A_101, %gt3A_102 : vector<1280x128xf32>
    %exp3A = math.exp %add3A_101 : vector<1280x128xf32>
    %sub3A_104 = arith.constant 1.000000e+00 : f32
    %sub3A_105 = vector.broadcast %sub3A_104 : f32 to vector<1280x128xf32>
    %sub3A_106 = arith.subf %exp3A, %sub3A_105 : vector<1280x128xf32>
    %mul3A_107 = arith.constant 1.67326319 : f32
    %mul3A_108 = vector.broadcast %mul3A_107 : f32 to vector<1280x128xf32>
    %mul3A_109 = arith.mulf %mul3A_108, %sub3A_106 : vector<1280x128xf32>
    %select_n3A_110 = arith.select %gt3A_103, %add3A_101, %mul3A_109 : vector<1280x128xi1>, vector<1280x128xf32>
    %mul3A_111 = arith.constant 1.05070102 : f32
    %mul3A_112 = vector.broadcast %mul3A_111 : f32 to vector<1280x128xf32>
    %mul3A_113 = arith.mulf %mul3A_112, %select_n3A_110 : vector<1280x128xf32>
    %swap3A = arith.constant 0 : index
    %swap3A_114 = arith.constant 0 : index
    %swap3A_115 = vector.load %arg5[%swap3A, %swap3A_114] : memref<1280x128xf32, #tpu.memory_space<vmem>>, vector<1280x128xf32>
    tpu.vector_store %arg5[%swap3A, %swap3A_114], %mul3A_113 {strides = array<i32>} : memref<1280x128xf32, #tpu.memory_space<vmem>>, vector<1280x128xf32>,
    return
  }
}

module attributes {stable_mosaic.version = 14 : i64} {
  func.func @body(%arg0: i32, %arg1: memref<640x128xf32, #tpu.memory_space<vmem>>, %arg2: memref<2x640x128xf32, #tpu.memory_space<vmem>>, %arg3: memref<128x512xf32, #tpu.memory_space<vmem>>, %arg4: memref<1x512xf32, #tpu.memory_space<vmem>>, %arg5: memref<640x512xf32, #tpu.memory_space<vmem>>) attributes {dimension_semantics = [#tpu.dimension_semantics<arbitrary>], iteration_bounds = array<i64: 2>, scalar_prefetch = 0 : i64, scratch_operands = 0 : i64, tpu.core_type = #tpu.core_type<tc>, window_params = [{transform_indices = @transform_0, window_bounds = array<i64: 640, 128>}, {transform_indices = @transform_1, window_bounds = array<i64: 2, 640, 128>}, {pipeline_mode = #tpu.pipeline_mode<synchronous>, transform_indices = @transform_2, window_bounds = array<i64: 128, 512>}, {pipeline_mode = #tpu.pipeline_mode<synchronous>, transform_indices = @transform_3, window_bounds = array<i64: 1, 512>}, {transform_indices = @transform_4, window_bounds = array<i64: 640, 512>}]} {
    %get3A = arith.constant 0 : index
    %get3A_0 = arith.constant 0 : index
    %get3A_1 = vector.load %arg1[%get3A, %get3A_0] : memref<640x128xf32, #tpu.memory_space<vmem>>, vector<640x128xf32>
    %get3A_2 = arith.constant 0 : index
    %get3A_3 = arith.constant 0 : index
    %get3A_4 = arith.constant 0 : index
    %get3A_5 = vector.load %arg2[%get3A_2, %get3A_3, %get3A_4] : memref<2x640x128xf32, #tpu.memory_space<vmem>>, vector<1x640x128xf32>
    %get3A_6 = vector.shape_cast %get3A_5 : vector<1x640x128xf32> to vector<640x128xf32>
    %add3A = arith.addf %get3A_1, %get3A_6 : vector<640x128xf32>
    %get3A_7 = arith.constant 1 : index
    %get3A_8 = arith.constant 0 : index
    %get3A_9 = arith.constant 0 : index
    %get3A_10 = vector.load %arg2[%get3A_7, %get3A_8, %get3A_9] : memref<2x640x128xf32, #tpu.memory_space<vmem>>, vector<1x640x128xf32>
    %get3A_11 = vector.shape_cast %get3A_10 : vector<1x640x128xf32> to vector<640x128xf32>
    %add3A_12 = arith.addf %add3A, %get3A_11 : vector<640x128xf32>
    %get3A_13 = arith.constant 0 : index
    %get3A_14 = arith.constant 0 : index
    %get3A_15 = vector.load %arg3[%get3A_13, %get3A_14] : memref<128x512xf32, #tpu.memory_space<vmem>>, vector<128x512xf32>
    %dot_general3A = arith.constant dense<0.000000e+00> : vector<640x512xf32>
    %dot_general3A_16 = tpu.matmul %add3A_12, %get3A_15, %dot_general3A {dimension_numbers = #tpu.dot_dimension_numbers<[1], [0], [0], [1], [0, 0, 1, 1], [], []>, transpose_lhs_hint = false} : vector<640x128xf32>, vector<128x512xf32>, vector<640x512xf32> -> vector<640x512xf32>
    %get3A_17 = arith.constant 0 : index
    %get3A_18 = arith.constant 0 : index
    %get3A_19 = vector.load %arg4[%get3A_17, %get3A_18] : memref<1x512xf32, #tpu.memory_space<vmem>>, vector<1x512xf32>
    %add3A_20 = vector.broadcast %get3A_19 : vector<1x512xf32> to vector<640x512xf32>
    %add3A_21 = arith.addf %dot_general3A_16, %add3A_20 : vector<640x512xf32>
    %roll3A = arith.constant 480 : i32
    %roll3A_22 = tpu.dynamic_rotate %add3A_21 by %roll3A dim 1 : vector<640x512xf32>, i32 -> vector<640x512xf32>
    %max3A = arith.maximumf %add3A_21, %roll3A_22 : vector<640x512xf32>
    %roll3A_23 = arith.constant 496 : i32
    %roll3A_24 = tpu.dynamic_rotate %max3A by %roll3A_23 dim 1 : vector<640x512xf32>, i32 -> vector<640x512xf32>
    %max3A_25 = arith.maximumf %max3A, %roll3A_24 : vector<640x512xf32>
    %roll3A_26 = arith.constant 504 : i32
    %roll3A_27 = tpu.dynamic_rotate %max3A_25 by %roll3A_26 dim 1 : vector<640x512xf32>, i32 -> vector<640x512xf32>
    %max3A_28 = arith.maximumf %max3A_25, %roll3A_27 : vector<640x512xf32>
    %roll3A_29 = arith.constant 508 : i32
    %roll3A_30 = tpu.dynamic_rotate %max3A_28 by %roll3A_29 dim 1 : vector<640x512xf32>, i32 -> vector<640x512xf32>
    %max3A_31 = arith.maximumf %max3A_28, %roll3A_30 : vector<640x512xf32>
    %roll3A_32 = arith.constant 510 : i32
    %roll3A_33 = tpu.dynamic_rotate %max3A_31 by %roll3A_32 dim 1 : vector<640x512xf32>, i32 -> vector<640x512xf32>
    %max3A_34 = arith.maximumf %max3A_31, %roll3A_33 : vector<640x512xf32>
    %roll3A_35 = arith.constant 511 : i32
    %roll3A_36 = tpu.dynamic_rotate %max3A_34 by %roll3A_35 dim 1 : vector<640x512xf32>, i32 -> vector<640x512xf32>
    %max3A_37 = arith.maximumf %max3A_34, %roll3A_36 : vector<640x512xf32>
    %iota3A = tpu.iota {dimensions = array<i32: 0>} : vector<512x512xi32>
    %iota3A_38 = tpu.iota {dimensions = array<i32: 1>} : vector<512x512xi32>
    %jit3A = arith.constant 64 : i32
    %div3A = vector.broadcast %jit3A : i32 to vector<512x512xi32>
    %div3A_39 = arith.divsi %iota3A, %div3A : vector<512x512xi32>
    %sign3A = arith.constant 0 : i32
    %sign3A_40 = vector.broadcast %sign3A : i32 to vector<512x512xi32>
    %sign3A_41 = arith.cmpi sgt, %iota3A, %sign3A_40 : vector<512x512xi32>
    %sign3A_42 = arith.extui %sign3A_41 : vector<512x512xi1> to vector<512x512xi32>
    %sign3A_43 = arith.constant 0 : i32
    %sign3A_44 = vector.broadcast %sign3A_43 : i32 to vector<512x512xi32>
    %sign3A_45 = arith.cmpi slt, %iota3A, %sign3A_44 : vector<512x512xi32>
    %sign3A_46 = arith.extui %sign3A_45 : vector<512x512xi1> to vector<512x512xi32>
    %sign3A_47 = arith.subi %sign3A_42, %sign3A_46 : vector<512x512xi32>
    %sign3A_48 = arith.constant 0 : i32
    %sign3A_49 = arith.cmpi sgt, %jit3A, %sign3A_48 : i32
    %sign3A_50 = arith.extui %sign3A_49 : i1 to i32
    %sign3A_51 = arith.constant 0 : i32
    %sign3A_52 = arith.cmpi slt, %jit3A, %sign3A_51 : i32
    %sign3A_53 = arith.extui %sign3A_52 : i1 to i32
    %sign3A_54 = arith.subi %sign3A_50, %sign3A_53 : i32
    %ne3A = vector.broadcast %sign3A_54 : i32 to vector<512x512xi32>
    %ne3A_55 = arith.cmpi ne, %sign3A_47, %ne3A : vector<512x512xi32>
    %rem3A = vector.broadcast %jit3A : i32 to vector<512x512xi32>
    %rem3A_56 = arith.remsi %iota3A, %rem3A : vector<512x512xi32>
    %ne3A_57 = arith.constant 0 : i32
    %ne3A_58 = vector.broadcast %ne3A_57 : i32 to vector<512x512xi32>
    %ne3A_59 = arith.cmpi ne, %rem3A_56, %ne3A_58 : vector<512x512xi32>
    %and3A = arith.andi %ne3A_55, %ne3A_59 : vector<512x512xi1>
    %sub3A = arith.constant 1 : i32
    %sub3A_60 = vector.broadcast %sub3A : i32 to vector<512x512xi32>
    %sub3A_61 = arith.subi %div3A_39, %sub3A_60 : vector<512x512xi32>
    %select_n3A = arith.select %and3A, %sub3A_61, %div3A_39 : vector<512x512xi1>, vector<512x512xi32>
    %jit3A_62 = arith.constant 64 : i32
    %div3A_63 = vector.broadcast %jit3A_62 : i32 to vector<512x512xi32>
    %div3A_64 = arith.divsi %iota3A_38, %div3A_63 : vector<512x512xi32>
    %sign3A_65 = arith.constant 0 : i32
    %sign3A_66 = vector.broadcast %sign3A_65 : i32 to vector<512x512xi32>
    %sign3A_67 = arith.cmpi sgt, %iota3A_38, %sign3A_66 : vector<512x512xi32>
    %sign3A_68 = arith.extui %sign3A_67 : vector<512x512xi1> to vector<512x512xi32>
    %sign3A_69 = arith.constant 0 : i32
    %sign3A_70 = vector.broadcast %sign3A_69 : i32 to vector<512x512xi32>
    %sign3A_71 = arith.cmpi slt, %iota3A_38, %sign3A_70 : vector<512x512xi32>
    %sign3A_72 = arith.extui %sign3A_71 : vector<512x512xi1> to vector<512x512xi32>
    %sign3A_73 = arith.subi %sign3A_68, %sign3A_72 : vector<512x512xi32>
    %sign3A_74 = arith.constant 0 : i32
    %sign3A_75 = arith.cmpi sgt, %jit3A_62, %sign3A_74 : i32
    %sign3A_76 = arith.extui %sign3A_75 : i1 to i32
    %sign3A_77 = arith.constant 0 : i32
    %sign3A_78 = arith.cmpi slt, %jit3A_62, %sign3A_77 : i32
    %sign3A_79 = arith.extui %sign3A_78 : i1 to i32
    %sign3A_80 = arith.subi %sign3A_76, %sign3A_79 : i32
    %ne3A_81 = vector.broadcast %sign3A_80 : i32 to vector<512x512xi32>
    %ne3A_82 = arith.cmpi ne, %sign3A_73, %ne3A_81 : vector<512x512xi32>
    %rem3A_83 = vector.broadcast %jit3A_62 : i32 to vector<512x512xi32>
    %rem3A_84 = arith.remsi %iota3A_38, %rem3A_83 : vector<512x512xi32>
    %ne3A_85 = arith.constant 0 : i32
    %ne3A_86 = vector.broadcast %ne3A_85 : i32 to vector<512x512xi32>
    %ne3A_87 = arith.cmpi ne, %rem3A_84, %ne3A_86 : vector<512x512xi32>
    %and3A_88 = arith.andi %ne3A_82, %ne3A_87 : vector<512x512xi1>
    %sub3A_89 = arith.constant 1 : i32
    %sub3A_90 = vector.broadcast %sub3A_89 : i32 to vector<512x512xi32>
    %sub3A_91 = arith.subi %div3A_64, %sub3A_90 : vector<512x512xi32>
    %select_n3A_92 = arith.select %and3A_88, %sub3A_91, %div3A_64 : vector<512x512xi1>, vector<512x512xi32>
    %eq3A = arith.cmpi eq, %select_n3A, %select_n3A_92 : vector<512x512xi32>
    %jit3A_93 = arith.constant 1.000000e+00 : f32
    %jit3A_94 = arith.constant 0.000000e+00 : f32
    %broadcast_in_dim3A = vector.broadcast %jit3A_93 : f32 to vector<512x512xf32>
    %broadcast_in_dim3A_95 = vector.broadcast %jit3A_94 : f32 to vector<512x512xf32>
    %select_n3A_96 = arith.select %eq3A, %broadcast_in_dim3A, %broadcast_in_dim3A_95 : vector<512x512xi1>, vector<512x512xf32>
    %iota3A_97 = tpu.iota {dimensions = array<i32: 1>} : vector<640x512xi32>
    %jit3A_98 = arith.constant 64 : i32
    %eq3A_99 = arith.constant 0 : i32
    %eq3A_100 = arith.cmpi eq, %jit3A_98, %eq3A_99 : i32
    %jit3A_101 = arith.constant 1 : i32
    %select_n3A_102 = arith.select %eq3A_100, %jit3A_101, %jit3A_98 : i32
    %rem3A_103 = vector.broadcast %select_n3A_102 : i32 to vector<640x512xi32>
    %rem3A_104 = arith.remsi %iota3A_97, %rem3A_103 : vector<640x512xi32>
    %ne3A_105 = arith.constant 0 : i32
    %ne3A_106 = vector.broadcast %ne3A_105 : i32 to vector<640x512xi32>
    %ne3A_107 = arith.cmpi ne, %rem3A_104, %ne3A_106 : vector<640x512xi32>
    %lt3A = arith.constant 0 : i32
    %lt3A_108 = vector.broadcast %lt3A : i32 to vector<640x512xi32>
    %lt3A_109 = arith.cmpi slt, %rem3A_104, %lt3A_108 : vector<640x512xi32>
    %lt3A_110 = arith.constant 0 : i32
    %lt3A_111 = arith.cmpi slt, %select_n3A_102, %lt3A_110 : i32
    %ne3A_112 = vector.broadcast %lt3A_111 : i1 to vector<640x512xi1>
    %ne3A_113 = vector.broadcast %ne3A_112 : vector<640x512xi1> to vector<640x512xi1>
    %ne3A_114 = arith.xori %lt3A_109, %ne3A_113 : vector<640x512xi1>
    %and3A_115 = arith.andi %ne3A_114, %ne3A_107 : vector<640x512xi1>
    %add3A_116 = vector.broadcast %select_n3A_102 : i32 to vector<640x512xi32>
    %add3A_117 = arith.addi %rem3A_104, %add3A_116 : vector<640x512xi32>
    %select_n3A_118 = arith.select %and3A_115, %add3A_117, %rem3A_104 : vector<640x512xi1>, vector<640x512xi32>
    %eq3A_119 = arith.constant 0 : i32
    %eq3A_120 = vector.broadcast %eq3A_119 : i32 to vector<640x512xi32>
    %eq3A_121 = arith.cmpi eq, %select_n3A_118, %eq3A_120 : vector<640x512xi32>
    %jit3A_122 = arith.constant 0.000000e+00 : f32
    %broadcast_in_dim3A_123 = vector.broadcast %jit3A_122 : f32 to vector<640x512xf32>
    %select_n3A_124 = arith.select %eq3A_121, %max3A_37, %broadcast_in_dim3A_123 : vector<640x512xi1>, vector<640x512xf32>
    %dot_general3A_125 = arith.constant dense<0.000000e+00> : vector<640x512xf32>
    %dot_general3A_126 = tpu.matmul %select_n3A_124, %select_n3A_96, %dot_general3A_125 {dimension_numbers = #tpu.dot_dimension_numbers<[1], [0], [0], [1], [0, 0, 1, 1], [], []>, transpose_lhs_hint = false} : vector<640x512xf32>, vector<512x512xf32>, vector<640x512xf32> -> vector<640x512xf32>
    %sub3A_127 = arith.subf %add3A_21, %dot_general3A_126 : vector<640x512xf32>
    %exp3A = math.exp %sub3A_127 : vector<640x512xf32>
    %dot_general3A_128 = arith.constant dense<0.000000e+00> : vector<640x512xf32>
    %dot_general3A_129 = tpu.matmul %exp3A, %select_n3A_96, %dot_general3A_128 {dimension_numbers = #tpu.dot_dimension_numbers<[1], [0], [0], [1], [0, 0, 1, 1], [], []>, transpose_lhs_hint = false} : vector<640x512xf32>, vector<512x512xf32>, vector<640x512xf32> -> vector<640x512xf32>
    %sub3A_130 = arith.subf %add3A_21, %dot_general3A_126 : vector<640x512xf32>
    %log3A = math.log %dot_general3A_129 : vector<640x512xf32>
    %sub3A_131 = arith.subf %sub3A_130, %log3A : vector<640x512xf32>
    %swap3A = arith.constant 0 : index
    %swap3A_132 = arith.constant 0 : index
    %swap3A_133 = vector.load %arg5[%swap3A, %swap3A_132] : memref<640x512xf32, #tpu.memory_space<vmem>>, vector<640x512xf32>
    tpu.vector_store %arg5[%swap3A, %swap3A_132], %sub3A_131 {strides = array<i32>} : memref<640x512xf32, #tpu.memory_space<vmem>>, vector<640x512xf32>,
    return
  }
  func.func @transform_0(%arg0: i32) -> (i32, i32) {
    %c0_i32 = arith.constant 0 : i32
    %c0_i32_0 = arith.constant 0 : i32
    return %arg0, %c0_i32 : i32, i32
  }
  func.func @transform_1(%arg0: i32) -> (i32, i32, i32) {
    %c0_i32 = arith.constant 0 : i32
    %c0_i32_0 = arith.constant 0 : i32
    %c0_i32_1 = arith.constant 0 : i32
    return %c0_i32, %arg0, %c0_i32_0 : i32, i32, i32
  }
  func.func @transform_2(%arg0: i32) -> (i32, i32) {
    %c0_i32 = arith.constant 0 : i32
    %c0_i32_0 = arith.constant 0 : i32
    %c0_i32_1 = arith.constant 0 : i32
    return %c0_i32, %c0_i32_0 : i32, i32
  }
  func.func @transform_3(%arg0: i32) -> (i32, i32) {
    %c0_i32 = arith.constant 0 : i32
    %c0_i32_0 = arith.constant 0 : i32
    %c0_i32_1 = arith.constant 0 : i32
    return %c0_i32, %c0_i32_0 : i32, i32
  }
  func.func @transform_4(%arg0: i32) -> (i32, i32) {
    %c0_i32 = arith.constant 0 : i32
    %c0_i32_0 = arith.constant 0 : i32
    return %arg0, %c0_i32 : i32, i32
  }
}

</mosaic_0001>

<sc_bundles>
// kernel: kernel.10.cloned.1.call-start
scs
__scs_entry_jumppad:
0x0: {  	(pc) =	sbr.rel $0x88, $3  }
0x1: {  	(tag) =	ssettag $0x0;
	lr =	simm.s32 $0x1  }
0x2: {  	[smem:$0x3F99] =	sst lr;
	_ =	strace $0xD0000000  }
0x3: {  	_ = 	snop  }
0x4: {  	_ = 	snop  }
0x5: {  	_ = 	snop  }
0x6: {  	_ = 	snop  }
0x7: {  	_ = 	snop  }
__scs_overlays_trampoline_lowered:
0x8: {  	[smem:$0x3FA8] =	sst s0  }
0x9: {  	[smem:$0x3FA9] =	sst s1  }
0xa: {  	[smem:$0x3FAA] =	sst s2  }
0xb: {  	[smem:$0x3FAB] =	sst s3  }
0xc: {  	[smem:$0x3FAC] =	sst s4  }
0xd: {  	[smem:$0x3FAD] =	sst s5  }
0xe: {  	[smem:$0x3FAE] =	sst s6  }
0xf: {  	[smem:$0x3FAF] =	sst s7  }
0x10: {  	[smem:$0x3FB0] =	sst s8  }
0x11: {  	[smem:$0x3FB1] =	sst s9;
	s0 =	simm.s32 @!p0 $0x0  }
0x12: {  	s1 =	sld [smem:$0x3F97];
	s0 =	simm.s32 @p0 $0x1  }
0x13: {  	[smem:$0x3FB2] =	sst s0;
	s0 =	simm.s32 @!p1 $0x0  }
0x14: {  	s2 =	sld [smem:$0x3F96];
	s0 =	simm.s32 @p1 $0x1  }
0x15: {  	[smem:$0x3FB3] =	sst s0;
	s0 =	simm.s32 @!p2 $0x0  }
0x16: {  	s3 =	sld [smem:$0x3FDB];
	s0 =	simm.s32 @p2 $0x1  }
0x17: {  	s4 =	simm.s32 $0x1BF5;
	[smem:$0x3FB5] =	sst s0  }
0x18: {  	s0 =	sld [smem:$0x3F98];
	_ =	swait.ge [sflag:s4], $0x0  }
0x19: {  	s7 =	sld [smem:$0x3F99]  }
0x1a: {  	s8 =	sadd.s32 $0xFFFFE003, lr  }
0x1b: {  	s9 =	sadd.s32 $0xFFFFFEF7, lr;
	s5 =	simm.s32 $0xFFFFFFFF;
	p2 =	slt.u32 s8, $0xFFFFF086  }
0x1c: {  	p1 =	slt.u32 s9, $0xF7A;
	s5 =	simm.s32 @!p2 $0x0  }
0x1d: {  	s5 =	simm.s32 @p1 $0x1;
	p0 =	seq.s32 s7, s2  }
0x1e: {  	s7 =	smul.u32 @!p0 $0xF7A, s2;
	p2 =	seq.s32 @!p0 s5, $0x0  }
0x1f: {  	s9 =	smul.u32 $0xF7A, s1;
	s8 =	simm.s32 @!p0 $0x1BF5;
	p2 =	por !p2, p0  }
0x20: {  	[sflag:s8] =	ssyncset.s32 @!p0 $0xFFFFF086;
	s6 =	sadd.s32 @!p0 s3, s7;
	s7 =	simm.s32 @!p0 $0x108  }
0x21: {  	s3 =	sadd.s32 s3, s9;
	s6 =	sadd.s32 @!p0 $0x88, s6;
	s7 =	simm.s32 @p2 $0x1082  }
0x22: {  	[simem:s7], [sflag:s8] =	dma.local @!p0 [hbm:s6], $0xF7A  }
0x23: {  	s9 =	sor.u32 $0xD0000000, s2;
	s6 =	simm.s32 $0x108;
	_ =	swait.ge @!p0 [sflag:s8], $0x0  }
0x24: {  	s3 =	sadd.s32 $0x88, s3;
	s6 =	simm.s32 @!p1 $0x1082;
	[sflag:s4] =	ssyncset.s32 $0xFFFFF086  }
0x25: {  	[simem:s6], [sflag:s4] =	dma.local [hbm:s3], $0xF7A  }
0x26: {  	[smem:$0x3F99] =	sst s1;
	(tag) =	ssettag s2;
	_ =	strace s9  }
0x27: {  	s1 =	sld [smem:$0x3FA9]  }
0x28: {  	s2 =	sld [smem:$0x3FAA]  }
0x29: {  	s4 =	sld [smem:$0x3FAC]  }
0x2a: {  	p0 =	seq.s32 s5, $0x0;
	s5 =	sld [smem:$0x3FAD]  }
0x2b: {  	s6 =	sld [smem:$0x3FAE]  }
0x2c: {  	s7 =	sld [smem:$0x3FAF]  }
0x2d: {  	s3 =	simm.s32 $0x108;
	s8 =	sld [smem:$0x3FB0]  }
0x2e: {  	s3 =	simm.s32 @!p0 $0x1082;
	s9 =	sld [smem:$0x3FB1]  }
0x2f: {  	lr =	sadd.s32 s0, s3;
	s0 =	sld [smem:$0x3FA8]  }
0x30: {  	s3 =	sld [smem:$0x3FAB]  }
0x31: {  	[smem:$0x3FB4] =	sst s10  }
0x32: {  	s10 =	sld [smem:$0x3FB2];
	_ =	sdelay $0x3  }
0x33: {  	p0 =	seq.s32 s10, $0x1;
	s10 =	sld [smem:$0x3FB4];
	_ =	sdelay $0x3  }
0x34: {  	[smem:$0x3FB4] =	sst s10  }
0x35: {  	s10 =	sld [smem:$0x3FB3];
	_ =	sdelay $0x3  }
0x36: {  	p1 =	seq.s32 s10, $0x1;
	s10 =	sld [smem:$0x3FB4];
	_ =	sdelay $0x3  }
0x37: {  	[smem:$0x3FB4] =	sst s10  }
0x38: {  	s10 =	sld [smem:$0x3FB5]  }
0x39: {  	_ = 	snop;
	(pc) =	sbr.ind lr, $3  }
0x3a: {  	_ = 	snop  }
0x3b: {  	_ = 	snop  }
0x3c: {  	p2 =	seq.s32 s10, $0x1;
	s10 =	sld [smem:$0x3FB4]  }
0x3d: {  	_ =	shalt  }
0x3e: {  	_ =	shalt  }
0x3f: {  	_ =	shalt  }
0x40: {  	_ =	shalt  }
0x41: {  	_ =	shalt  }
0x42: {  	_ =	shalt  }
0x43: {  	_ =	shalt  }
0x44: {  	_ =	shalt  }
0x45: {  	_ =	shalt  }
0x46: {  	_ =	shalt  }
0x47: {  	_ =	shalt  }
0x48: {  	_ =	shalt  }
0x49: {  	_ =	shalt  }
0x4a: {  	_ =	shalt  }
0x4b: {  	_ =	shalt  }
0x4c: {  	_ =	shalt  }
0x4d: {  	_ =	shalt  }
0x4e: {  	_ =	shalt  }
0x4f: {  	_ =	shalt  }
0x50: {  	_ =	shalt  }
0x51: {  	_ =	shalt  }
0x52: {  	_ =	shalt  }
0x53: {  	_ =	shalt  }
0x54: {  	_ =	shalt  }
0x55: {  	_ =	shalt  }
0x56: {  	_ =	shalt  }
0x57: {  	_ =	shalt  }
0x58: {  	_ =	shalt  }
0x59: {  	_ =	shalt  }
0x5a: {  	_ =	shalt  }
0x5b: {  	_ =	shalt  }
0x5c: {  	_ =	shalt  }
0x5d: {  	_ =	shalt  }
0x5e: {  	_ =	shalt  }
0x5f: {  	_ =	shalt  }
0x60: {  	_ =	shalt  }
0x61: {  	_ =	shalt  }
0x62: {  	_ =	shalt  }
0x63: {  	_ =	shalt  }
0x64: {  	_ =	shalt  }
0x65: {  	_ =	shalt  }
0x66: {  	_ =	shalt  }
0x67: {  	_ =	shalt  }
0x68: {  	_ =	shalt  }
0x69: {  	_ =	shalt  }
0x6a: {  	_ =	shalt  }
0x6b: {  	_ =	shalt  }
0x6c: {  	_ =	shalt  }
0x6d: {  	_ =	shalt  }
0x6e: {  	_ =	shalt  }
0x6f: {  	_ =	shalt  }
0x70: {  	_ =	shalt  }
0x71: {  	_ =	shalt  }
0x72: {  	_ =	shalt  }
0x73: {  	_ =	shalt  }
0x74: {  	_ =	shalt  }
0x75: {  	_ =	shalt  }
0x76: {  	_ =	shalt  }
0x77: {  	_ =	shalt  }
0x78: {  	_ =	shalt  }
0x79: {  	_ =	shalt  }
0x7a: {  	_ =	shalt  }
0x7b: {  	_ =	shalt  }
0x7c: {  	_ =	shalt  }
0x7d: {  	_ =	shalt  }
0x7e: {  	_ =	shalt  }
0x7f: {  	_ =	shalt  }
0x80: {  	_ =	shalt  }
0x81: {  	_ =	shalt  }
0x82: {  	_ =	shalt  }
0x83: {  	_ =	shalt  }
0x84: {  	_ =	shalt  }
0x85: {  	_ =	shalt  }
0x86: {  	_ =	shalt  }
0x87: {  	_ =	shalt  }
.Lfunc_end0:
.L_simem_size_0:
called_computation_lowered:
.L_overlay_start_0:
0x88: {  	s2 =	sld [smem:$0x3FD9]  }
0x89: {  	s3 =	sld [smem:$0x3FFE];
	_ =	sdelay $0x1  }
0x8a: {  	s1 =	srdreg.scid  }
0x8b: {  	s0 =	sand.u32 $0x1, s1  }
0x8c: {  	s17 =	sshll.u32 s0, $0xA;
	s2 =	sadd.s32 s3, s2  }
0x8d: {  	s2 =	sadd.s32 s2, s17  }
0x8e: {  	[smem:$0x3FC0] =	sst s2  }
0x8f: {  	_ = 	snop  }
0x90: {  	s2 =	sld [smem:$0x3FD0];
	(tm) =	ssettm $0x1  }
0x91: {  	s18 =	sld [smem:$0x3FFB];
	_ =	sdelay $0x3  }
0x92: {  	_ =	strace s18  }
0x93: {  	s3 =	sld [smem:$0x3FFC];
	_ =	sdelay $0x3  }
0x94: {  	_ =	strace s3  }
0x95: {  	s3 =	sld [smem:$0x3FFD];
	_ =	sdelay $0x3  }
0x96: {  	_ =	strace s3  }
0x97: {  	_ =	strace $0x8FFFFFFF  }
0x98: {  	s19 =	sld [smem:$0x3FDB];
	_ =	sdelay $0x1  }
0x99: {  	s4 =	simm.s32 $_scs_section_size  }
0x9a: {  	s5 =	simm.s32 $_size__tile_overlayer_lowered;
	s6 =	simm.s32 $_tile_overlayer_lowered  }
0x9b: {  	s22 =	simm.s32 $0x1BFF;
	s21 =	sshll.u32 s6, $0x1;
	s3 =	sadd.s32 s4, s19  }
0x9c: {  	s7 =	simm.s32 $0x0;
	s20 =	sshll.u32 s5, $0x1;
	s5 =	sadd.s32 s21, s3  }
0x9d: {  	[timem:s7], [sflag:s22] =	dma.local [hbm:s5], s20  }
0x9e: {  	_ =	swait.ge [sflag:s22], s20  }
0x9f: {  	s4 =	ssub.s32 $0x0, s20;
	[sflag:s22] =	ssyncset.done $0x0  }
0xa0: {  	[sflag:s22] =	ssyncadd.s32 s4;
	_ =	sdelay $0x1  }
0xa1: {  	s23 =	simm.s32 $0x1B8B  }
0xa2: {  	_ =	swait.ge [sflag:s23], $0x1  }
0xa3: {  	[sflag:s23] =	ssyncset.done $0x0  }
0xa4: {  	s25 =	simm.s32 $0x1B8E;
	s24 =	sld [smem:$0x3FFE];
	[sflag:s23] =	ssyncadd.s32 $0xFFFFFFFF  }
0xa5: {  	s26 =	simm.s32 $execute0_lowered;
	[smem:$0x3FD2] =	sst s25  }
0xa6: {  	s5 =	sshll.u32 s26, $0x1;
	_ =	strace $0x80000046;
	[dreg:$0x1] =	wrdreg $0xFFFFFFFF  }
0xa7: {  	s28 =	simm.s32 $_size_execute0_lowered;
	s3 =	sadd.s32 s3, s5;
	[dreg:$0x0] =	wrdreg $0x0  }
0xa8: {  	s5 =	sshll.u32 s28, $0x1;
	[dreg:$0x2] =	wrdreg s3  }
0xa9: {  	[dreg:$0x3] =	wrdreg s5  }
0xaa: {  	[dreg:$0x4] =	wrdreg $0xC0  }
0xab: {  	_ =	task [dreg:s7], $0x5FFFF  }
0xac: {  	[dreg:$0x1] =	wrdreg $0xFFFFFFFF  }
0xad: {  	[dreg:$0x0] =	wrdreg $0x60  }
0xae: {  	[dreg:$0x2] =	wrdreg s24  }
0xaf: {  	[dreg:$0x3] =	wrdreg s2  }
0xb0: {  	[dreg:$0x4] =	wrdreg $0x198200  }
0xb1: {  	[dreg:$0x5] =	wrdreg $0x170200  }
0xb2: {  	[dreg:$0x6] =	wrdreg $0x9  }
0xb3: {  	_ =	task.clear_ibuf [dreg:s7], $0x7FFFF;
	_ =	strace $0x90000046  }
0xb4: {  	s29 =	simm.s32 $0x9;
	_ =	strace $0x80000048  }
0xb5: {  	_ =	swait.ge [sflag:s29], $0x1  }
0xb6: {  	[sflag:s29] =	ssyncadd.s32 $0xFFFFFFFF  }
0xb7: {  	_ =	strace $0x90000048  }
0xb8: {  	_ =	sfence  }
0xb9: {  	s30 =	sld [smem:$0x0];
	_ =	sdelay $0x2  }
0xba: {  	s31 =	sshll.u32 s1, $0xD;
	s1 =	sshrl.u32 s1, $0x2  }
0xbb: {  	s3 =	sand.u32 $0x4000, s31;
	s1 =	sadd.s32 s1, s30  }
0xbc: {  	s0 =	sor.u32 s3, s0;
	s1 =	sshll.u32 s1, $0x11  }
0xbd: {  	s0 =	sor.u32 s1, s0  }
0xbe: {  	s0 =	sadd.s32 $0x8F2B, s0  }
0xbf: {  	[sflag:s0] =	ssyncadd.remote.s32 $0x1  }
0xc0: {  	_ =	sfence.sel $0xFFFF  }
0xc1: {  	[dreg:$0x0] =	wrdreg $0xFFFFFFFF;
	(pc) =	sbr.abs _section_cstart, $3  }
0xc2: {  	[dreg:$0x1] =	wrdreg $0xFFFFFFFF  }
0xc3: {  	_ =	task.clear_ibuf [dreg:s7], $0x2FFFF;
	_ =	strace $0x9FFFFFFF  }
0xc4: {  	(tm) =	ssettm $0x7FFFFFFF  }
0xc5: {  	_ =	shalt  }
tec
execute0_lowered:
.L_overlay_start_1:
0x0: {  	(tag) =	ssettag $0x1  }
0x1: {  	s0 =	rddreg [dreg:$0x0]  }
0x2: {  	s2 =	rddreg [dreg:$0x1]  }
0x3: {  	s1 =	rddreg [dreg:$0x2]  }
0x4: {  	s3 =	rddreg [dreg:$0x3];
	s4 =	simm.s32 $0x0  }
0x5: {  	s11 =	stileid.u32;
	s6 =	srdreg.scid;
	s28 =	simm.s32 $0x1770  }
0x6: {  	s29 =	simm.s32 $0x3E80;
	s30 =	simm.s32 $0x1F40;
	s31 =	simm.s32 $0x4650  }
0x7: {  	[smem:$0x7FF] =	sst s4;
	s5 =	smul.u32 $0x2800, s11;
	s6 =	sand.u32 $0x1, s6  }
0x8: {  	s7 =	sshll.u32 s11, $0x1;
	s16 =	sadd.s32 $0x3200, s0;
	s11 =	sshll.u32 s11, $0x6  }
0x9: {  	_ =	strace $0x80000047;
	s9 =	ssub.s32 $0x2, s6;
	s7 =	sor.u32 s6, s7  }
0xa: {  	[dreg:$0x5] =	wrdreg s11;
	s20 =	sor.u32 $0x1C01, s11;
	s6 =	smul.u32 $0x28000, s6  }
0xb: {  	s8 =	sshrl.u32 s5, $0x3;
	s10 =	sshrl.u32 s9, $0x1;
	s7 =	smul.u32 $0x2710, s7  }
0xc: {  	[dreg:$0x7] =	wrdreg s20;
	s18 =	sadd.s32 s5, s3;
	s8 =	sadd.s32 s8, s0  }
0xd: {  	s0 =	sadd.s32 $0xD000, s0;
	s9 =	ssub.s32 s9, s10;
	s10 =	sadd.s32 s5, s1  }
0xe: {  	s6 =	sadd.s32 s5, s6;
	s5 =	simm.s32 $0x0;
	s7 =	sshrl.u32 s7, $0x3  }
0xf: {  	s8 =	sadd.s32 $0x16E00, s8;
	s6 =	sshrl.u32 s6, $0x3;
	s20 =	smax.u32 s9, $0x1  }
0x10: {  	[dreg:$0x6] =	wrdreg s8;
	s21 =	sadd.s32 $0xFA, s7;
	s22 =	sadd.s32 s16, s7  }
0x11: {  	s23 =	sadd.s32 s0, s7;
	s25 =	sadd.s32 $0x1F4, s7;
	s26 =	sadd.s32 $0x2EE, s7  }
0x12: {  	s7 =	sadd.s32 $0x3E8, s7;
	s19 =	sadd.s32 s2, s6;
	s2 =	simm.s32 $0x3  }
0x13: {  	s6 =	simm.s32 $0x4E20;
	s8 =	simm.s32 $0x2;
	[dreg:$0x8] =	wrdreg s22  }
0x14: {  	[dreg:$0x9] =	wrdreg s23;
	s24 =	sadd.s32 s16, s21;
	s11 =	sadd.s32 s0, s21  }
0x15: {  	s12 =	sadd.s32 s16, s25;
	s13 =	sadd.s32 s0, s25;
	s14 =	sadd.s32 s16, s26  }
0x16: {  	s15 =	sadd.s32 s0, s26;
	s16 =	sadd.s32 s16, s7;
	s17 =	sadd.s32 s0, s7  }
0x17: {  	s21 =	sshrl.u32 s10, $0x3;
	s22 =	simm.s32 $0x2710;
	s23 =	simm.s32 $0x7D0  }
0x18: {  	s25 =	simm.s32 $0xFA0;
	s26 =	simm.s32 $0x36B0;
	s0 =	simm.s32 $0x1  }
0x19: {  	v0 =	vimm.f32 $0.0e+00;
	s7 =	simm.s32 $0xCB20;
	[dreg:$0xa] =	wrdreg s24;
	s24 =	simm.s32 $0x2EE0  }
.LBB2_1:
0x1a: {  	s9 =	rddreg [dreg:$0x6]  }
0x1b: {  	s10 =	rddreg [dreg:$0x7]  }
0x1c: {  	[spmem:s21], [sflag:s10] =	dma.local [hbm:s9], $0x500  }
0x1d: {  	s9 =	rddreg [dreg:$0x8]  }
0x1e: {  	[tilespmem:s4], [sflag:$0x1] =	stream.linear.gather [hbm4b:s9+s4], $0x7D0, $0x38;
	[tilespmem:$0x1C020] =	vst v63  }
0x1f: {  	s10 =	rddreg [dreg:$0x9]  }
0x20: {  	[tilespmem:s22], [sflag:$0x1] =	stream.linear.gather [hbm4b:s10+s4], $0x7D0, $0x38;
	[tilespmem:$0x1C020] =	vst v63  }
0x21: {  	s10 =	rddreg [dreg:$0xa]  }
0x22: {  	[tilespmem:s23], [sflag:$0x1] =	stream.linear.gather [hbm4b:s10+s4], $0x7D0, $0x38;
	[tilespmem:$0x1C020] =	vst v63  }
0x23: {  	_ = 	snop  }
0x24: {  	[tilespmem:s24], [sflag:$0x1] =	stream.linear.gather [hbm4b:s11+s4], $0x7D0, $0x38;
	[tilespmem:$0x1C020] =	vst v63  }
0x25: {  	_ = 	snop  }
0x26: {  	[tilespmem:s25], [sflag:$0x1] =	stream.linear.gather [hbm4b:s12+s4], $0x7D0, $0x38;
	[tilespmem:$0x1C020] =	vst v63  }
0x27: {  	_ = 	snop  }
0x28: {  	[tilespmem:s26], [sflag:$0x1] =	stream.linear.gather [hbm4b:s13+s4], $0x7D0, $0x38;
	[tilespmem:$0x1C020] =	vst v63  }
0x29: {  	_ = 	snop  }
0x2a: {  	[tilespmem:s28], [sflag:$0x1] =	stream.linear.gather [hbm4b:s14+s4], $0x7D0, $0x38;
	[tilespmem:$0x1C020] =	vst v63  }
0x2b: {  	_ = 	snop  }
0x2c: {  	[tilespmem:s29], [sflag:$0x1] =	stream.linear.gather [hbm4b:s15+s4], $0x7D0, $0x38;
	[tilespmem:$0x1C020] =	vst v63  }
0x2d: {  	_ = 	snop  }
0x2e: {  	[tilespmem:s30], [sflag:$0x1] =	stream.linear.gather [hbm4b:s16+s4], $0x7D0, $0x38;
	[tilespmem:$0x1C020] =	vst v63  }
0x2f: {  	s9 =	simm.s32 $0x40;
	s10 =	simm.s32 $0x0  }
0x30: {  	[tilespmem:s31], [sflag:$0x1] =	stream.linear.gather [hbm4b:s17+s4], $0x7D0, $0x38;
	[tilespmem:$0x1C020] =	vst v63  }
.LBB2_2:
0x31: {  	p0 =	sne.s32 s9, $0x9FC0;
	[tilespmem:s10+$0x14820] =	vst v0;
	s10 =	smov.u32 s9;
	s9 =	sadd.s32 $0x40, s9  }
.Ltmp0:
0x32: {  	(pc) =	sbr.rel @p0 .LBB2_2-.Ltmp0, $2  }
0x33: {  	_ =	sdelay $0x2  }
0x34: {  	s10 =	sshra.s32 s10, $0x2  }
0x35: {  	[tilespmem:s10+$0x14820] =	vst v0;
	s9 =	simm.s32 $0x14820  }
0x36: {  	[spmem:s18] =	stream.linear.scatter [tilespmem:s9], [sflag:$0x3], $0x2800, $0x38;
	[tilespmem:$0x1C020] =	vst v63  }
0x37: {  	_ =	swait.ge [sflag:s2], $0x2800  }
0x38: {  	[sflag:s2] =	ssyncset.done $0x0  }
0x39: {  	[sflag:s2] =	ssyncadd.s32 $0xFFFFD800  }
0x3a: {  	_ =	swait.ge [sflag:s0], $0x500  }
0x3b: {  	[sflag:s0] =	ssyncset.done $0x0  }
0x3c: {  	[sflag:s0] =	ssyncadd.s32 $0xFFFFFB00  }
0x3d: {  	_ =	swait.ge [sflag:s0], $0x7D0  }
0x3e: {  	[sflag:s0] =	ssyncset.done $0x0  }
0x3f: {  	[sflag:s0] =	ssyncadd.s32 $0xFFFFF830  }
0x40: {  	_ =	swait.ge [sflag:s0], $0x7D0  }
0x41: {  	[sflag:s0] =	ssyncset.done $0x0  }
0x42: {  	[sflag:s0] =	ssyncadd.s32 $0xFFFFF830  }
0x43: {  	_ =	swait.ge [sflag:s0], $0x7D0  }
0x44: {  	[sflag:s0] =	ssyncset.done $0x0  }
0x45: {  	[sflag:s0] =	ssyncadd.s32 $0xFFFFF830  }
0x46: {  	_ =	swait.ge [sflag:s0], $0x7D0  }
0x47: {  	[sflag:s0] =	ssyncset.done $0x0  }
0x48: {  	[sflag:s0] =	ssyncadd.s32 $0xFFFFF830  }
0x49: {  	_ =	swait.ge [sflag:s0], $0x7D0  }
0x4a: {  	[sflag:s0] =	ssyncset.done $0x0  }
0x4b: {  	[sflag:s0] =	ssyncadd.s32 $0xFFFFF830  }
0x4c: {  	_ =	swait.ge [sflag:s0], $0x7D0  }
0x4d: {  	[sflag:s0] =	ssyncset.done $0x0  }
0x4e: {  	[sflag:s0] =	ssyncadd.s32 $0xFFFFF830  }
0x4f: {  	_ =	swait.ge [sflag:s0], $0x7D0  }
0x50: {  	[sflag:s0] =	ssyncset.done $0x0  }
0x51: {  	[sflag:s0] =	ssyncadd.s32 $0xFFFFF830  }
0x52: {  	_ =	swait.ge [sflag:s0], $0x7D0  }
0x53: {  	[sflag:s0] =	ssyncset.done $0x0  }
0x54: {  	[sflag:s0] =	ssyncadd.s32 $0xFFFFF830  }
0x55: {  	_ =	swait.ge [sflag:s0], $0x7D0  }
0x56: {  	[sflag:s0] =	ssyncset.done $0x0  }
0x57: {  	[sflag:s0] =	ssyncadd.s32 $0xFFFFF830  }
0x58: {  	_ =	swait.ge [sflag:s0], $0x7D0  }
0x59: {  	[sflag:s0] =	ssyncset.done $0x0  }
0x5a: {  	[sflag:s0] =	ssyncadd.s32 $0xFFFFF830  }
0x5b: {  	[bflag:$0x0] =	sbarrier.arrive $0xFFFF  }
0x5c: {  	[tilespmem:s6], [sflag:$0x1] =	stream.indirect.gather [spmem:s1], $0x10, s4, s23, $0xb8;
	[tilespmem:$0x1C020] =	vst v63  }
0x5d: {  	_ =	swait.ge [sflag:s0], $0x7D00  }
0x5e: {  	[sflag:s0] =	ssyncset.done $0x0  }
0x5f: {  	[sflag:s0] =	ssyncadd.s32 $0xFFFF8300  }
0x60: {  	[tilespmem:s7], [sflag:$0x1] =	stream.indirect.gather [spmem:s1], $0x10, s23, s23, $0xb8;
	[tilespmem:$0x1C020] =	vst v63  }
0x61: {  	_ = 	snop  }
0x62: {  	[spmem:s3] =	stream.indirect.scatter.add.f32 [tilespmem:s6], [sflag:$0x2], $0x10, s22, s23, $0xb8;
	[tilespmem:$0x1C020] =	vst v63  }
0x63: {  	_ =	swait.ge [sflag:s8], $0x7D00  }
0x64: {  	[sflag:s8] =	ssyncset.done $0x0  }
0x65: {  	[sflag:s8] =	ssyncadd.s32 $0xFFFF8300  }
0x66: {  	_ =	swait.ge [sflag:s0], $0x7D00  }
0x67: {  	[sflag:s0] =	ssyncset.done $0x0  }
0x68: {  	[sflag:s0] =	ssyncadd.s32 $0xFFFF8300  }
0x69: {  	[tilespmem:s6], [sflag:$0x1] =	stream.indirect.gather [spmem:s1], $0x10, s25, s23, $0xb8;
	[tilespmem:$0x1C020] =	vst v63  }
0x6a: {  	_ = 	snop  }
0x6b: {  	[spmem:s3] =	stream.indirect.scatter.add.f32 [tilespmem:s7], [sflag:$0x2], $0x10, s24, s23, $0xb8;
	[tilespmem:$0x1C020] =	vst v63  }
0x6c: {  	_ =	swait.ge [sflag:s8], $0x7D00  }
0x6d: {  	[sflag:s8] =	ssyncset.done $0x0  }
0x6e: {  	[sflag:s8] =	ssyncadd.s32 $0xFFFF8300  }
0x6f: {  	_ =	swait.ge [sflag:s0], $0x7D00  }
0x70: {  	[sflag:s0] =	ssyncset.done $0x0  }
0x71: {  	[sflag:s0] =	ssyncadd.s32 $0xFFFF8300  }
0x72: {  	[tilespmem:s7], [sflag:$0x1] =	stream.indirect.gather [spmem:s1], $0x10, s28, s23, $0xb8;
	[tilespmem:$0x1C020] =	vst v63  }
0x73: {  	_ = 	snop  }
0x74: {  	[spmem:s3] =	stream.indirect.scatter.add.f32 [tilespmem:s6], [sflag:$0x2], $0x10, s26, s23, $0xb8;
	[tilespmem:$0x1C020] =	vst v63  }
0x75: {  	_ =	swait.ge [sflag:s8], $0x7D00  }
0x76: {  	[sflag:s8] =	ssyncset.done $0x0  }
0x77: {  	[sflag:s8] =	ssyncadd.s32 $0xFFFF8300  }
0x78: {  	_ =	swait.ge [sflag:s0], $0x7D00  }
0x79: {  	[sflag:s0] =	ssyncset.done $0x0  }
0x7a: {  	[sflag:s0] =	ssyncadd.s32 $0xFFFF8300  }
0x7b: {  	[tilespmem:s6], [sflag:$0x1] =	stream.indirect.gather [spmem:s1], $0x10, s30, s23, $0xb8;
	[tilespmem:$0x1C020] =	vst v63  }
0x7c: {  	_ = 	snop  }
0x7d: {  	[spmem:s3] =	stream.indirect.scatter.add.f32 [tilespmem:s7], [sflag:$0x2], $0x10, s29, s23, $0xb8;
	[tilespmem:$0x1C020] =	vst v63  }
0x7e: {  	_ =	swait.ge [sflag:s8], $0x7D00  }
0x7f: {  	[sflag:s8] =	ssyncset.done $0x0  }
0x80: {  	[sflag:s8] =	ssyncadd.s32 $0xFFFF8300  }
0x81: {  	_ =	swait.ge [sflag:s0], $0x7D00  }
0x82: {  	[sflag:s0] =	ssyncset.done $0x0  }
0x83: {  	[sflag:s0] =	ssyncadd.s32 $0xFFFF8300  }
0x84: {  	[spmem:s3] =	stream.indirect.scatter.add.f32 [tilespmem:s6], [sflag:$0x2], $0x10, s31, s23, $0xb8;
	[tilespmem:$0x1C020] =	vst v63  }
0x85: {  	_ =	swait.ge [sflag:s8], $0x7D00  }
0x86: {  	[sflag:s8] =	ssyncset.done $0x0  }
0x87: {  	[sflag:s8] =	ssyncadd.s32 $0xFFFF8300  }
0x88: {  	s5 =	sadd.s32 $0x1, s5;
	[bflag:$0x0] =	sbarrier.arrive $0xFFFF  }
0x89: {  	p0 =	sne.s32 s5, s20;
	s10 =	rddreg [dreg:$0x5]  }
.Ltmp1:
0x8a: {  	s9 =	sor.u32 $0x1C03, s10;
	s10 =	sshrl.u32 s18, $0x3;
	(pc) =	sbr.rel @p0 .LBB2_1-.Ltmp1, $4  }
0x8b: {  	[hbm:s19], [sflag:s9] =	dma.local [spmem:s10], $0x500  }
0x8c: {  	_ =	swait.ge [sflag:s2], $0x500  }
0x8d: {  	[sflag:s2] =	ssyncset.done $0x0  }
0x8e: {  	[sflag:s2] =	ssyncadd.s32 $0xFFFFFB00  }
0x8f: {  	_ =	sfence.sel $0x180000  }
0x90: {  	[bflag:$0x0] =	sbarrier.arrive $0xFFFF  }
0x91: {  	_ =	strace $0x90000047  }
0x92: {  	s0 =	stileid.u32;
	[bflag:$0x2] =	sbarrier.arrive $0xFFFF  }
0x93: {  	p0 =	sne.s32 s0, $0x0;
	s0 =	rddreg [dreg:$0x4]  }
0x94: {  	s0 =	sadd.s32 @!p0 $0x100000, s0  }
0x95: {  	[sflag:s0] =	ssyncadd.tile.s32 @!p0 $0x1;
	_ =	shalt  }
.Lfunc_end2:
_tile_overlayer_lowered:
.L_overlay_start_2:
0x96: {  	(tag) =	ssettag $0x2  }
0x97: {  	s0 =	rddreg [dreg:$0x0];
	s2 =	stileid.u32  }
0x98: {  	s1 =	rddreg [dreg:$0x1];
	p0 =	sne.s32 s2, $0x0  }
0x99: {  	s3 =	rddreg [dreg:$0x2];
	[bflag:$0x3] =	sbarrier.arrive $0xFFFF;
	s2 =	simm.s32 @!p0 $0x1C03  }
0x9a: {  	[timem:s3], [sflag:s2] =	dma.local @!p0 [hbm:s0], s1  }
0x9b: {  	s0 =	simm.s32 @!p0 $0x3  }
0x9c: {  	_ =	swait.ge @!p0 [sflag:s0], s1  }
0x9d: {  	s1 =	ssub.s32 @!p0 $0x0, s1;
	[sflag:s0] =	ssyncset.done @!p0 $0x0  }
0x9e: {  	[sflag:s0] =	ssyncadd.s32 @!p0 s1  }
0x9f: {  	[bflag:$0x3] =	sbarrier.arrive $0xFFFF  }
0xa0: {  	_ =	shalt  }

// kernel: kernel.13.cloned.1.call-start
scs
__scs_entry_jumppad:
0x0: {  	(pc) =	sbr.rel $0x88, $3  }
0x1: {  	(tag) =	ssettag $0x0;
	lr =	simm.s32 $0x1  }
0x2: {  	[smem:$0x3F99] =	sst lr;
	_ =	strace $0xD0000000  }
0x3: {  	_ = 	snop  }
0x4: {  	_ = 	snop  }
0x5: {  	_ = 	snop  }
0x6: {  	_ = 	snop  }
0x7: {  	_ = 	snop  }
__scs_overlays_trampoline_lowered:
0x8: {  	[smem:$0x3FA8] =	sst s0  }
0x9: {  	[smem:$0x3FA9] =	sst s1  }
0xa: {  	[smem:$0x3FAA] =	sst s2  }
0xb: {  	[smem:$0x3FAB] =	sst s3  }
0xc: {  	[smem:$0x3FAC] =	sst s4  }
0xd: {  	[smem:$0x3FAD] =	sst s5  }
0xe: {  	[smem:$0x3FAE] =	sst s6  }
0xf: {  	[smem:$0x3FAF] =	sst s7  }
0x10: {  	[smem:$0x3FB0] =	sst s8  }
0x11: {  	[smem:$0x3FB1] =	sst s9;
	s0 =	simm.s32 @!p0 $0x0  }
0x12: {  	s1 =	sld [smem:$0x3F97];
	s0 =	simm.s32 @p0 $0x1  }
0x13: {  	[smem:$0x3FB2] =	sst s0;
	s0 =	simm.s32 @!p1 $0x0  }
0x14: {  	s2 =	sld [smem:$0x3F96];
	s0 =	simm.s32 @p1 $0x1  }
0x15: {  	[smem:$0x3FB3] =	sst s0;
	s0 =	simm.s32 @!p2 $0x0  }
0x16: {  	s3 =	sld [smem:$0x3FDB];
	s0 =	simm.s32 @p2 $0x1  }
0x17: {  	s4 =	simm.s32 $0x1BF5;
	[smem:$0x3FB5] =	sst s0  }
0x18: {  	s0 =	sld [smem:$0x3F98];
	_ =	swait.ge [sflag:s4], $0x0  }
0x19: {  	s7 =	sld [smem:$0x3F99]  }
0x1a: {  	s8 =	sadd.s32 $0xFFFFE003, lr  }
0x1b: {  	s9 =	sadd.s32 $0xFFFFFEF7, lr;
	s5 =	simm.s32 $0xFFFFFFFF;
	p2 =	slt.u32 s8, $0xFFFFF086  }
0x1c: {  	p1 =	slt.u32 s9, $0xF7A;
	s5 =	simm.s32 @!p2 $0x0  }
0x1d: {  	s5 =	simm.s32 @p1 $0x1;
	p0 =	seq.s32 s7, s2  }
0x1e: {  	s7 =	smul.u32 @!p0 $0xF7A, s2;
	p2 =	seq.s32 @!p0 s5, $0x0  }
0x1f: {  	s9 =	smul.u32 $0xF7A, s1;
	s8 =	simm.s32 @!p0 $0x1BF5;
	p2 =	por !p2, p0  }
0x20: {  	[sflag:s8] =	ssyncset.s32 @!p0 $0xFFFFF086;
	s6 =	sadd.s32 @!p0 s3, s7;
	s7 =	simm.s32 @!p0 $0x108  }
0x21: {  	s3 =	sadd.s32 s3, s9;
	s6 =	sadd.s32 @!p0 $0x88, s6;
	s7 =	simm.s32 @p2 $0x1082  }
0x22: {  	[simem:s7], [sflag:s8] =	dma.local @!p0 [hbm:s6], $0xF7A  }
0x23: {  	s9 =	sor.u32 $0xD0000000, s2;
	s6 =	simm.s32 $0x108;
	_ =	swait.ge @!p0 [sflag:s8], $0x0  }
0x24: {  	s3 =	sadd.s32 $0x88, s3;
	s6 =	simm.s32 @!p1 $0x1082;
	[sflag:s4] =	ssyncset.s32 $0xFFFFF086  }
0x25: {  	[simem:s6], [sflag:s4] =	dma.local [hbm:s3], $0xF7A  }
0x26: {  	[smem:$0x3F99] =	sst s1;
	(tag) =	ssettag s2;
	_ =	strace s9  }
0x27: {  	s1 =	sld [smem:$0x3FA9]  }
0x28: {  	s2 =	sld [smem:$0x3FAA]  }
0x29: {  	s4 =	sld [smem:$0x3FAC]  }
0x2a: {  	p0 =	seq.s32 s5, $0x0;
	s5 =	sld [smem:$0x3FAD]  }
0x2b: {  	s6 =	sld [smem:$0x3FAE]  }
0x2c: {  	s7 =	sld [smem:$0x3FAF]  }
0x2d: {  	s3 =	simm.s32 $0x108;
	s8 =	sld [smem:$0x3FB0]  }
0x2e: {  	s3 =	simm.s32 @!p0 $0x1082;
	s9 =	sld [smem:$0x3FB1]  }
0x2f: {  	lr =	sadd.s32 s0, s3;
	s0 =	sld [smem:$0x3FA8]  }
0x30: {  	s3 =	sld [smem:$0x3FAB]  }
0x31: {  	[smem:$0x3FB4] =	sst s10  }
0x32: {  	s10 =	sld [smem:$0x3FB2];
	_ =	sdelay $0x3  }
0x33: {  	p0 =	seq.s32 s10, $0x1;
	s10 =	sld [smem:$0x3FB4];
	_ =	sdelay $0x3  }
0x34: {  	[smem:$0x3FB4] =	sst s10  }
0x35: {  	s10 =	sld [smem:$0x3FB3];
	_ =	sdelay $0x3  }
0x36: {  	p1 =	seq.s32 s10, $0x1;
	s10 =	sld [smem:$0x3FB4];
	_ =	sdelay $0x3  }
0x37: {  	[smem:$0x3FB4] =	sst s10  }
0x38: {  	s10 =	sld [smem:$0x3FB5]  }
0x39: {  	_ = 	snop;
	(pc) =	sbr.ind lr, $3  }
0x3a: {  	_ = 	snop  }
0x3b: {  	_ = 	snop  }
0x3c: {  	p2 =	seq.s32 s10, $0x1;
	s10 =	sld [smem:$0x3FB4]  }
0x3d: {  	_ =	shalt  }
0x3e: {  	_ =	shalt  }
0x3f: {  	_ =	shalt  }
0x40: {  	_ =	shalt  }
0x41: {  	_ =	shalt  }
0x42: {  	_ =	shalt  }
0x43: {  	_ =	shalt  }
0x44: {  	_ =	shalt  }
0x45: {  	_ =	shalt  }
0x46: {  	_ =	shalt  }
0x47: {  	_ =	shalt  }
0x48: {  	_ =	shalt  }
0x49: {  	_ =	shalt  }
0x4a: {  	_ =	shalt  }
0x4b: {  	_ =	shalt  }
0x4c: {  	_ =	shalt  }
0x4d: {  	_ =	shalt  }
0x4e: {  	_ =	shalt  }
0x4f: {  	_ =	shalt  }
0x50: {  	_ =	shalt  }
0x51: {  	_ =	shalt  }
0x52: {  	_ =	shalt  }
0x53: {  	_ =	shalt  }
0x54: {  	_ =	shalt  }
0x55: {  	_ =	shalt  }
0x56: {  	_ =	shalt  }
0x57: {  	_ =	shalt  }
0x58: {  	_ =	shalt  }
0x59: {  	_ =	shalt  }
0x5a: {  	_ =	shalt  }
0x5b: {  	_ =	shalt  }
0x5c: {  	_ =	shalt  }
0x5d: {  	_ =	shalt  }
0x5e: {  	_ =	shalt  }
0x5f: {  	_ =	shalt  }
0x60: {  	_ =	shalt  }
0x61: {  	_ =	shalt  }
0x62: {  	_ =	shalt  }
0x63: {  	_ =	shalt  }
0x64: {  	_ =	shalt  }
0x65: {  	_ =	shalt  }
0x66: {  	_ =	shalt  }
0x67: {  	_ =	shalt  }
0x68: {  	_ =	shalt  }
0x69: {  	_ =	shalt  }
0x6a: {  	_ =	shalt  }
0x6b: {  	_ =	shalt  }
0x6c: {  	_ =	shalt  }
0x6d: {  	_ =	shalt  }
0x6e: {  	_ =	shalt  }
0x6f: {  	_ =	shalt  }
0x70: {  	_ =	shalt  }
0x71: {  	_ =	shalt  }
0x72: {  	_ =	shalt  }
0x73: {  	_ =	shalt  }
0x74: {  	_ =	shalt  }
0x75: {  	_ =	shalt  }
0x76: {  	_ =	shalt  }
0x77: {  	_ =	shalt  }
0x78: {  	_ =	shalt  }
0x79: {  	_ =	shalt  }
0x7a: {  	_ =	shalt  }
0x7b: {  	_ =	shalt  }
0x7c: {  	_ =	shalt  }
0x7d: {  	_ =	shalt  }
0x7e: {  	_ =	shalt  }
0x7f: {  	_ =	shalt  }
0x80: {  	_ =	shalt  }
0x81: {  	_ =	shalt  }
0x82: {  	_ =	shalt  }
0x83: {  	_ =	shalt  }
0x84: {  	_ =	shalt  }
0x85: {  	_ =	shalt  }
0x86: {  	_ =	shalt  }
0x87: {  	_ =	shalt  }
.Lfunc_end0:
.L_simem_size_0:
called_computation.1_lowered:
.L_overlay_start_0:
0x88: {  	s2 =	sld [smem:$0x3FD9]  }
0x89: {  	s3 =	sld [smem:$0x3FFE];
	_ =	sdelay $0x1  }
0x8a: {  	s1 =	srdreg.scid  }
0x8b: {  	s0 =	sand.u32 $0x1, s1  }
0x8c: {  	s17 =	sshll.u32 s0, $0xA;
	s2 =	sadd.s32 s3, s2  }
0x8d: {  	s2 =	sadd.s32 s2, s17  }
0x8e: {  	[smem:$0x3FC0] =	sst s2  }
0x8f: {  	_ = 	snop  }
0x90: {  	s2 =	sld [smem:$0x3FD0];
	(tm) =	ssettm $0x1  }
0x91: {  	s18 =	sld [smem:$0x3FFB];
	_ =	sdelay $0x3  }
0x92: {  	_ =	strace s18  }
0x93: {  	s3 =	sld [smem:$0x3FFC];
	_ =	sdelay $0x3  }
0x94: {  	_ =	strace s3  }
0x95: {  	s3 =	sld [smem:$0x3FFD];
	_ =	sdelay $0x3  }
0x96: {  	_ =	strace s3  }
0x97: {  	_ =	strace $0x8FFFFFFF  }
0x98: {  	s19 =	sld [smem:$0x3FDB];
	_ =	sdelay $0x1  }
0x99: {  	s4 =	simm.s32 $_scs_section_size  }
0x9a: {  	s5 =	simm.s32 $_size__tile_overlayer_lowered;
	s6 =	simm.s32 $_tile_overlayer_lowered  }
0x9b: {  	s22 =	simm.s32 $0x1BFF;
	s21 =	sshll.u32 s6, $0x1;
	s3 =	sadd.s32 s4, s19  }
0x9c: {  	s7 =	simm.s32 $0x0;
	s20 =	sshll.u32 s5, $0x1;
	s5 =	sadd.s32 s21, s3  }
0x9d: {  	[timem:s7], [sflag:s22] =	dma.local [hbm:s5], s20  }
0x9e: {  	_ =	swait.ge [sflag:s22], s20  }
0x9f: {  	s4 =	ssub.s32 $0x0, s20;
	[sflag:s22] =	ssyncset.done $0x0  }
0xa0: {  	[sflag:s22] =	ssyncadd.s32 s4;
	_ =	sdelay $0x1  }
0xa1: {  	s23 =	simm.s32 $0x1B8B  }
0xa2: {  	_ =	swait.ge [sflag:s23], $0x1  }
0xa3: {  	[sflag:s23] =	ssyncset.done $0x0  }
0xa4: {  	s25 =	simm.s32 $0x1B8E;
	s24 =	sld [smem:$0x3FFE];
	[sflag:s23] =	ssyncadd.s32 $0xFFFFFFFF  }
0xa5: {  	s26 =	simm.s32 $execute0_lowered;
	[smem:$0x3FD2] =	sst s25  }
0xa6: {  	s5 =	sshll.u32 s26, $0x1;
	_ =	strace $0x80000049;
	[dreg:$0x1] =	wrdreg $0xFFFFFFFF  }
0xa7: {  	s28 =	simm.s32 $_size_execute0_lowered;
	s3 =	sadd.s32 s3, s5;
	[dreg:$0x0] =	wrdreg $0x0  }
0xa8: {  	s5 =	sshll.u32 s28, $0x1;
	[dreg:$0x2] =	wrdreg s3  }
0xa9: {  	[dreg:$0x3] =	wrdreg s5  }
0xaa: {  	[dreg:$0x4] =	wrdreg $0xC0  }
0xab: {  	_ =	task [dreg:s7], $0x5FFFF  }
0xac: {  	[dreg:$0x1] =	wrdreg $0xFFFFFFFF  }
0xad: {  	[dreg:$0x0] =	wrdreg $0x60  }
0xae: {  	[dreg:$0x2] =	wrdreg s24  }
0xaf: {  	[dreg:$0x3] =	wrdreg s2  }
0xb0: {  	[dreg:$0x4] =	wrdreg $0x198200  }
0xb1: {  	[dreg:$0x5] =	wrdreg $0x170200  }
0xb2: {  	[dreg:$0x6] =	wrdreg $0x9  }
0xb3: {  	_ =	task.clear_ibuf [dreg:s7], $0x7FFFF;
	_ =	strace $0x90000049  }
0xb4: {  	s29 =	simm.s32 $0x9;
	_ =	strace $0x8000004B  }
0xb5: {  	_ =	swait.ge [sflag:s29], $0x1  }
0xb6: {  	[sflag:s29] =	ssyncadd.s32 $0xFFFFFFFF  }
0xb7: {  	_ =	strace $0x9000004B  }
0xb8: {  	_ =	sfence  }
0xb9: {  	s30 =	sld [smem:$0x0];
	_ =	sdelay $0x2  }
0xba: {  	s31 =	sshll.u32 s1, $0xD;
	s1 =	sshrl.u32 s1, $0x2  }
0xbb: {  	s3 =	sand.u32 $0x4000, s31;
	s1 =	sadd.s32 s1, s30  }
0xbc: {  	s0 =	sor.u32 s3, s0;
	s1 =	sshll.u32 s1, $0x11  }
0xbd: {  	s0 =	sor.u32 s1, s0  }
0xbe: {  	s0 =	sadd.s32 $0x8F2B, s0  }
0xbf: {  	[sflag:s0] =	ssyncadd.remote.s32 $0x1  }
0xc0: {  	_ =	sfence.sel $0xFFFF  }
0xc1: {  	[dreg:$0x0] =	wrdreg $0xFFFFFFFF;
	(pc) =	sbr.abs _section_cstart, $3  }
0xc2: {  	[dreg:$0x1] =	wrdreg $0xFFFFFFFF  }
0xc3: {  	_ =	task.clear_ibuf [dreg:s7], $0x2FFFF;
	_ =	strace $0x9FFFFFFF  }
0xc4: {  	(tm) =	ssettm $0x7FFFFFFF  }
0xc5: {  	_ =	shalt  }
tec
execute0_lowered:
.L_overlay_start_1:
0x0: {  	(tag) =	ssettag $0x1  }
0x1: {  	s0 =	rddreg [dreg:$0x0]  }
0x2: {  	s2 =	rddreg [dreg:$0x1]  }
0x3: {  	s1 =	rddreg [dreg:$0x2]  }
0x4: {  	s3 =	rddreg [dreg:$0x3];
	s4 =	simm.s32 $0x0  }
0x5: {  	s11 =	stileid.u32;
	s6 =	srdreg.scid;
	s28 =	simm.s32 $0x1770  }
0x6: {  	s29 =	simm.s32 $0x3E80;
	s30 =	simm.s32 $0x1F40;
	s31 =	simm.s32 $0x4650  }
0x7: {  	[smem:$0x7FF] =	sst s4;
	s5 =	smul.u32 $0x2800, s11;
	s6 =	sand.u32 $0x1, s6  }
0x8: {  	s7 =	sshll.u32 s11, $0x1;
	s16 =	sadd.s32 $0x3200, s0;
	s11 =	sshll.u32 s11, $0x6  }
0x9: {  	_ =	strace $0x8000004A;
	s9 =	ssub.s32 $0x2, s6;
	s7 =	sor.u32 s6, s7  }
0xa: {  	[dreg:$0x5] =	wrdreg s11;
	s20 =	sor.u32 $0x1C01, s11;
	s6 =	smul.u32 $0x28000, s6  }
0xb: {  	s8 =	sshrl.u32 s5, $0x3;
	s10 =	sshrl.u32 s9, $0x1;
	s7 =	smul.u32 $0x2710, s7  }
0xc: {  	[dreg:$0x7] =	wrdreg s20;
	s18 =	sadd.s32 s5, s3;
	s8 =	sadd.s32 s8, s0  }
0xd: {  	s0 =	sadd.s32 $0xD000, s0;
	s9 =	ssub.s32 s9, s10;
	s10 =	sadd.s32 s5, s1  }
0xe: {  	s6 =	sadd.s32 s5, s6;
	s5 =	simm.s32 $0x0;
	s7 =	sshrl.u32 s7, $0x3  }
0xf: {  	s8 =	sadd.s32 $0x16E00, s8;
	s6 =	sshrl.u32 s6, $0x3;
	s20 =	smax.u32 s9, $0x1  }
0x10: {  	[dreg:$0x6] =	wrdreg s8;
	s21 =	sadd.s32 $0xFA, s7;
	s22 =	sadd.s32 s16, s7  }
0x11: {  	s23 =	sadd.s32 s0, s7;
	s25 =	sadd.s32 $0x1F4, s7;
	s26 =	sadd.s32 $0x2EE, s7  }
0x12: {  	s7 =	sadd.s32 $0x3E8, s7;
	s19 =	sadd.s32 s2, s6;
	s2 =	simm.s32 $0x3  }
0x13: {  	s6 =	simm.s32 $0x4E20;
	s8 =	simm.s32 $0x2;
	[dreg:$0x8] =	wrdreg s22  }
0x14: {  	[dreg:$0x9] =	wrdreg s23;
	s24 =	sadd.s32 s16, s21;
	s11 =	sadd.s32 s0, s21  }
0x15: {  	s12 =	sadd.s32 s16, s25;
	s13 =	sadd.s32 s0, s25;
	s14 =	sadd.s32 s16, s26  }
0x16: {  	s15 =	sadd.s32 s0, s26;
	s16 =	sadd.s32 s16, s7;
	s17 =	sadd.s32 s0, s7  }
0x17: {  	s21 =	sshrl.u32 s10, $0x3;
	s22 =	simm.s32 $0x2710;
	s23 =	simm.s32 $0x7D0  }
0x18: {  	s25 =	simm.s32 $0xFA0;
	s26 =	simm.s32 $0x36B0;
	s0 =	simm.s32 $0x1  }
0x19: {  	v0 =	vimm.f32 $0.0e+00;
	s7 =	simm.s32 $0xCB20;
	[dreg:$0xa] =	wrdreg s24;
	s24 =	simm.s32 $0x2EE0  }
.LBB2_1:
0x1a: {  	s9 =	rddreg [dreg:$0x6]  }
0x1b: {  	s10 =	rddreg [dreg:$0x7]  }
0x1c: {  	[spmem:s21], [sflag:s10] =	dma.local [hbm:s9], $0x500  }
0x1d: {  	s9 =	rddreg [dreg:$0x8]  }
0x1e: {  	[tilespmem:s4], [sflag:$0x1] =	stream.linear.gather [hbm4b:s9+s4], $0x7D0, $0x38;
	[tilespmem:$0x1C020] =	vst v63  }
0x1f: {  	s10 =	rddreg [dreg:$0x9]  }
0x20: {  	[tilespmem:s22], [sflag:$0x1] =	stream.linear.gather [hbm4b:s10+s4], $0x7D0, $0x38;
	[tilespmem:$0x1C020] =	vst v63  }
0x21: {  	s10 =	rddreg [dreg:$0xa]  }
0x22: {  	[tilespmem:s23], [sflag:$0x1] =	stream.linear.gather [hbm4b:s10+s4], $0x7D0, $0x38;
	[tilespmem:$0x1C020] =	vst v63  }
0x23: {  	_ = 	snop  }
0x24: {  	[tilespmem:s24], [sflag:$0x1] =	stream.linear.gather [hbm4b:s11+s4], $0x7D0, $0x38;
	[tilespmem:$0x1C020] =	vst v63  }
0x25: {  	_ = 	snop  }
0x26: {  	[tilespmem:s25], [sflag:$0x1] =	stream.linear.gather [hbm4b:s12+s4], $0x7D0, $0x38;
	[tilespmem:$0x1C020] =	vst v63  }
0x27: {  	_ = 	snop  }
0x28: {  	[tilespmem:s26], [sflag:$0x1] =	stream.linear.gather [hbm4b:s13+s4], $0x7D0, $0x38;
	[tilespmem:$0x1C020] =	vst v63  }
0x29: {  	_ = 	snop  }
0x2a: {  	[tilespmem:s28], [sflag:$0x1] =	stream.linear.gather [hbm4b:s14+s4], $0x7D0, $0x38;
	[tilespmem:$0x1C020] =	vst v63  }
0x2b: {  	_ = 	snop  }
0x2c: {  	[tilespmem:s29], [sflag:$0x1] =	stream.linear.gather [hbm4b:s15+s4], $0x7D0, $0x38;
	[tilespmem:$0x1C020] =	vst v63  }
0x2d: {  	_ = 	snop  }
0x2e: {  	[tilespmem:s30], [sflag:$0x1] =	stream.linear.gather [hbm4b:s16+s4], $0x7D0, $0x38;
	[tilespmem:$0x1C020] =	vst v63  }
0x2f: {  	s9 =	simm.s32 $0x40;
	s10 =	simm.s32 $0x0  }
0x30: {  	[tilespmem:s31], [sflag:$0x1] =	stream.linear.gather [hbm4b:s17+s4], $0x7D0, $0x38;
	[tilespmem:$0x1C020] =	vst v63  }
.LBB2_2:
0x31: {  	p0 =	sne.s32 s9, $0x9FC0;
	[tilespmem:s10+$0x14820] =	vst v0;
	s10 =	smov.u32 s9;
	s9 =	sadd.s32 $0x40, s9  }
.Ltmp0:
0x32: {  	(pc) =	sbr.rel @p0 .LBB2_2-.Ltmp0, $2  }
0x33: {  	_ =	sdelay $0x2  }
0x34: {  	s10 =	sshra.s32 s10, $0x2  }
0x35: {  	[tilespmem:s10+$0x14820] =	vst v0;
	s9 =	simm.s32 $0x14820  }
0x36: {  	[spmem:s18] =	stream.linear.scatter [tilespmem:s9], [sflag:$0x3], $0x2800, $0x38;
	[tilespmem:$0x1C020] =	vst v63  }
0x37: {  	_ =	swait.ge [sflag:s2], $0x2800  }
0x38: {  	[sflag:s2] =	ssyncset.done $0x0  }
0x39: {  	[sflag:s2] =	ssyncadd.s32 $0xFFFFD800  }
0x3a: {  	_ =	swait.ge [sflag:s0], $0x500  }
0x3b: {  	[sflag:s0] =	ssyncset.done $0x0  }
0x3c: {  	[sflag:s0] =	ssyncadd.s32 $0xFFFFFB00  }
0x3d: {  	_ =	swait.ge [sflag:s0], $0x7D0  }
0x3e: {  	[sflag:s0] =	ssyncset.done $0x0  }
0x3f: {  	[sflag:s0] =	ssyncadd.s32 $0xFFFFF830  }
0x40: {  	_ =	swait.ge [sflag:s0], $0x7D0  }
0x41: {  	[sflag:s0] =	ssyncset.done $0x0  }
0x42: {  	[sflag:s0] =	ssyncadd.s32 $0xFFFFF830  }
0x43: {  	_ =	swait.ge [sflag:s0], $0x7D0  }
0x44: {  	[sflag:s0] =	ssyncset.done $0x0  }
0x45: {  	[sflag:s0] =	ssyncadd.s32 $0xFFFFF830  }
0x46: {  	_ =	swait.ge [sflag:s0], $0x7D0  }
0x47: {  	[sflag:s0] =	ssyncset.done $0x0  }
0x48: {  	[sflag:s0] =	ssyncadd.s32 $0xFFFFF830  }
0x49: {  	_ =	swait.ge [sflag:s0], $0x7D0  }
0x4a: {  	[sflag:s0] =	ssyncset.done $0x0  }
0x4b: {  	[sflag:s0] =	ssyncadd.s32 $0xFFFFF830  }
0x4c: {  	_ =	swait.ge [sflag:s0], $0x7D0  }
0x4d: {  	[sflag:s0] =	ssyncset.done $0x0  }
0x4e: {  	[sflag:s0] =	ssyncadd.s32 $0xFFFFF830  }
0x4f: {  	_ =	swait.ge [sflag:s0], $0x7D0  }
0x50: {  	[sflag:s0] =	ssyncset.done $0x0  }
0x51: {  	[sflag:s0] =	ssyncadd.s32 $0xFFFFF830  }
0x52: {  	_ =	swait.ge [sflag:s0], $0x7D0  }
0x53: {  	[sflag:s0] =	ssyncset.done $0x0  }
0x54: {  	[sflag:s0] =	ssyncadd.s32 $0xFFFFF830  }
0x55: {  	_ =	swait.ge [sflag:s0], $0x7D0  }
0x56: {  	[sflag:s0] =	ssyncset.done $0x0  }
0x57: {  	[sflag:s0] =	ssyncadd.s32 $0xFFFFF830  }
0x58: {  	_ =	swait.ge [sflag:s0], $0x7D0  }
0x59: {  	[sflag:s0] =	ssyncset.done $0x0  }
0x5a: {  	[sflag:s0] =	ssyncadd.s32 $0xFFFFF830  }
0x5b: {  	[bflag:$0x0] =	sbarrier.arrive $0xFFFF  }
0x5c: {  	[tilespmem:s6], [sflag:$0x1] =	stream.indirect.gather [spmem:s1], $0x10, s4, s23, $0xb8;
	[tilespmem:$0x1C020] =	vst v63  }
0x5d: {  	_ =	swait.ge [sflag:s0], $0x7D00  }
0x5e: {  	[sflag:s0] =	ssyncset.done $0x0  }
0x5f: {  	[sflag:s0] =	ssyncadd.s32 $0xFFFF8300  }
0x60: {  	[tilespmem:s7], [sflag:$0x1] =	stream.indirect.gather [spmem:s1], $0x10, s23, s23, $0xb8;
	[tilespmem:$0x1C020] =	vst v63  }
0x61: {  	_ = 	snop  }
0x62: {  	[spmem:s3] =	stream.indirect.scatter.add.f32 [tilespmem:s6], [sflag:$0x2], $0x10, s22, s23, $0xb8;
	[tilespmem:$0x1C020] =	vst v63  }
0x63: {  	_ =	swait.ge [sflag:s8], $0x7D00  }
0x64: {  	[sflag:s8] =	ssyncset.done $0x0  }
0x65: {  	[sflag:s8] =	ssyncadd.s32 $0xFFFF8300  }
0x66: {  	_ =	swait.ge [sflag:s0], $0x7D00  }
0x67: {  	[sflag:s0] =	ssyncset.done $0x0  }
0x68: {  	[sflag:s0] =	ssyncadd.s32 $0xFFFF8300  }
0x69: {  	[tilespmem:s6], [sflag:$0x1] =	stream.indirect.gather [spmem:s1], $0x10, s25, s23, $0xb8;
	[tilespmem:$0x1C020] =	vst v63  }
0x6a: {  	_ = 	snop  }
0x6b: {  	[spmem:s3] =	stream.indirect.scatter.add.f32 [tilespmem:s7], [sflag:$0x2], $0x10, s24, s23, $0xb8;
	[tilespmem:$0x1C020] =	vst v63  }
0x6c: {  	_ =	swait.ge [sflag:s8], $0x7D00  }
0x6d: {  	[sflag:s8] =	ssyncset.done $0x0  }
0x6e: {  	[sflag:s8] =	ssyncadd.s32 $0xFFFF8300  }
0x6f: {  	_ =	swait.ge [sflag:s0], $0x7D00  }
0x70: {  	[sflag:s0] =	ssyncset.done $0x0  }
0x71: {  	[sflag:s0] =	ssyncadd.s32 $0xFFFF8300  }
0x72: {  	[tilespmem:s7], [sflag:$0x1] =	stream.indirect.gather [spmem:s1], $0x10, s28, s23, $0xb8;
	[tilespmem:$0x1C020] =	vst v63  }
0x73: {  	_ = 	snop  }
0x74: {  	[spmem:s3] =	stream.indirect.scatter.add.f32 [tilespmem:s6], [sflag:$0x2], $0x10, s26, s23, $0xb8;
	[tilespmem:$0x1C020] =	vst v63  }
0x75: {  	_ =	swait.ge [sflag:s8], $0x7D00  }
0x76: {  	[sflag:s8] =	ssyncset.done $0x0  }
0x77: {  	[sflag:s8] =	ssyncadd.s32 $0xFFFF8300  }
0x78: {  	_ =	swait.ge [sflag:s0], $0x7D00  }
0x79: {  	[sflag:s0] =	ssyncset.done $0x0  }
0x7a: {  	[sflag:s0] =	ssyncadd.s32 $0xFFFF8300  }
0x7b: {  	[tilespmem:s6], [sflag:$0x1] =	stream.indirect.gather [spmem:s1], $0x10, s30, s23, $0xb8;
	[tilespmem:$0x1C020] =	vst v63  }
0x7c: {  	_ = 	snop  }
0x7d: {  	[spmem:s3] =	stream.indirect.scatter.add.f32 [tilespmem:s7], [sflag:$0x2], $0x10, s29, s23, $0xb8;
	[tilespmem:$0x1C020] =	vst v63  }
0x7e: {  	_ =	swait.ge [sflag:s8], $0x7D00  }
0x7f: {  	[sflag:s8] =	ssyncset.done $0x0  }
0x80: {  	[sflag:s8] =	ssyncadd.s32 $0xFFFF8300  }
0x81: {  	_ =	swait.ge [sflag:s0], $0x7D00  }
0x82: {  	[sflag:s0] =	ssyncset.done $0x0  }
0x83: {  	[sflag:s0] =	ssyncadd.s32 $0xFFFF8300  }
0x84: {  	[spmem:s3] =	stream.indirect.scatter.add.f32 [tilespmem:s6], [sflag:$0x2], $0x10, s31, s23, $0xb8;
	[tilespmem:$0x1C020] =	vst v63  }
0x85: {  	_ =	swait.ge [sflag:s8], $0x7D00  }
0x86: {  	[sflag:s8] =	ssyncset.done $0x0  }
0x87: {  	[sflag:s8] =	ssyncadd.s32 $0xFFFF8300  }
0x88: {  	s5 =	sadd.s32 $0x1, s5;
	[bflag:$0x0] =	sbarrier.arrive $0xFFFF  }
0x89: {  	p0 =	sne.s32 s5, s20;
	s10 =	rddreg [dreg:$0x5]  }
.Ltmp1:
0x8a: {  	s9 =	sor.u32 $0x1C03, s10;
	s10 =	sshrl.u32 s18, $0x3;
	(pc) =	sbr.rel @p0 .LBB2_1-.Ltmp1, $4  }
0x8b: {  	[hbm:s19], [sflag:s9] =	dma.local [spmem:s10], $0x500  }
0x8c: {  	_ =	swait.ge [sflag:s2], $0x500  }
0x8d: {  	[sflag:s2] =	ssyncset.done $0x0  }
0x8e: {  	[sflag:s2] =	ssyncadd.s32 $0xFFFFFB00  }
0x8f: {  	_ =	sfence.sel $0x180000  }
0x90: {  	[bflag:$0x0] =	sbarrier.arrive $0xFFFF  }
0x91: {  	_ =	strace $0x9000004A  }
0x92: {  	s0 =	stileid.u32;
	[bflag:$0x2] =	sbarrier.arrive $0xFFFF  }
0x93: {  	p0 =	sne.s32 s0, $0x0;
	s0 =	rddreg [dreg:$0x4]  }
0x94: {  	s0 =	sadd.s32 @!p0 $0x100000, s0  }
0x95: {  	[sflag:s0] =	ssyncadd.tile.s32 @!p0 $0x1;
	_ =	shalt  }
.Lfunc_end2:
_tile_overlayer_lowered:
.L_overlay_start_2:
0x96: {  	(tag) =	ssettag $0x2  }
0x97: {  	s0 =	rddreg [dreg:$0x0];
	s2 =	stileid.u32  }
0x98: {  	s1 =	rddreg [dreg:$0x1];
	p0 =	sne.s32 s2, $0x0  }
0x99: {  	s3 =	rddreg [dreg:$0x2];
	[bflag:$0x3] =	sbarrier.arrive $0xFFFF;
	s2 =	simm.s32 @!p0 $0x1C03  }
0x9a: {  	[timem:s3], [sflag:s2] =	dma.local @!p0 [hbm:s0], s1  }
0x9b: {  	s0 =	simm.s32 @!p0 $0x3  }
0x9c: {  	_ =	swait.ge @!p0 [sflag:s0], s1  }
0x9d: {  	s1 =	ssub.s32 @!p0 $0x0, s1;
	[sflag:s0] =	ssyncset.done @!p0 $0x0  }
0x9e: {  	[sflag:s0] =	ssyncadd.s32 @!p0 s1  }
0x9f: {  	[bflag:$0x3] =	sbarrier.arrive $0xFFFF  }
0xa0: {  	_ =	shalt  }

// kernel: kernel.16.cloned.1.call-start
scs
__scs_entry_jumppad:
0x0: {  	(pc) =	sbr.rel $0x88, $3  }
0x1: {  	(tag) =	ssettag $0x0;
	lr =	simm.s32 $0x1  }
0x2: {  	[smem:$0x3F99] =	sst lr;
	_ =	strace $0xD0000000  }
0x3: {  	_ = 	snop  }
0x4: {  	_ = 	snop  }
0x5: {  	_ = 	snop  }
0x6: {  	_ = 	snop  }
0x7: {  	_ = 	snop  }
__scs_overlays_trampoline_lowered:
0x8: {  	[smem:$0x3FA8] =	sst s0  }
0x9: {  	[smem:$0x3FA9] =	sst s1  }
0xa: {  	[smem:$0x3FAA] =	sst s2  }
0xb: {  	[smem:$0x3FAB] =	sst s3  }
0xc: {  	[smem:$0x3FAC] =	sst s4  }
0xd: {  	[smem:$0x3FAD] =	sst s5  }
0xe: {  	[smem:$0x3FAE] =	sst s6  }
0xf: {  	[smem:$0x3FAF] =	sst s7  }
0x10: {  	[smem:$0x3FB0] =	sst s8  }
0x11: {  	[smem:$0x3FB1] =	sst s9;
	s0 =	simm.s32 @!p0 $0x0  }
0x12: {  	s1 =	sld [smem:$0x3F97];
	s0 =	simm.s32 @p0 $0x1  }
0x13: {  	[smem:$0x3FB2] =	sst s0;
	s0 =	simm.s32 @!p1 $0x0  }
0x14: {  	s2 =	sld [smem:$0x3F96];
	s0 =	simm.s32 @p1 $0x1  }
0x15: {  	[smem:$0x3FB3] =	sst s0;
	s0 =	simm.s32 @!p2 $0x0  }
0x16: {  	s3 =	sld [smem:$0x3FDB];
	s0 =	simm.s32 @p2 $0x1  }
0x17: {  	s4 =	simm.s32 $0x1BF5;
	[smem:$0x3FB5] =	sst s0  }
0x18: {  	s0 =	sld [smem:$0x3F98];
	_ =	swait.ge [sflag:s4], $0x0  }
0x19: {  	s7 =	sld [smem:$0x3F99]  }
0x1a: {  	s8 =	sadd.s32 $0xFFFFE003, lr  }
0x1b: {  	s9 =	sadd.s32 $0xFFFFFEF7, lr;
	s5 =	simm.s32 $0xFFFFFFFF;
	p2 =	slt.u32 s8, $0xFFFFF086  }
0x1c: {  	p1 =	slt.u32 s9, $0xF7A;
	s5 =	simm.s32 @!p2 $0x0  }
0x1d: {  	s5 =	simm.s32 @p1 $0x1;
	p0 =	seq.s32 s7, s2  }
0x1e: {  	s7 =	smul.u32 @!p0 $0xF7A, s2;
	p2 =	seq.s32 @!p0 s5, $0x0  }
0x1f: {  	s9 =	smul.u32 $0xF7A, s1;
	s8 =	simm.s32 @!p0 $0x1BF5;
	p2 =	por !p2, p0  }
0x20: {  	[sflag:s8] =	ssyncset.s32 @!p0 $0xFFFFF086;
	s6 =	sadd.s32 @!p0 s3, s7;
	s7 =	simm.s32 @!p0 $0x108  }
0x21: {  	s3 =	sadd.s32 s3, s9;
	s6 =	sadd.s32 @!p0 $0x88, s6;
	s7 =	simm.s32 @p2 $0x1082  }
0x22: {  	[simem:s7], [sflag:s8] =	dma.local @!p0 [hbm:s6], $0xF7A  }
0x23: {  	s9 =	sor.u32 $0xD0000000, s2;
	s6 =	simm.s32 $0x108;
	_ =	swait.ge @!p0 [sflag:s8], $0x0  }
0x24: {  	s3 =	sadd.s32 $0x88, s3;
	s6 =	simm.s32 @!p1 $0x1082;
	[sflag:s4] =	ssyncset.s32 $0xFFFFF086  }
0x25: {  	[simem:s6], [sflag:s4] =	dma.local [hbm:s3], $0xF7A  }
0x26: {  	[smem:$0x3F99] =	sst s1;
	(tag) =	ssettag s2;
	_ =	strace s9  }
0x27: {  	s1 =	sld [smem:$0x3FA9]  }
0x28: {  	s2 =	sld [smem:$0x3FAA]  }
0x29: {  	s4 =	sld [smem:$0x3FAC]  }
0x2a: {  	p0 =	seq.s32 s5, $0x0;
	s5 =	sld [smem:$0x3FAD]  }
0x2b: {  	s6 =	sld [smem:$0x3FAE]  }
0x2c: {  	s7 =	sld [smem:$0x3FAF]  }
0x2d: {  	s3 =	simm.s32 $0x108;
	s8 =	sld [smem:$0x3FB0]  }
0x2e: {  	s3 =	simm.s32 @!p0 $0x1082;
	s9 =	sld [smem:$0x3FB1]  }
0x2f: {  	lr =	sadd.s32 s0, s3;
	s0 =	sld [smem:$0x3FA8]  }
0x30: {  	s3 =	sld [smem:$0x3FAB]  }
0x31: {  	[smem:$0x3FB4] =	sst s10  }
0x32: {  	s10 =	sld [smem:$0x3FB2];
	_ =	sdelay $0x3  }
0x33: {  	p0 =	seq.s32 s10, $0x1;
	s10 =	sld [smem:$0x3FB4];
	_ =	sdelay $0x3  }
0x34: {  	[smem:$0x3FB4] =	sst s10  }
0x35: {  	s10 =	sld [smem:$0x3FB3];
	_ =	sdelay $0x3  }
0x36: {  	p1 =	seq.s32 s10, $0x1;
	s10 =	sld [smem:$0x3FB4];
	_ =	sdelay $0x3  }
0x37: {  	[smem:$0x3FB4] =	sst s10  }
0x38: {  	s10 =	sld [smem:$0x3FB5]  }
0x39: {  	_ = 	snop;
	(pc) =	sbr.ind lr, $3  }
0x3a: {  	_ = 	snop  }
0x3b: {  	_ = 	snop  }
0x3c: {  	p2 =	seq.s32 s10, $0x1;
	s10 =	sld [smem:$0x3FB4]  }
0x3d: {  	_ =	shalt  }
0x3e: {  	_ =	shalt  }
0x3f: {  	_ =	shalt  }
0x40: {  	_ =	shalt  }
0x41: {  	_ =	shalt  }
0x42: {  	_ =	shalt  }
0x43: {  	_ =	shalt  }
0x44: {  	_ =	shalt  }
0x45: {  	_ =	shalt  }
0x46: {  	_ =	shalt  }
0x47: {  	_ =	shalt  }
0x48: {  	_ =	shalt  }
0x49: {  	_ =	shalt  }
0x4a: {  	_ =	shalt  }
0x4b: {  	_ =	shalt  }
0x4c: {  	_ =	shalt  }
0x4d: {  	_ =	shalt  }
0x4e: {  	_ =	shalt  }
0x4f: {  	_ =	shalt  }
0x50: {  	_ =	shalt  }
0x51: {  	_ =	shalt  }
0x52: {  	_ =	shalt  }
0x53: {  	_ =	shalt  }
0x54: {  	_ =	shalt  }
0x55: {  	_ =	shalt  }
0x56: {  	_ =	shalt  }
0x57: {  	_ =	shalt  }
0x58: {  	_ =	shalt  }
0x59: {  	_ =	shalt  }
0x5a: {  	_ =	shalt  }
0x5b: {  	_ =	shalt  }
0x5c: {  	_ =	shalt  }
0x5d: {  	_ =	shalt  }
0x5e: {  	_ =	shalt  }
0x5f: {  	_ =	shalt  }
0x60: {  	_ =	shalt  }
0x61: {  	_ =	shalt  }
0x62: {  	_ =	shalt  }
0x63: {  	_ =	shalt  }
0x64: {  	_ =	shalt  }
0x65: {  	_ =	shalt  }
0x66: {  	_ =	shalt  }
0x67: {  	_ =	shalt  }
0x68: {  	_ =	shalt  }
0x69: {  	_ =	shalt  }
0x6a: {  	_ =	shalt  }
0x6b: {  	_ =	shalt  }
0x6c: {  	_ =	shalt  }
0x6d: {  	_ =	shalt  }
0x6e: {  	_ =	shalt  }
0x6f: {  	_ =	shalt  }
0x70: {  	_ =	shalt  }
0x71: {  	_ =	shalt  }
0x72: {  	_ =	shalt  }
0x73: {  	_ =	shalt  }
0x74: {  	_ =	shalt  }
0x75: {  	_ =	shalt  }
0x76: {  	_ =	shalt  }
0x77: {  	_ =	shalt  }
0x78: {  	_ =	shalt  }
0x79: {  	_ =	shalt  }
0x7a: {  	_ =	shalt  }
0x7b: {  	_ =	shalt  }
0x7c: {  	_ =	shalt  }
0x7d: {  	_ =	shalt  }
0x7e: {  	_ =	shalt  }
0x7f: {  	_ =	shalt  }
0x80: {  	_ =	shalt  }
0x81: {  	_ =	shalt  }
0x82: {  	_ =	shalt  }
0x83: {  	_ =	shalt  }
0x84: {  	_ =	shalt  }
0x85: {  	_ =	shalt  }
0x86: {  	_ =	shalt  }
0x87: {  	_ =	shalt  }
.Lfunc_end0:
.L_simem_size_0:
called_computation.2_lowered:
.L_overlay_start_0:
0x88: {  	s2 =	sld [smem:$0x3FD9]  }
0x89: {  	s3 =	sld [smem:$0x3FFE];
	_ =	sdelay $0x1  }
0x8a: {  	s1 =	srdreg.scid  }
0x8b: {  	s0 =	sand.u32 $0x1, s1  }
0x8c: {  	s17 =	sshll.u32 s0, $0xA;
	s2 =	sadd.s32 s3, s2  }
0x8d: {  	s2 =	sadd.s32 s2, s17  }
0x8e: {  	[smem:$0x3FC0] =	sst s2  }
0x8f: {  	_ = 	snop  }
0x90: {  	s2 =	sld [smem:$0x3FD0];
	(tm) =	ssettm $0x1  }
0x91: {  	s18 =	sld [smem:$0x3FFB];
	_ =	sdelay $0x3  }
0x92: {  	_ =	strace s18  }
0x93: {  	s3 =	sld [smem:$0x3FFC];
	_ =	sdelay $0x3  }
0x94: {  	_ =	strace s3  }
0x95: {  	s3 =	sld [smem:$0x3FFD];
	_ =	sdelay $0x3  }
0x96: {  	_ =	strace s3  }
0x97: {  	_ =	strace $0x8FFFFFFF  }
0x98: {  	s19 =	sld [smem:$0x3FDB];
	_ =	sdelay $0x1  }
0x99: {  	s4 =	simm.s32 $_scs_section_size  }
0x9a: {  	s5 =	simm.s32 $_size__tile_overlayer_lowered;
	s6 =	simm.s32 $_tile_overlayer_lowered  }
0x9b: {  	s22 =	simm.s32 $0x1BFF;
	s21 =	sshll.u32 s6, $0x1;
	s3 =	sadd.s32 s4, s19  }
0x9c: {  	s7 =	simm.s32 $0x0;
	s20 =	sshll.u32 s5, $0x1;
	s5 =	sadd.s32 s21, s3  }
0x9d: {  	[timem:s7], [sflag:s22] =	dma.local [hbm:s5], s20  }
0x9e: {  	_ =	swait.ge [sflag:s22], s20  }
0x9f: {  	s4 =	ssub.s32 $0x0, s20;
	[sflag:s22] =	ssyncset.done $0x0  }
0xa0: {  	[sflag:s22] =	ssyncadd.s32 s4;
	_ =	sdelay $0x1  }
0xa1: {  	s23 =	simm.s32 $0x1B8B  }
0xa2: {  	_ =	swait.ge [sflag:s23], $0x1  }
0xa3: {  	[sflag:s23] =	ssyncset.done $0x0  }
0xa4: {  	s25 =	simm.s32 $0x1B8E;
	s24 =	sld [smem:$0x3FFE];
	[sflag:s23] =	ssyncadd.s32 $0xFFFFFFFF  }
0xa5: {  	s26 =	simm.s32 $execute0_lowered;
	[smem:$0x3FD2] =	sst s25  }
0xa6: {  	s5 =	sshll.u32 s26, $0x1;
	_ =	strace $0x8000004C;
	[dreg:$0x1] =	wrdreg $0xFFFFFFFF  }
0xa7: {  	s28 =	simm.s32 $_size_execute0_lowered;
	s3 =	sadd.s32 s3, s5;
	[dreg:$0x0] =	wrdreg $0x0  }
0xa8: {  	s5 =	sshll.u32 s28, $0x1;
	[dreg:$0x2] =	wrdreg s3  }
0xa9: {  	[dreg:$0x3] =	wrdreg s5  }
0xaa: {  	[dreg:$0x4] =	wrdreg $0xC0  }
0xab: {  	_ =	task [dreg:s7], $0x5FFFF  }
0xac: {  	[dreg:$0x1] =	wrdreg $0xFFFFFFFF  }
0xad: {  	[dreg:$0x0] =	wrdreg $0x60  }
0xae: {  	[dreg:$0x2] =	wrdreg s24  }
0xaf: {  	[dreg:$0x3] =	wrdreg s2  }
0xb0: {  	[dreg:$0x4] =	wrdreg $0x198200  }
0xb1: {  	[dreg:$0x5] =	wrdreg $0x170200  }
0xb2: {  	[dreg:$0x6] =	wrdreg $0x9  }
0xb3: {  	_ =	task.clear_ibuf [dreg:s7], $0x7FFFF;
	_ =	strace $0x9000004C  }
0xb4: {  	s29 =	simm.s32 $0x9;
	_ =	strace $0x8000004E  }
0xb5: {  	_ =	swait.ge [sflag:s29], $0x1  }
0xb6: {  	[sflag:s29] =	ssyncadd.s32 $0xFFFFFFFF  }
0xb7: {  	_ =	strace $0x9000004E  }
0xb8: {  	_ =	sfence  }
0xb9: {  	s30 =	sld [smem:$0x0];
	_ =	sdelay $0x2  }
0xba: {  	s31 =	sshll.u32 s1, $0xD;
	s1 =	sshrl.u32 s1, $0x2  }
0xbb: {  	s3 =	sand.u32 $0x4000, s31;
	s1 =	sadd.s32 s1, s30  }
0xbc: {  	s0 =	sor.u32 s3, s0;
	s1 =	sshll.u32 s1, $0x11  }
0xbd: {  	s0 =	sor.u32 s1, s0  }
0xbe: {  	s0 =	sadd.s32 $0x8F2B, s0  }
0xbf: {  	[sflag:s0] =	ssyncadd.remote.s32 $0x1  }
0xc0: {  	_ =	sfence.sel $0xFFFF  }
0xc1: {  	[dreg:$0x0] =	wrdreg $0xFFFFFFFF;
	(pc) =	sbr.abs _section_cstart, $3  }
0xc2: {  	[dreg:$0x1] =	wrdreg $0xFFFFFFFF  }
0xc3: {  	_ =	task.clear_ibuf [dreg:s7], $0x2FFFF;
	_ =	strace $0x9FFFFFFF  }
0xc4: {  	(tm) =	ssettm $0x7FFFFFFF  }
0xc5: {  	_ =	shalt  }
tec
execute0_lowered:
.L_overlay_start_1:
0x0: {  	(tag) =	ssettag $0x1  }
0x1: {  	s0 =	rddreg [dreg:$0x0]  }
0x2: {  	s2 =	rddreg [dreg:$0x1]  }
0x3: {  	s1 =	rddreg [dreg:$0x2]  }
0x4: {  	s3 =	rddreg [dreg:$0x3];
	s4 =	simm.s32 $0x0  }
0x5: {  	s11 =	stileid.u32;
	s6 =	srdreg.scid;
	s28 =	simm.s32 $0x1770  }
0x6: {  	s29 =	simm.s32 $0x3E80;
	s30 =	simm.s32 $0x1F40;
	s31 =	simm.s32 $0x4650  }
0x7: {  	[smem:$0x7FF] =	sst s4;
	s5 =	smul.u32 $0x2800, s11;
	s6 =	sand.u32 $0x1, s6  }
0x8: {  	s7 =	sshll.u32 s11, $0x1;
	s16 =	sadd.s32 $0x3200, s0;
	s11 =	sshll.u32 s11, $0x6  }
0x9: {  	_ =	strace $0x8000004D;
	s9 =	ssub.s32 $0x2, s6;
	s7 =	sor.u32 s6, s7  }
0xa: {  	[dreg:$0x5] =	wrdreg s11;
	s20 =	sor.u32 $0x1C01, s11;
	s6 =	smul.u32 $0x28000, s6  }
0xb: {  	s8 =	sshrl.u32 s5, $0x3;
	s10 =	sshrl.u32 s9, $0x1;
	s7 =	smul.u32 $0x2710, s7  }
0xc: {  	[dreg:$0x7] =	wrdreg s20;
	s18 =	sadd.s32 s5, s3;
	s8 =	sadd.s32 s8, s0  }
0xd: {  	s0 =	sadd.s32 $0xD000, s0;
	s9 =	ssub.s32 s9, s10;
	s10 =	sadd.s32 s5, s1  }
0xe: {  	s6 =	sadd.s32 s5, s6;
	s5 =	simm.s32 $0x0;
	s7 =	sshrl.u32 s7, $0x3  }
0xf: {  	s8 =	sadd.s32 $0x16E00, s8;
	s6 =	sshrl.u32 s6, $0x3;
	s20 =	smax.u32 s9, $0x1  }
0x10: {  	[dreg:$0x6] =	wrdreg s8;
	s21 =	sadd.s32 $0xFA, s7;
	s22 =	sadd.s32 s16, s7  }
0x11: {  	s23 =	sadd.s32 s0, s7;
	s25 =	sadd.s32 $0x1F4, s7;
	s26 =	sadd.s32 $0x2EE, s7  }
0x12: {  	s7 =	sadd.s32 $0x3E8, s7;
	s19 =	sadd.s32 s2, s6;
	s2 =	simm.s32 $0x3  }
0x13: {  	s6 =	simm.s32 $0x4E20;
	s8 =	simm.s32 $0x2;
	[dreg:$0x8] =	wrdreg s22  }
0x14: {  	[dreg:$0x9] =	wrdreg s23;
	s24 =	sadd.s32 s16, s21;
	s11 =	sadd.s32 s0, s21  }
0x15: {  	s12 =	sadd.s32 s16, s25;
	s13 =	sadd.s32 s0, s25;
	s14 =	sadd.s32 s16, s26  }
0x16: {  	s15 =	sadd.s32 s0, s26;
	s16 =	sadd.s32 s16, s7;
	s17 =	sadd.s32 s0, s7  }
0x17: {  	s21 =	sshrl.u32 s10, $0x3;
	s22 =	simm.s32 $0x2710;
	s23 =	simm.s32 $0x7D0  }
0x18: {  	s25 =	simm.s32 $0xFA0;
	s26 =	simm.s32 $0x36B0;
	s0 =	simm.s32 $0x1  }
0x19: {  	v0 =	vimm.f32 $0.0e+00;
	s7 =	simm.s32 $0xCB20;
	[dreg:$0xa] =	wrdreg s24;
	s24 =	simm.s32 $0x2EE0  }
.LBB2_1:
0x1a: {  	s9 =	rddreg [dreg:$0x6]  }
0x1b: {  	s10 =	rddreg [dreg:$0x7]  }
0x1c: {  	[spmem:s21], [sflag:s10] =	dma.local [hbm:s9], $0x500  }
0x1d: {  	s9 =	rddreg [dreg:$0x8]  }
0x1e: {  	[tilespmem:s4], [sflag:$0x1] =	stream.linear.gather [hbm4b:s9+s4], $0x7D0, $0x38;
	[tilespmem:$0x1C020] =	vst v63  }
0x1f: {  	s10 =	rddreg [dreg:$0x9]  }
0x20: {  	[tilespmem:s22], [sflag:$0x1] =	stream.linear.gather [hbm4b:s10+s4], $0x7D0, $0x38;
	[tilespmem:$0x1C020] =	vst v63  }
0x21: {  	s10 =	rddreg [dreg:$0xa]  }
0x22: {  	[tilespmem:s23], [sflag:$0x1] =	stream.linear.gather [hbm4b:s10+s4], $0x7D0, $0x38;
	[tilespmem:$0x1C020] =	vst v63  }
0x23: {  	_ = 	snop  }
0x24: {  	[tilespmem:s24], [sflag:$0x1] =	stream.linear.gather [hbm4b:s11+s4], $0x7D0, $0x38;
	[tilespmem:$0x1C020] =	vst v63  }
0x25: {  	_ = 	snop  }
0x26: {  	[tilespmem:s25], [sflag:$0x1] =	stream.linear.gather [hbm4b:s12+s4], $0x7D0, $0x38;
	[tilespmem:$0x1C020] =	vst v63  }
0x27: {  	_ = 	snop  }
0x28: {  	[tilespmem:s26], [sflag:$0x1] =	stream.linear.gather [hbm4b:s13+s4], $0x7D0, $0x38;
	[tilespmem:$0x1C020] =	vst v63  }
0x29: {  	_ = 	snop  }
0x2a: {  	[tilespmem:s28], [sflag:$0x1] =	stream.linear.gather [hbm4b:s14+s4], $0x7D0, $0x38;
	[tilespmem:$0x1C020] =	vst v63  }
0x2b: {  	_ = 	snop  }
0x2c: {  	[tilespmem:s29], [sflag:$0x1] =	stream.linear.gather [hbm4b:s15+s4], $0x7D0, $0x38;
	[tilespmem:$0x1C020] =	vst v63  }
0x2d: {  	_ = 	snop  }
0x2e: {  	[tilespmem:s30], [sflag:$0x1] =	stream.linear.gather [hbm4b:s16+s4], $0x7D0, $0x38;
	[tilespmem:$0x1C020] =	vst v63  }
0x2f: {  	s9 =	simm.s32 $0x40;
	s10 =	simm.s32 $0x0  }
0x30: {  	[tilespmem:s31], [sflag:$0x1] =	stream.linear.gather [hbm4b:s17+s4], $0x7D0, $0x38;
	[tilespmem:$0x1C020] =	vst v63  }
.LBB2_2:
0x31: {  	p0 =	sne.s32 s9, $0x9FC0;
	[tilespmem:s10+$0x14820] =	vst v0;
	s10 =	smov.u32 s9;
	s9 =	sadd.s32 $0x40, s9  }
.Ltmp0:
0x32: {  	(pc) =	sbr.rel @p0 .LBB2_2-.Ltmp0, $2  }
0x33: {  	_ =	sdelay $0x2  }
0x34: {  	s10 =	sshra.s32 s10, $0x2  }
0x35: {  	[tilespmem:s10+$0x14820] =	vst v0;
	s9 =	simm.s32 $0x14820  }
0x36: {  	[spmem:s18] =	stream.linear.scatter [tilespmem:s9], [sflag:$0x3], $0x2800, $0x38;
	[tilespmem:$0x1C020] =	vst v63  }
0x37: {  	_ =	swait.ge [sflag:s2], $0x2800  }
0x38: {  	[sflag:s2] =	ssyncset.done $0x0  }
0x39: {  	[sflag:s2] =	ssyncadd.s32 $0xFFFFD800  }
0x3a: {  	_ =	swait.ge [sflag:s0], $0x500  }
0x3b: {  	[sflag:s0] =	ssyncset.done $0x0  }
0x3c: {  	[sflag:s0] =	ssyncadd.s32 $0xFFFFFB00  }
0x3d: {  	_ =	swait.ge [sflag:s0], $0x7D0  }
0x3e: {  	[sflag:s0] =	ssyncset.done $0x0  }
0x3f: {  	[sflag:s0] =	ssyncadd.s32 $0xFFFFF830  }
0x40: {  	_ =	swait.ge [sflag:s0], $0x7D0  }
0x41: {  	[sflag:s0] =	ssyncset.done $0x0  }
0x42: {  	[sflag:s0] =	ssyncadd.s32 $0xFFFFF830  }
0x43: {  	_ =	swait.ge [sflag:s0], $0x7D0  }
0x44: {  	[sflag:s0] =	ssyncset.done $0x0  }
0x45: {  	[sflag:s0] =	ssyncadd.s32 $0xFFFFF830  }
0x46: {  	_ =	swait.ge [sflag:s0], $0x7D0  }
0x47: {  	[sflag:s0] =	ssyncset.done $0x0  }
0x48: {  	[sflag:s0] =	ssyncadd.s32 $0xFFFFF830  }
0x49: {  	_ =	swait.ge [sflag:s0], $0x7D0  }
0x4a: {  	[sflag:s0] =	ssyncset.done $0x0  }
0x4b: {  	[sflag:s0] =	ssyncadd.s32 $0xFFFFF830  }
0x4c: {  	_ =	swait.ge [sflag:s0], $0x7D0  }
0x4d: {  	[sflag:s0] =	ssyncset.done $0x0  }
0x4e: {  	[sflag:s0] =	ssyncadd.s32 $0xFFFFF830  }
0x4f: {  	_ =	swait.ge [sflag:s0], $0x7D0  }
0x50: {  	[sflag:s0] =	ssyncset.done $0x0  }
0x51: {  	[sflag:s0] =	ssyncadd.s32 $0xFFFFF830  }
0x52: {  	_ =	swait.ge [sflag:s0], $0x7D0  }
0x53: {  	[sflag:s0] =	ssyncset.done $0x0  }
0x54: {  	[sflag:s0] =	ssyncadd.s32 $0xFFFFF830  }
0x55: {  	_ =	swait.ge [sflag:s0], $0x7D0  }
0x56: {  	[sflag:s0] =	ssyncset.done $0x0  }
0x57: {  	[sflag:s0] =	ssyncadd.s32 $0xFFFFF830  }
0x58: {  	_ =	swait.ge [sflag:s0], $0x7D0  }
0x59: {  	[sflag:s0] =	ssyncset.done $0x0  }
0x5a: {  	[sflag:s0] =	ssyncadd.s32 $0xFFFFF830  }
0x5b: {  	[bflag:$0x0] =	sbarrier.arrive $0xFFFF  }
0x5c: {  	[tilespmem:s6], [sflag:$0x1] =	stream.indirect.gather [spmem:s1], $0x10, s4, s23, $0xb8;
	[tilespmem:$0x1C020] =	vst v63  }
0x5d: {  	_ =	swait.ge [sflag:s0], $0x7D00  }
0x5e: {  	[sflag:s0] =	ssyncset.done $0x0  }
0x5f: {  	[sflag:s0] =	ssyncadd.s32 $0xFFFF8300  }
0x60: {  	[tilespmem:s7], [sflag:$0x1] =	stream.indirect.gather [spmem:s1], $0x10, s23, s23, $0xb8;
	[tilespmem:$0x1C020] =	vst v63  }
0x61: {  	_ = 	snop  }
0x62: {  	[spmem:s3] =	stream.indirect.scatter.add.f32 [tilespmem:s6], [sflag:$0x2], $0x10, s22, s23, $0xb8;
	[tilespmem:$0x1C020] =	vst v63  }
0x63: {  	_ =	swait.ge [sflag:s8], $0x7D00  }
0x64: {  	[sflag:s8] =	ssyncset.done $0x0  }
0x65: {  	[sflag:s8] =	ssyncadd.s32 $0xFFFF8300  }
0x66: {  	_ =	swait.ge [sflag:s0], $0x7D00  }
0x67: {  	[sflag:s0] =	ssyncset.done $0x0  }
0x68: {  	[sflag:s0] =	ssyncadd.s32 $0xFFFF8300  }
0x69: {  	[tilespmem:s6], [sflag:$0x1] =	stream.indirect.gather [spmem:s1], $0x10, s25, s23, $0xb8;
	[tilespmem:$0x1C020] =	vst v63  }
0x6a: {  	_ = 	snop  }
0x6b: {  	[spmem:s3] =	stream.indirect.scatter.add.f32 [tilespmem:s7], [sflag:$0x2], $0x10, s24, s23, $0xb8;
	[tilespmem:$0x1C020] =	vst v63  }
0x6c: {  	_ =	swait.ge [sflag:s8], $0x7D00  }
0x6d: {  	[sflag:s8] =	ssyncset.done $0x0  }
0x6e: {  	[sflag:s8] =	ssyncadd.s32 $0xFFFF8300  }
0x6f: {  	_ =	swait.ge [sflag:s0], $0x7D00  }
0x70: {  	[sflag:s0] =	ssyncset.done $0x0  }
0x71: {  	[sflag:s0] =	ssyncadd.s32 $0xFFFF8300  }
0x72: {  	[tilespmem:s7], [sflag:$0x1] =	stream.indirect.gather [spmem:s1], $0x10, s28, s23, $0xb8;
	[tilespmem:$0x1C020] =	vst v63  }
0x73: {  	_ = 	snop  }
0x74: {  	[spmem:s3] =	stream.indirect.scatter.add.f32 [tilespmem:s6], [sflag:$0x2], $0x10, s26, s23, $0xb8;
	[tilespmem:$0x1C020] =	vst v63  }
0x75: {  	_ =	swait.ge [sflag:s8], $0x7D00  }
0x76: {  	[sflag:s8] =	ssyncset.done $0x0  }
0x77: {  	[sflag:s8] =	ssyncadd.s32 $0xFFFF8300  }
0x78: {  	_ =	swait.ge [sflag:s0], $0x7D00  }
0x79: {  	[sflag:s0] =	ssyncset.done $0x0  }
0x7a: {  	[sflag:s0] =	ssyncadd.s32 $0xFFFF8300  }
0x7b: {  	[tilespmem:s6], [sflag:$0x1] =	stream.indirect.gather [spmem:s1], $0x10, s30, s23, $0xb8;
	[tilespmem:$0x1C020] =	vst v63  }
0x7c: {  	_ = 	snop  }
0x7d: {  	[spmem:s3] =	stream.indirect.scatter.add.f32 [tilespmem:s7], [sflag:$0x2], $0x10, s29, s23, $0xb8;
	[tilespmem:$0x1C020] =	vst v63  }
0x7e: {  	_ =	swait.ge [sflag:s8], $0x7D00  }
0x7f: {  	[sflag:s8] =	ssyncset.done $0x0  }
0x80: {  	[sflag:s8] =	ssyncadd.s32 $0xFFFF8300  }
0x81: {  	_ =	swait.ge [sflag:s0], $0x7D00  }
0x82: {  	[sflag:s0] =	ssyncset.done $0x0  }
0x83: {  	[sflag:s0] =	ssyncadd.s32 $0xFFFF8300  }
0x84: {  	[spmem:s3] =	stream.indirect.scatter.add.f32 [tilespmem:s6], [sflag:$0x2], $0x10, s31, s23, $0xb8;
	[tilespmem:$0x1C020] =	vst v63  }
0x85: {  	_ =	swait.ge [sflag:s8], $0x7D00  }
0x86: {  	[sflag:s8] =	ssyncset.done $0x0  }
0x87: {  	[sflag:s8] =	ssyncadd.s32 $0xFFFF8300  }
0x88: {  	s5 =	sadd.s32 $0x1, s5;
	[bflag:$0x0] =	sbarrier.arrive $0xFFFF  }
0x89: {  	p0 =	sne.s32 s5, s20;
	s10 =	rddreg [dreg:$0x5]  }
.Ltmp1:
0x8a: {  	s9 =	sor.u32 $0x1C03, s10;
	s10 =	sshrl.u32 s18, $0x3;
	(pc) =	sbr.rel @p0 .LBB2_1-.Ltmp1, $4  }
0x8b: {  	[hbm:s19], [sflag:s9] =	dma.local [spmem:s10], $0x500  }
0x8c: {  	_ =	swait.ge [sflag:s2], $0x500  }
0x8d: {  	[sflag:s2] =	ssyncset.done $0x0  }
0x8e: {  	[sflag:s2] =	ssyncadd.s32 $0xFFFFFB00  }
0x8f: {  	_ =	sfence.sel $0x180000  }
0x90: {  	[bflag:$0x0] =	sbarrier.arrive $0xFFFF  }
0x91: {  	_ =	strace $0x9000004D  }
0x92: {  	s0 =	stileid.u32;
	[bflag:$0x2] =	sbarrier.arrive $0xFFFF  }
0x93: {  	p0 =	sne.s32 s0, $0x0;
	s0 =	rddreg [dreg:$0x4]  }
0x94: {  	s0 =	sadd.s32 @!p0 $0x100000, s0  }
0x95: {  	[sflag:s0] =	ssyncadd.tile.s32 @!p0 $0x1;
	_ =	shalt  }
.Lfunc_end2:
_tile_overlayer_lowered:
.L_overlay_start_2:
0x96: {  	(tag) =	ssettag $0x2  }
0x97: {  	s0 =	rddreg [dreg:$0x0];
	s2 =	stileid.u32  }
0x98: {  	s1 =	rddreg [dreg:$0x1];
	p0 =	sne.s32 s2, $0x0  }
0x99: {  	s3 =	rddreg [dreg:$0x2];
	[bflag:$0x3] =	sbarrier.arrive $0xFFFF;
	s2 =	simm.s32 @!p0 $0x1C03  }
0x9a: {  	[timem:s3], [sflag:s2] =	dma.local @!p0 [hbm:s0], s1  }
0x9b: {  	s0 =	simm.s32 @!p0 $0x3  }
0x9c: {  	_ =	swait.ge @!p0 [sflag:s0], s1  }
0x9d: {  	s1 =	ssub.s32 @!p0 $0x0, s1;
	[sflag:s0] =	ssyncset.done @!p0 $0x0  }
0x9e: {  	[sflag:s0] =	ssyncadd.s32 @!p0 s1  }
0x9f: {  	[bflag:$0x3] =	sbarrier.arrive $0xFFFF  }
0xa0: {  	_ =	shalt  }

</sc_bundles>
